<compile_context>
chip_gen: v7x
topology: tpu7x:2x2x1
jax: 0.10.2.dev20260603
libtpu: 0.0.44.dev20260713+nightly
codegen_flags: <defaults>
</compile_context>

<pallas_src>
import functools

import jax
import jax.numpy as jnp
from jax import lax
from jax.experimental import pallas as pl
from jax.experimental.pallas import tpu as pltpu
from jax.experimental.pallas import tpu_sc as plsc

N_ROWS = 1_000_000
EMB_DIM = 32
BATCH = 16384

_info = plsc.get_sparse_core_info()
_NC, _NS = _info.num_cores, _info.num_subcores
_NW = _NC * _NS
_BPW = BATCH // _NW
_CHUNK = 256
_NCHUNKS = 3 * _BPW // _CHUNK
_SROWS = 192
_DROWS = _CHUNK - _SROWS
_NBUF = 3
_NDSEM = 4
_UNROLL = 8


def _build():
    mesh = plsc.VectorSubcoreMesh(core_axis_name="c", subcore_axis_name="s")
    out_sds = jax.ShapeDtypeStruct((BATCH, EMB_DIM), jnp.float32)

    @functools.partial(
        pl.kernel,
        out_type=(out_sds, out_sds, out_sds),
        mesh=mesh,
        scratch_types=[
            pltpu.SMEM((3 * _BPW,), jnp.int32),
            pltpu.VMEM_SHARED((_NS * 3 * _BPW,), jnp.int32),
            [pltpu.VMEM((_SROWS, EMB_DIM), jnp.float32)
             for _ in range(_NBUF)],
            [pltpu.SemaphoreType.DMA for _ in range(_NBUF)],
            [pltpu.SemaphoreType.DMA for _ in range(_NBUF)],
            [pltpu.SemaphoreType.DMA for _ in range(_NDSEM)],
        ],
    )
    def gather3(table, u_hbm, p_hbm, n_hbm, out_u, out_p, out_n, idx_s,
                idx_sh, bufs, sem_g, sem_s, sem_d):
        cid = lax.axis_index("c")
        sid = lax.axis_index("s")
        wid = sid * _NC + cid
        base = wid * _BPW
        in_refs = (u_hbm, p_hbm, n_hbm)
        out_refs = (out_u, out_p, out_n)

        sh_base = sid * (3 * _BPW)
        for j in range(3):
            pltpu.sync_copy(
                in_refs[j].at[pl.ds(base, _BPW)],
                idx_sh.at[pl.ds(sh_base + j * _BPW, _BPW)],
            )
        pltpu.sync_copy(idx_sh.at[pl.ds(sh_base, 3 * _BPW)], idx_s)

        def fire(c):
            b = c % _NBUF
            buf = bufs[b]
            j, h = divmod(c, _BPW // _CHUNK)
            out_ref = out_refs[j]
            cbase = c * _CHUNK

            def sbody(i, _, buf=buf, cbase=cbase):
                for k in range(_UNROLL):
                    o = i * _UNROLL + k
                    r = idx_s[cbase + o]
                    pltpu.make_async_copy(
                        table.at[pl.ds(r, 1)],
                        buf.at[pl.ds(o, 1)],
                        sem_g[b],
                    ).start()
                return 0

            lax.fori_loop(0, _SROWS // _UNROLL, sbody, 0)

            def dbody(i, _, out_ref=out_ref, cbase=cbase, j=j, h=h):
                for k in range(_UNROLL):
                    o = _SROWS + i * _UNROLL + k
                    r = idx_s[cbase + o]
                    pltpu.make_async_copy(
                        table.at[pl.ds(r, 1)],
                        out_ref.at[pl.ds(base + h * _CHUNK + o, 1)],
                        sem_d[k % _NDSEM],
                    ).start()
                return 0

            lax.fori_loop(0, _DROWS // _UNROLL, dbody, 0)

        def drain_and_store(c):
            b = c % _NBUF
            j, h = divmod(c, _BPW // _CHUNK)
            pltpu.make_async_copy(
                table.at[pl.ds(0, _SROWS)], bufs[b], sem_g[b]
            ).wait()
            return pltpu.async_copy(
                bufs[b],
                out_refs[j].at[pl.ds(base + h * _CHUNK, _SROWS)],
                sem_s[b],
            )

        stores = [None] * _NCHUNKS
        fire(0)
        for c in range(1, _NCHUNKS):
            if c >= _NBUF:
                stores[c - _NBUF].wait()
            fire(c)
            stores[c - 1] = drain_and_store(c - 1)
        stores[_NCHUNKS - 1] = drain_and_store(_NCHUNKS - 1)
        for c in range(_NCHUNKS - _NBUF, _NCHUNKS):
            stores[c].wait()

        rows_per_slot = _NCHUNKS * _DROWS // _NDSEM
        for t in range(_NDSEM):
            pltpu.make_async_copy(
                table.at[pl.ds(0, rows_per_slot)],
                out_refs[0].at[pl.ds(base, rows_per_slot)],
                sem_d[t],
            ).wait()

    return gather3


_gather3 = _build()


def kernel(embeds, users, pos_items, neg_items):
    u, p, n = _gather3(embeds, users, pos_items, neg_items)
    return (u, p, n, u, p, n)

# --- scband reference (transcript-rebuilt; emitter-appended) ---
"""Pipeline reference for scband-mf-55989193671008 (READ-ONLY COPY).

The authoritative reference and input builder live on the scoring server;
editing this copy changes nothing except your own understanding.
"""

import jax, jax.numpy as jnp
import numpy as np

N_USERS = 500000
N_ITEMS = 500000
EMB_DIM = 32
BATCH = 16384


def setup_inputs(seed: int = 0) -> dict:
    key = jax.random.key(seed)
    k_emb, k_u, k_p, k_n = jax.random.split(key, 4)
    n_rows = N_USERS + N_ITEMS
    # xavier_uniform for [n_rows, EMB_DIM]
    limit = float(np.sqrt(6.0 / (n_rows + EMB_DIM)))
    embeds = jax.random.uniform(k_emb, (n_rows, EMB_DIM), dtype=jnp.float32, minval=-limit, maxval=limit)
    users = jax.random.randint(k_u, (BATCH,), 0, N_USERS, dtype=jnp.int32)
    pos_items = jax.random.randint(k_p, (BATCH,), 0, N_USERS + N_ITEMS, dtype=jnp.int32)
    neg_items = jax.random.randint(k_n, (BATCH,), 0, N_USERS + N_ITEMS, dtype=jnp.int32)
    return {"embeds": embeds, "users": users, "pos_items": pos_items, "neg_items": neg_items}


def reference(embeds, users, pos_items, neg_items):
    # MF.forward: batch_generate gathers rows of the single embedding table
    user_embs = jnp.take(embeds, users, axis=0)
    pos_item_embs = jnp.take(embeds, pos_items, axis=0)
    neg_item_embs = jnp.take(embeds, neg_items, axis=0)
    return (user_embs, pos_item_embs, neg_item_embs, user_embs, pos_item_embs, neg_item_embs)

if __name__ == "__main__":
    import jax
    _d = setup_inputs()
    print(jax.jit(kernel)(*tuple(_d.values())))

</pallas_src>

<mosaic_0001>
#map = affine_map<(d0, d1) -> (0, 0)>
#map1 = affine_map<(d0, d1) -> (0)>
module attributes {stable_mosaic.version = 14 : i64} {
  func.func @gather3(%arg0: i32, %arg1: i32, %arg2: memref<1000000x32xf32, #tpu.memory_space<hbm>>, %arg3: memref<16384xi32, #tpu.memory_space<hbm>>, %arg4: memref<16384xi32, #tpu.memory_space<hbm>>, %arg5: memref<16384xi32, #tpu.memory_space<hbm>>, %arg6: memref<16384x32xf32, #tpu.memory_space<hbm>>, %arg7: memref<16384x32xf32, #tpu.memory_space<hbm>>, %arg8: memref<16384x32xf32, #tpu.memory_space<hbm>>, %arg9: memref<1536xi32, #tpu.memory_space<smem>>, %arg10: memref<24576xi32, #tpu.memory_space<vmem_shared>>, %arg11: memref<192x32xf32, #tpu.memory_space<vmem>>, %arg12: memref<192x32xf32, #tpu.memory_space<vmem>>, %arg13: memref<192x32xf32, #tpu.memory_space<vmem>>, %arg14: memref<!tpu.dma_semaphore, #tpu.memory_space<semaphore_mem>>, %arg15: memref<!tpu.dma_semaphore, #tpu.memory_space<semaphore_mem>>, %arg16: memref<!tpu.dma_semaphore, #tpu.memory_space<semaphore_mem>>, %arg17: memref<!tpu.dma_semaphore, #tpu.memory_space<semaphore_mem>>, %arg18: memref<!tpu.dma_semaphore, #tpu.memory_space<semaphore_mem>>, %arg19: memref<!tpu.dma_semaphore, #tpu.memory_space<semaphore_mem>>, %arg20: memref<!tpu.dma_semaphore, #tpu.memory_space<semaphore_mem>>, %arg21: memref<!tpu.dma_semaphore, #tpu.memory_space<semaphore_mem>>, %arg22: memref<!tpu.dma_semaphore, #tpu.memory_space<semaphore_mem>>, %arg23: memref<!tpu.dma_semaphore, #tpu.memory_space<semaphore_mem>>) attributes {dimension_semantics = [#tpu.dimension_semantics<core_parallel>, #tpu.dimension_semantics<subcore_parallel>], iteration_bounds = array<i64: 2, 16>, scalar_prefetch = 0 : i64, scratch_operands = 15 : i64, tpu.core_type = #tpu.core_type<sc_vector_subcore>, window_params = [{transform_indices = #map}, {transform_indices = #map1}, {transform_indices = #map1}, {transform_indices = #map1}, {transform_indices = #map}, {transform_indices = #map}, {transform_indices = #map}]} {
    %mul3A = arith.constant 2 : i32
    %mul3A_0 = arith.muli %arg1, %mul3A : i32
    %add3A = arith.addi %mul3A_0, %arg0 : i32
    %mul3A_1 = arith.constant 512 : i32
    %mul3A_2 = arith.muli %add3A, %mul3A_1 : i32
    %mul3A_3 = arith.constant 1536 : i32
    %mul3A_4 = arith.muli %arg1, %mul3A_3 : i32
    %add3A_5 = arith.constant 0 : i32
    %add3A_6 = arith.addi %mul3A_4, %add3A_5 : i32
    "tpu.region"() ({
      %run_scoped3A = tpu.sem_alloc : memref<!tpu.dma_semaphore, #tpu.memory_space<semaphore_mem>>
      %dma_start3A_208 = tpu.memref_slice %arg10[%add3A_6] : memref<24576xi32, #tpu.memory_space<vmem_shared>> -> memref<512xi32, #tpu.memory_space<vmem_shared>>
      %dma_start3A_209 = tpu.memref_slice %arg3[%mul3A_2] : memref<16384xi32, #tpu.memory_space<hbm>> -> memref<512xi32, #tpu.memory_space<hbm>>
      tpu.enqueue_dma source(%dma_start3A_209 : memref<512xi32, #tpu.memory_space<hbm>>) target(%dma_start3A_208 : memref<512xi32, #tpu.memory_space<vmem_shared>>) target_semaphore(%run_scoped3A : memref<!tpu.dma_semaphore, #tpu.memory_space<semaphore_mem>>)
      %dma_wait3A_210 = tpu.memref_slice %arg10[%add3A_6] : memref<24576xi32, #tpu.memory_space<vmem_shared>> -> memref<512xi32, #tpu.memory_space<vmem_shared>>
      %dma_wait3A_211 = tpu.memref_slice %arg3[%mul3A_2] : memref<16384xi32, #tpu.memory_space<hbm>> -> memref<512xi32, #tpu.memory_space<hbm>>
      tpu.wait_dma2 semaphore(%run_scoped3A : memref<!tpu.dma_semaphore, #tpu.memory_space<semaphore_mem>>) src(%dma_wait3A_211 : memref<512xi32, #tpu.memory_space<hbm>>) dst(%dma_wait3A_210 : memref<512xi32, #tpu.memory_space<vmem_shared>>)
      tpu.yield
    }) : () -> ()
    %add3A_7 = arith.constant 512 : i32
    %add3A_8 = arith.addi %mul3A_4, %add3A_7 : i32
    "tpu.region"() ({
      %run_scoped3A = tpu.sem_alloc : memref<!tpu.dma_semaphore, #tpu.memory_space<semaphore_mem>>
      %dma_start3A_208 = tpu.memref_slice %arg10[%add3A_8] : memref<24576xi32, #tpu.memory_space<vmem_shared>> -> memref<512xi32, #tpu.memory_space<vmem_shared>>
      %dma_start3A_209 = tpu.memref_slice %arg4[%mul3A_2] : memref<16384xi32, #tpu.memory_space<hbm>> -> memref<512xi32, #tpu.memory_space<hbm>>
      tpu.enqueue_dma source(%dma_start3A_209 : memref<512xi32, #tpu.memory_space<hbm>>) target(%dma_start3A_208 : memref<512xi32, #tpu.memory_space<vmem_shared>>) target_semaphore(%run_scoped3A : memref<!tpu.dma_semaphore, #tpu.memory_space<semaphore_mem>>)
      %dma_wait3A_210 = tpu.memref_slice %arg10[%add3A_8] : memref<24576xi32, #tpu.memory_space<vmem_shared>> -> memref<512xi32, #tpu.memory_space<vmem_shared>>
      %dma_wait3A_211 = tpu.memref_slice %arg4[%mul3A_2] : memref<16384xi32, #tpu.memory_space<hbm>> -> memref<512xi32, #tpu.memory_space<hbm>>
      tpu.wait_dma2 semaphore(%run_scoped3A : memref<!tpu.dma_semaphore, #tpu.memory_space<semaphore_mem>>) src(%dma_wait3A_211 : memref<512xi32, #tpu.memory_space<hbm>>) dst(%dma_wait3A_210 : memref<512xi32, #tpu.memory_space<vmem_shared>>)
      tpu.yield
    }) : () -> ()
    %add3A_9 = arith.constant 1024 : i32
    %add3A_10 = arith.addi %mul3A_4, %add3A_9 : i32
    "tpu.region"() ({
      %run_scoped3A = tpu.sem_alloc : memref<!tpu.dma_semaphore, #tpu.memory_space<semaphore_mem>>
      %dma_start3A_208 = tpu.memref_slice %arg10[%add3A_10] : memref<24576xi32, #tpu.memory_space<vmem_shared>> -> memref<512xi32, #tpu.memory_space<vmem_shared>>
      %dma_start3A_209 = tpu.memref_slice %arg5[%mul3A_2] : memref<16384xi32, #tpu.memory_space<hbm>> -> memref<512xi32, #tpu.memory_space<hbm>>
      tpu.enqueue_dma source(%dma_start3A_209 : memref<512xi32, #tpu.memory_space<hbm>>) target(%dma_start3A_208 : memref<512xi32, #tpu.memory_space<vmem_shared>>) target_semaphore(%run_scoped3A : memref<!tpu.dma_semaphore, #tpu.memory_space<semaphore_mem>>)
      %dma_wait3A_210 = tpu.memref_slice %arg10[%add3A_10] : memref<24576xi32, #tpu.memory_space<vmem_shared>> -> memref<512xi32, #tpu.memory_space<vmem_shared>>
      %dma_wait3A_211 = tpu.memref_slice %arg5[%mul3A_2] : memref<16384xi32, #tpu.memory_space<hbm>> -> memref<512xi32, #tpu.memory_space<hbm>>
      tpu.wait_dma2 semaphore(%run_scoped3A : memref<!tpu.dma_semaphore, #tpu.memory_space<semaphore_mem>>) src(%dma_wait3A_211 : memref<512xi32, #tpu.memory_space<hbm>>) dst(%dma_wait3A_210 : memref<512xi32, #tpu.memory_space<vmem_shared>>)
      tpu.yield
    }) : () -> ()
    "tpu.region"() ({
      %run_scoped3A = tpu.sem_alloc : memref<!tpu.dma_semaphore, #tpu.memory_space<semaphore_mem>>
      %dma_start3A_208 = tpu.memref_slice %arg10[%mul3A_4] : memref<24576xi32, #tpu.memory_space<vmem_shared>> -> memref<1536xi32, #tpu.memory_space<vmem_shared>>
      tpu.enqueue_dma source(%dma_start3A_208 : memref<1536xi32, #tpu.memory_space<vmem_shared>>) target(%arg9 : memref<1536xi32, #tpu.memory_space<smem>>) target_semaphore(%run_scoped3A : memref<!tpu.dma_semaphore, #tpu.memory_space<semaphore_mem>>)
      %dma_wait3A_209 = tpu.memref_slice %arg10[%mul3A_4] : memref<24576xi32, #tpu.memory_space<vmem_shared>> -> memref<1536xi32, #tpu.memory_space<vmem_shared>>
      tpu.wait_dma2 semaphore(%run_scoped3A : memref<!tpu.dma_semaphore, #tpu.memory_space<semaphore_mem>>) src(%dma_wait3A_209 : memref<1536xi32, #tpu.memory_space<vmem_shared>>) dst(%arg9 : memref<1536xi32, #tpu.memory_space<smem>>)
      tpu.yield
    }) : () -> ()
    %scan3A = arith.constant 0 : i32
    %scan3A_11 = arith.constant 0 : i32
    %scan3A_12 = arith.constant 24 : i32
    %scan3A_13 = arith.addi %scan3A_11, %scan3A_12 : i32
    %scan3A_14 = arith.constant 1 : i32
    %scan3A_15 = scf.for %scan3A_208 = %scan3A_11 to %scan3A_13 step %scan3A_14 iter_args(%scan3A_209 = %scan3A) -> (i32)  : i32 {
      %mul3A_210 = arith.constant 8 : i32
      %mul3A_211 = arith.muli %scan3A_208, %mul3A_210 : i32
      %add3A_212 = arith.constant 0 : i32
      %add3A_213 = arith.addi %mul3A_211, %add3A_212 : i32
      %add3A_214 = arith.constant 0 : i32
      %add3A_215 = arith.addi %add3A_214, %add3A_213 : i32
      %get3A = arith.index_cast %add3A_215 : i32 to index
      %get3A_216 = memref.load %arg9[%get3A] : memref<1536xi32, #tpu.memory_space<smem>>
      %dma_start3A_217 = arith.constant 0 : i32
      %dma_start3A_218 = tpu.memref_slice %arg11[%add3A_213, %dma_start3A_217] : memref<192x32xf32, #tpu.memory_space<vmem>> -> memref<1x32xf32, #tpu.memory_space<vmem>>
      %dma_start3A_219 = arith.constant 0 : i32
      %dma_start3A_220 = tpu.memref_slice %arg2[%get3A_216, %dma_start3A_219] : memref<1000000x32xf32, #tpu.memory_space<hbm>> -> memref<1x32xf32, #tpu.memory_space<hbm>>
      %dma_start3A_221 = arith.constant 0 : i32
      %dma_start3A_222 = tpu.memref_slice %arg11[%add3A_213, %dma_start3A_221] : memref<192x32xf32, #tpu.memory_space<vmem>> -> memref<1x32xf32, #tpu.memory_space<vmem>>
      %dma_start3A_223 = arith.constant 0 : i32
      %dma_start3A_224 = tpu.memref_slice %arg2[%get3A_216, %dma_start3A_223] : memref<1000000x32xf32, #tpu.memory_space<hbm>> -> memref<1x32xf32, #tpu.memory_space<hbm>>
      tpu.enqueue_dma source(%dma_start3A_224 : memref<1x32xf32, #tpu.memory_space<hbm>>) target(%dma_start3A_222 : memref<1x32xf32, #tpu.memory_space<vmem>>) target_semaphore(%arg14 : memref<!tpu.dma_semaphore, #tpu.memory_space<semaphore_mem>>)
      %mul3A_225 = arith.constant 8 : i32
      %mul3A_226 = arith.muli %scan3A_208, %mul3A_225 : i32
      %add3A_227 = arith.constant 1 : i32
      %add3A_228 = arith.addi %mul3A_226, %add3A_227 : i32
      %add3A_229 = arith.constant 0 : i32
      %add3A_230 = arith.addi %add3A_229, %add3A_228 : i32
      %get3A_231 = arith.index_cast %add3A_230 : i32 to index
      %get3A_232 = memref.load %arg9[%get3A_231] : memref<1536xi32, #tpu.memory_space<smem>>
      %dma_start3A_233 = arith.constant 0 : i32
      %dma_start3A_234 = tpu.memref_slice %arg11[%add3A_228, %dma_start3A_233] : memref<192x32xf32, #tpu.memory_space<vmem>> -> memref<1x32xf32, #tpu.memory_space<vmem>>
      %dma_start3A_235 = arith.constant 0 : i32
      %dma_start3A_236 = tpu.memref_slice %arg2[%get3A_232, %dma_start3A_235] : memref<1000000x32xf32, #tpu.memory_space<hbm>> -> memref<1x32xf32, #tpu.memory_space<hbm>>
      %dma_start3A_237 = arith.constant 0 : i32
      %dma_start3A_238 = tpu.memref_slice %arg11[%add3A_228, %dma_start3A_237] : memref<192x32xf32, #tpu.memory_space<vmem>> -> memref<1x32xf32, #tpu.memory_space<vmem>>
      %dma_start3A_239 = arith.constant 0 : i32
      %dma_start3A_240 = tpu.memref_slice %arg2[%get3A_232, %dma_start3A_239] : memref<1000000x32xf32, #tpu.memory_space<hbm>> -> memref<1x32xf32, #tpu.memory_space<hbm>>
      tpu.enqueue_dma source(%dma_start3A_240 : memref<1x32xf32, #tpu.memory_space<hbm>>) target(%dma_start3A_238 : memref<1x32xf32, #tpu.memory_space<vmem>>) target_semaphore(%arg14 : memref<!tpu.dma_semaphore, #tpu.memory_space<semaphore_mem>>)
      %mul3A_241 = arith.constant 8 : i32
      %mul3A_242 = arith.muli %scan3A_208, %mul3A_241 : i32
      %add3A_243 = arith.constant 2 : i32
      %add3A_244 = arith.addi %mul3A_242, %add3A_243 : i32
      %add3A_245 = arith.constant 0 : i32
      %add3A_246 = arith.addi %add3A_245, %add3A_244 : i32
      %get3A_247 = arith.index_cast %add3A_246 : i32 to index
      %get3A_248 = memref.load %arg9[%get3A_247] : memref<1536xi32, #tpu.memory_space<smem>>
      %dma_start3A_249 = arith.constant 0 : i32
      %dma_start3A_250 = tpu.memref_slice %arg11[%add3A_244, %dma_start3A_249] : memref<192x32xf32, #tpu.memory_space<vmem>> -> memref<1x32xf32, #tpu.memory_space<vmem>>
      %dma_start3A_251 = arith.constant 0 : i32
      %dma_start3A_252 = tpu.memref_slice %arg2[%get3A_248, %dma_start3A_251] : memref<1000000x32xf32, #tpu.memory_space<hbm>> -> memref<1x32xf32, #tpu.memory_space<hbm>>
      %dma_start3A_253 = arith.constant 0 : i32
      %dma_start3A_254 = tpu.memref_slice %arg11[%add3A_244, %dma_start3A_253] : memref<192x32xf32, #tpu.memory_space<vmem>> -> memref<1x32xf32, #tpu.memory_space<vmem>>
      %dma_start3A_255 = arith.constant 0 : i32
      %dma_start3A_256 = tpu.memref_slice %arg2[%get3A_248, %dma_start3A_255] : memref<1000000x32xf32, #tpu.memory_space<hbm>> -> memref<1x32xf32, #tpu.memory_space<hbm>>
      tpu.enqueue_dma source(%dma_start3A_256 : memref<1x32xf32, #tpu.memory_space<hbm>>) target(%dma_start3A_254 : memref<1x32xf32, #tpu.memory_space<vmem>>) target_semaphore(%arg14 : memref<!tpu.dma_semaphore, #tpu.memory_space<semaphore_mem>>)
      %mul3A_257 = arith.constant 8 : i32
      %mul3A_258 = arith.muli %scan3A_208, %mul3A_257 : i32
      %add3A_259 = arith.constant 3 : i32
      %add3A_260 = arith.addi %mul3A_258, %add3A_259 : i32
      %add3A_261 = arith.constant 0 : i32
      %add3A_262 = arith.addi %add3A_261, %add3A_260 : i32
      %get3A_263 = arith.index_cast %add3A_262 : i32 to index
      %get3A_264 = memref.load %arg9[%get3A_263] : memref<1536xi32, #tpu.memory_space<smem>>
      %dma_start3A_265 = arith.constant 0 : i32
      %dma_start3A_266 = tpu.memref_slice %arg11[%add3A_260, %dma_start3A_265] : memref<192x32xf32, #tpu.memory_space<vmem>> -> memref<1x32xf32, #tpu.memory_space<vmem>>
      %dma_start3A_267 = arith.constant 0 : i32
      %dma_start3A_268 = tpu.memref_slice %arg2[%get3A_264, %dma_start3A_267] : memref<1000000x32xf32, #tpu.memory_space<hbm>> -> memref<1x32xf32, #tpu.memory_space<hbm>>
      %dma_start3A_269 = arith.constant 0 : i32
      %dma_start3A_270 = tpu.memref_slice %arg11[%add3A_260, %dma_start3A_269] : memref<192x32xf32, #tpu.memory_space<vmem>> -> memref<1x32xf32, #tpu.memory_space<vmem>>
      %dma_start3A_271 = arith.constant 0 : i32
      %dma_start3A_272 = tpu.memref_slice %arg2[%get3A_264, %dma_start3A_271] : memref<1000000x32xf32, #tpu.memory_space<hbm>> -> memref<1x32xf32, #tpu.memory_space<hbm>>
      tpu.enqueue_dma source(%dma_start3A_272 : memref<1x32xf32, #tpu.memory_space<hbm>>) target(%dma_start3A_270 : memref<1x32xf32, #tpu.memory_space<vmem>>) target_semaphore(%arg14 : memref<!tpu.dma_semaphore, #tpu.memory_space<semaphore_mem>>)
      %mul3A_273 = arith.constant 8 : i32
      %mul3A_274 = arith.muli %scan3A_208, %mul3A_273 : i32
      %add3A_275 = arith.constant 4 : i32
      %add3A_276 = arith.addi %mul3A_274, %add3A_275 : i32
      %add3A_277 = arith.constant 0 : i32
      %add3A_278 = arith.addi %add3A_277, %add3A_276 : i32
      %get3A_279 = arith.index_cast %add3A_278 : i32 to index
      %get3A_280 = memref.load %arg9[%get3A_279] : memref<1536xi32, #tpu.memory_space<smem>>
      %dma_start3A_281 = arith.constant 0 : i32
      %dma_start3A_282 = tpu.memref_slice %arg11[%add3A_276, %dma_start3A_281] : memref<192x32xf32, #tpu.memory_space<vmem>> -> memref<1x32xf32, #tpu.memory_space<vmem>>
      %dma_start3A_283 = arith.constant 0 : i32
      %dma_start3A_284 = tpu.memref_slice %arg2[%get3A_280, %dma_start3A_283] : memref<1000000x32xf32, #tpu.memory_space<hbm>> -> memref<1x32xf32, #tpu.memory_space<hbm>>
      %dma_start3A_285 = arith.constant 0 : i32
      %dma_start3A_286 = tpu.memref_slice %arg11[%add3A_276, %dma_start3A_285] : memref<192x32xf32, #tpu.memory_space<vmem>> -> memref<1x32xf32, #tpu.memory_space<vmem>>
      %dma_start3A_287 = arith.constant 0 : i32
      %dma_start3A_288 = tpu.memref_slice %arg2[%get3A_280, %dma_start3A_287] : memref<1000000x32xf32, #tpu.memory_space<hbm>> -> memref<1x32xf32, #tpu.memory_space<hbm>>
      tpu.enqueue_dma source(%dma_start3A_288 : memref<1x32xf32, #tpu.memory_space<hbm>>) target(%dma_start3A_286 : memref<1x32xf32, #tpu.memory_space<vmem>>) target_semaphore(%arg14 : memref<!tpu.dma_semaphore, #tpu.memory_space<semaphore_mem>>)
      %mul3A_289 = arith.constant 8 : i32
      %mul3A_290 = arith.muli %scan3A_208, %mul3A_289 : i32
      %add3A_291 = arith.constant 5 : i32
      %add3A_292 = arith.addi %mul3A_290, %add3A_291 : i32
      %add3A_293 = arith.constant 0 : i32
      %add3A_294 = arith.addi %add3A_293, %add3A_292 : i32
      %get3A_295 = arith.index_cast %add3A_294 : i32 to index
      %get3A_296 = memref.load %arg9[%get3A_295] : memref<1536xi32, #tpu.memory_space<smem>>
      %dma_start3A_297 = arith.constant 0 : i32
      %dma_start3A_298 = tpu.memref_slice %arg11[%add3A_292, %dma_start3A_297] : memref<192x32xf32, #tpu.memory_space<vmem>> -> memref<1x32xf32, #tpu.memory_space<vmem>>
      %dma_start3A_299 = arith.constant 0 : i32
      %dma_start3A_300 = tpu.memref_slice %arg2[%get3A_296, %dma_start3A_299] : memref<1000000x32xf32, #tpu.memory_space<hbm>> -> memref<1x32xf32, #tpu.memory_space<hbm>>
      %dma_start3A_301 = arith.constant 0 : i32
      %dma_start3A_302 = tpu.memref_slice %arg11[%add3A_292, %dma_start3A_301] : memref<192x32xf32, #tpu.memory_space<vmem>> -> memref<1x32xf32, #tpu.memory_space<vmem>>
      %dma_start3A_303 = arith.constant 0 : i32
      %dma_start3A_304 = tpu.memref_slice %arg2[%get3A_296, %dma_start3A_303] : memref<1000000x32xf32, #tpu.memory_space<hbm>> -> memref<1x32xf32, #tpu.memory_space<hbm>>
      tpu.enqueue_dma source(%dma_start3A_304 : memref<1x32xf32, #tpu.memory_space<hbm>>) target(%dma_start3A_302 : memref<1x32xf32, #tpu.memory_space<vmem>>) target_semaphore(%arg14 : memref<!tpu.dma_semaphore, #tpu.memory_space<semaphore_mem>>)
      %mul3A_305 = arith.constant 8 : i32
      %mul3A_306 = arith.muli %scan3A_208, %mul3A_305 : i32
      %add3A_307 = arith.constant 6 : i32
      %add3A_308 = arith.addi %mul3A_306, %add3A_307 : i32
      %add3A_309 = arith.constant 0 : i32
      %add3A_310 = arith.addi %add3A_309, %add3A_308 : i32
      %get3A_311 = arith.index_cast %add3A_310 : i32 to index
      %get3A_312 = memref.load %arg9[%get3A_311] : memref<1536xi32, #tpu.memory_space<smem>>
      %dma_start3A_313 = arith.constant 0 : i32
      %dma_start3A_314 = tpu.memref_slice %arg11[%add3A_308, %dma_start3A_313] : memref<192x32xf32, #tpu.memory_space<vmem>> -> memref<1x32xf32, #tpu.memory_space<vmem>>
      %dma_start3A_315 = arith.constant 0 : i32
      %dma_start3A_316 = tpu.memref_slice %arg2[%get3A_312, %dma_start3A_315] : memref<1000000x32xf32, #tpu.memory_space<hbm>> -> memref<1x32xf32, #tpu.memory_space<hbm>>
      %dma_start3A_317 = arith.constant 0 : i32
      %dma_start3A_318 = tpu.memref_slice %arg11[%add3A_308, %dma_start3A_317] : memref<192x32xf32, #tpu.memory_space<vmem>> -> memref<1x32xf32, #tpu.memory_space<vmem>>
      %dma_start3A_319 = arith.constant 0 : i32
      %dma_start3A_320 = tpu.memref_slice %arg2[%get3A_312, %dma_start3A_319] : memref<1000000x32xf32, #tpu.memory_space<hbm>> -> memref<1x32xf32, #tpu.memory_space<hbm>>
      tpu.enqueue_dma source(%dma_start3A_320 : memref<1x32xf32, #tpu.memory_space<hbm>>) target(%dma_start3A_318 : memref<1x32xf32, #tpu.memory_space<vmem>>) target_semaphore(%arg14 : memref<!tpu.dma_semaphore, #tpu.memory_space<semaphore_mem>>)
      %mul3A_321 = arith.constant 8 : i32
      %mul3A_322 = arith.muli %scan3A_208, %mul3A_321 : i32
      %add3A_323 = arith.constant 7 : i32
      %add3A_324 = arith.addi %mul3A_322, %add3A_323 : i32
      %add3A_325 = arith.constant 0 : i32
      %add3A_326 = arith.addi %add3A_325, %add3A_324 : i32
      %get3A_327 = arith.index_cast %add3A_326 : i32 to index
      %get3A_328 = memref.load %arg9[%get3A_327] : memref<1536xi32, #tpu.memory_space<smem>>
      %dma_start3A_329 = arith.constant 0 : i32
      %dma_start3A_330 = tpu.memref_slice %arg11[%add3A_324, %dma_start3A_329] : memref<192x32xf32, #tpu.memory_space<vmem>> -> memref<1x32xf32, #tpu.memory_space<vmem>>
      %dma_start3A_331 = arith.constant 0 : i32
      %dma_start3A_332 = tpu.memref_slice %arg2[%get3A_328, %dma_start3A_331] : memref<1000000x32xf32, #tpu.memory_space<hbm>> -> memref<1x32xf32, #tpu.memory_space<hbm>>
      %dma_start3A_333 = arith.constant 0 : i32
      %dma_start3A_334 = tpu.memref_slice %arg11[%add3A_324, %dma_start3A_333] : memref<192x32xf32, #tpu.memory_space<vmem>> -> memref<1x32xf32, #tpu.memory_space<vmem>>
      %dma_start3A_335 = arith.constant 0 : i32
      %dma_start3A_336 = tpu.memref_slice %arg2[%get3A_328, %dma_start3A_335] : memref<1000000x32xf32, #tpu.memory_space<hbm>> -> memref<1x32xf32, #tpu.memory_space<hbm>>
      tpu.enqueue_dma source(%dma_start3A_336 : memref<1x32xf32, #tpu.memory_space<hbm>>) target(%dma_start3A_334 : memref<1x32xf32, #tpu.memory_space<vmem>>) target_semaphore(%arg14 : memref<!tpu.dma_semaphore, #tpu.memory_space<semaphore_mem>>)
      %scan3A_337 = arith.constant 0 : i32
      scf.yield %scan3A_337 : i32
    }
    %scan3A_16 = arith.constant 24 : i32
    %scan3A_17 = arith.constant 0 : i32
    %scan3A_18 = arith.constant 0 : i32
    %scan3A_19 = arith.constant 8 : i32
    %scan3A_20 = arith.addi %scan3A_18, %scan3A_19 : i32
    %scan3A_21 = arith.constant 1 : i32
    %scan3A_22 = scf.for %scan3A_208 = %scan3A_18 to %scan3A_20 step %scan3A_21 iter_args(%scan3A_209 = %scan3A_17) -> (i32)  : i32 {
      %mul3A_210 = arith.constant 8 : i32
      %mul3A_211 = arith.muli %scan3A_208, %mul3A_210 : i32
      %add3A_212 = arith.constant 192 : i32
      %add3A_213 = arith.addi %add3A_212, %mul3A_211 : i32
      %add3A_214 = arith.constant 0 : i32
      %add3A_215 = arith.addi %add3A_213, %add3A_214 : i32
      %add3A_216 = arith.constant 0 : i32
      %add3A_217 = arith.addi %add3A_216, %add3A_215 : i32
      %get3A = arith.index_cast %add3A_217 : i32 to index
      %get3A_218 = memref.load %arg9[%get3A] : memref<1536xi32, #tpu.memory_space<smem>>
      %add3A_219 = arith.constant 0 : i32
      %add3A_220 = arith.addi %mul3A_2, %add3A_219 : i32
      %add3A_221 = arith.addi %add3A_220, %add3A_215 : i32
      %dma_start3A_222 = arith.constant 0 : i32
      %dma_start3A_223 = tpu.memref_slice %arg6[%add3A_221, %dma_start3A_222] : memref<16384x32xf32, #tpu.memory_space<hbm>> -> memref<1x32xf32, #tpu.memory_space<hbm>>
      %dma_start3A_224 = arith.constant 0 : i32
      %dma_start3A_225 = tpu.memref_slice %arg2[%get3A_218, %dma_start3A_224] : memref<1000000x32xf32, #tpu.memory_space<hbm>> -> memref<1x32xf32, #tpu.memory_space<hbm>>
      tpu.enqueue_dma source(%dma_start3A_225 : memref<1x32xf32, #tpu.memory_space<hbm>>) target(%dma_start3A_223 : memref<1x32xf32, #tpu.memory_space<hbm>>) target_semaphore(%arg20 : memref<!tpu.dma_semaphore, #tpu.memory_space<semaphore_mem>>)
      %mul3A_226 = arith.constant 8 : i32
      %mul3A_227 = arith.muli %scan3A_208, %mul3A_226 : i32
      %add3A_228 = arith.constant 192 : i32
      %add3A_229 = arith.addi %add3A_228, %mul3A_227 : i32
      %add3A_230 = arith.constant 1 : i32
      %add3A_231 = arith.addi %add3A_229, %add3A_230 : i32
      %add3A_232 = arith.constant 0 : i32
      %add3A_233 = arith.addi %add3A_232, %add3A_231 : i32
      %get3A_234 = arith.index_cast %add3A_233 : i32 to index
      %get3A_235 = memref.load %arg9[%get3A_234] : memref<1536xi32, #tpu.memory_space<smem>>
      %add3A_236 = arith.constant 0 : i32
      %add3A_237 = arith.addi %mul3A_2, %add3A_236 : i32
      %add3A_238 = arith.addi %add3A_237, %add3A_231 : i32
      %dma_start3A_239 = arith.constant 0 : i32
      %dma_start3A_240 = tpu.memref_slice %arg6[%add3A_238, %dma_start3A_239] : memref<16384x32xf32, #tpu.memory_space<hbm>> -> memref<1x32xf32, #tpu.memory_space<hbm>>
      %dma_start3A_241 = arith.constant 0 : i32
      %dma_start3A_242 = tpu.memref_slice %arg2[%get3A_235, %dma_start3A_241] : memref<1000000x32xf32, #tpu.memory_space<hbm>> -> memref<1x32xf32, #tpu.memory_space<hbm>>
      tpu.enqueue_dma source(%dma_start3A_242 : memref<1x32xf32, #tpu.memory_space<hbm>>) target(%dma_start3A_240 : memref<1x32xf32, #tpu.memory_space<hbm>>) target_semaphore(%arg21 : memref<!tpu.dma_semaphore, #tpu.memory_space<semaphore_mem>>)
      %mul3A_243 = arith.constant 8 : i32
      %mul3A_244 = arith.muli %scan3A_208, %mul3A_243 : i32
      %add3A_245 = arith.constant 192 : i32
      %add3A_246 = arith.addi %add3A_245, %mul3A_244 : i32
      %add3A_247 = arith.constant 2 : i32
      %add3A_248 = arith.addi %add3A_246, %add3A_247 : i32
      %add3A_249 = arith.constant 0 : i32
      %add3A_250 = arith.addi %add3A_249, %add3A_248 : i32
      %get3A_251 = arith.index_cast %add3A_250 : i32 to index
      %get3A_252 = memref.load %arg9[%get3A_251] : memref<1536xi32, #tpu.memory_space<smem>>
      %add3A_253 = arith.constant 0 : i32
      %add3A_254 = arith.addi %mul3A_2, %add3A_253 : i32
      %add3A_255 = arith.addi %add3A_254, %add3A_248 : i32
      %dma_start3A_256 = arith.constant 0 : i32
      %dma_start3A_257 = tpu.memref_slice %arg6[%add3A_255, %dma_start3A_256] : memref<16384x32xf32, #tpu.memory_space<hbm>> -> memref<1x32xf32, #tpu.memory_space<hbm>>
      %dma_start3A_258 = arith.constant 0 : i32
      %dma_start3A_259 = tpu.memref_slice %arg2[%get3A_252, %dma_start3A_258] : memref<1000000x32xf32, #tpu.memory_space<hbm>> -> memref<1x32xf32, #tpu.memory_space<hbm>>
      tpu.enqueue_dma source(%dma_start3A_259 : memref<1x32xf32, #tpu.memory_space<hbm>>) target(%dma_start3A_257 : memref<1x32xf32, #tpu.memory_space<hbm>>) target_semaphore(%arg22 : memref<!tpu.dma_semaphore, #tpu.memory_space<semaphore_mem>>)
      %mul3A_260 = arith.constant 8 : i32
      %mul3A_261 = arith.muli %scan3A_208, %mul3A_260 : i32
      %add3A_262 = arith.constant 192 : i32
      %add3A_263 = arith.addi %add3A_262, %mul3A_261 : i32
      %add3A_264 = arith.constant 3 : i32
      %add3A_265 = arith.addi %add3A_263, %add3A_264 : i32
      %add3A_266 = arith.constant 0 : i32
      %add3A_267 = arith.addi %add3A_266, %add3A_265 : i32
      %get3A_268 = arith.index_cast %add3A_267 : i32 to index
      %get3A_269 = memref.load %arg9[%get3A_268] : memref<1536xi32, #tpu.memory_space<smem>>
      %add3A_270 = arith.constant 0 : i32
      %add3A_271 = arith.addi %mul3A_2, %add3A_270 : i32
      %add3A_272 = arith.addi %add3A_271, %add3A_265 : i32
      %dma_start3A_273 = arith.constant 0 : i32
      %dma_start3A_274 = tpu.memref_slice %arg6[%add3A_272, %dma_start3A_273] : memref<16384x32xf32, #tpu.memory_space<hbm>> -> memref<1x32xf32, #tpu.memory_space<hbm>>
      %dma_start3A_275 = arith.constant 0 : i32
      %dma_start3A_276 = tpu.memref_slice %arg2[%get3A_269, %dma_start3A_275] : memref<1000000x32xf32, #tpu.memory_space<hbm>> -> memref<1x32xf32, #tpu.memory_space<hbm>>
      tpu.enqueue_dma source(%dma_start3A_276 : memref<1x32xf32, #tpu.memory_space<hbm>>) target(%dma_start3A_274 : memref<1x32xf32, #tpu.memory_space<hbm>>) target_semaphore(%arg23 : memref<!tpu.dma_semaphore, #tpu.memory_space<semaphore_mem>>)
      %mul3A_277 = arith.constant 8 : i32
      %mul3A_278 = arith.muli %scan3A_208, %mul3A_277 : i32
      %add3A_279 = arith.constant 192 : i32
      %add3A_280 = arith.addi %add3A_279, %mul3A_278 : i32
      %add3A_281 = arith.constant 4 : i32
      %add3A_282 = arith.addi %add3A_280, %add3A_281 : i32
      %add3A_283 = arith.constant 0 : i32
      %add3A_284 = arith.addi %add3A_283, %add3A_282 : i32
      %get3A_285 = arith.index_cast %add3A_284 : i32 to index
      %get3A_286 = memref.load %arg9[%get3A_285] : memref<1536xi32, #tpu.memory_space<smem>>
      %add3A_287 = arith.constant 0 : i32
      %add3A_288 = arith.addi %mul3A_2, %add3A_287 : i32
      %add3A_289 = arith.addi %add3A_288, %add3A_282 : i32
      %dma_start3A_290 = arith.constant 0 : i32
      %dma_start3A_291 = tpu.memref_slice %arg6[%add3A_289, %dma_start3A_290] : memref<16384x32xf32, #tpu.memory_space<hbm>> -> memref<1x32xf32, #tpu.memory_space<hbm>>
      %dma_start3A_292 = arith.constant 0 : i32
      %dma_start3A_293 = tpu.memref_slice %arg2[%get3A_286, %dma_start3A_292] : memref<1000000x32xf32, #tpu.memory_space<hbm>> -> memref<1x32xf32, #tpu.memory_space<hbm>>
      tpu.enqueue_dma source(%dma_start3A_293 : memref<1x32xf32, #tpu.memory_space<hbm>>) target(%dma_start3A_291 : memref<1x32xf32, #tpu.memory_space<hbm>>) target_semaphore(%arg20 : memref<!tpu.dma_semaphore, #tpu.memory_space<semaphore_mem>>)
      %mul3A_294 = arith.constant 8 : i32
      %mul3A_295 = arith.muli %scan3A_208, %mul3A_294 : i32
      %add3A_296 = arith.constant 192 : i32
      %add3A_297 = arith.addi %add3A_296, %mul3A_295 : i32
      %add3A_298 = arith.constant 5 : i32
      %add3A_299 = arith.addi %add3A_297, %add3A_298 : i32
      %add3A_300 = arith.constant 0 : i32
      %add3A_301 = arith.addi %add3A_300, %add3A_299 : i32
      %get3A_302 = arith.index_cast %add3A_301 : i32 to index
      %get3A_303 = memref.load %arg9[%get3A_302] : memref<1536xi32, #tpu.memory_space<smem>>
      %add3A_304 = arith.constant 0 : i32
      %add3A_305 = arith.addi %mul3A_2, %add3A_304 : i32
      %add3A_306 = arith.addi %add3A_305, %add3A_299 : i32
      %dma_start3A_307 = arith.constant 0 : i32
      %dma_start3A_308 = tpu.memref_slice %arg6[%add3A_306, %dma_start3A_307] : memref<16384x32xf32, #tpu.memory_space<hbm>> -> memref<1x32xf32, #tpu.memory_space<hbm>>
      %dma_start3A_309 = arith.constant 0 : i32
      %dma_start3A_310 = tpu.memref_slice %arg2[%get3A_303, %dma_start3A_309] : memref<1000000x32xf32, #tpu.memory_space<hbm>> -> memref<1x32xf32, #tpu.memory_space<hbm>>
      tpu.enqueue_dma source(%dma_start3A_310 : memref<1x32xf32, #tpu.memory_space<hbm>>) target(%dma_start3A_308 : memref<1x32xf32, #tpu.memory_space<hbm>>) target_semaphore(%arg21 : memref<!tpu.dma_semaphore, #tpu.memory_space<semaphore_mem>>)
      %mul3A_311 = arith.constant 8 : i32
      %mul3A_312 = arith.muli %scan3A_208, %mul3A_311 : i32
      %add3A_313 = arith.constant 192 : i32
      %add3A_314 = arith.addi %add3A_313, %mul3A_312 : i32
      %add3A_315 = arith.constant 6 : i32
      %add3A_316 = arith.addi %add3A_314, %add3A_315 : i32
      %add3A_317 = arith.constant 0 : i32
      %add3A_318 = arith.addi %add3A_317, %add3A_316 : i32
      %get3A_319 = arith.index_cast %add3A_318 : i32 to index
      %get3A_320 = memref.load %arg9[%get3A_319] : memref<1536xi32, #tpu.memory_space<smem>>
      %add3A_321 = arith.constant 0 : i32
      %add3A_322 = arith.addi %mul3A_2, %add3A_321 : i32
      %add3A_323 = arith.addi %add3A_322, %add3A_316 : i32
      %dma_start3A_324 = arith.constant 0 : i32
      %dma_start3A_325 = tpu.memref_slice %arg6[%add3A_323, %dma_start3A_324] : memref<16384x32xf32, #tpu.memory_space<hbm>> -> memref<1x32xf32, #tpu.memory_space<hbm>>
      %dma_start3A_326 = arith.constant 0 : i32
      %dma_start3A_327 = tpu.memref_slice %arg2[%get3A_320, %dma_start3A_326] : memref<1000000x32xf32, #tpu.memory_space<hbm>> -> memref<1x32xf32, #tpu.memory_space<hbm>>
      tpu.enqueue_dma source(%dma_start3A_327 : memref<1x32xf32, #tpu.memory_space<hbm>>) target(%dma_start3A_325 : memref<1x32xf32, #tpu.memory_space<hbm>>) target_semaphore(%arg22 : memref<!tpu.dma_semaphore, #tpu.memory_space<semaphore_mem>>)
      %mul3A_328 = arith.constant 8 : i32
      %mul3A_329 = arith.muli %scan3A_208, %mul3A_328 : i32
      %add3A_330 = arith.constant 192 : i32
      %add3A_331 = arith.addi %add3A_330, %mul3A_329 : i32
      %add3A_332 = arith.constant 7 : i32
      %add3A_333 = arith.addi %add3A_331, %add3A_332 : i32
      %add3A_334 = arith.constant 0 : i32
      %add3A_335 = arith.addi %add3A_334, %add3A_333 : i32
      %get3A_336 = arith.index_cast %add3A_335 : i32 to index
      %get3A_337 = memref.load %arg9[%get3A_336] : memref<1536xi32, #tpu.memory_space<smem>>
      %add3A_338 = arith.constant 0 : i32
      %add3A_339 = arith.addi %mul3A_2, %add3A_338 : i32
      %add3A_340 = arith.addi %add3A_339, %add3A_333 : i32
      %dma_start3A_341 = arith.constant 0 : i32
      %dma_start3A_342 = tpu.memref_slice %arg6[%add3A_340, %dma_start3A_341] : memref<16384x32xf32, #tpu.memory_space<hbm>> -> memref<1x32xf32, #tpu.memory_space<hbm>>
      %dma_start3A_343 = arith.constant 0 : i32
      %dma_start3A_344 = tpu.memref_slice %arg2[%get3A_337, %dma_start3A_343] : memref<1000000x32xf32, #tpu.memory_space<hbm>> -> memref<1x32xf32, #tpu.memory_space<hbm>>
      tpu.enqueue_dma source(%dma_start3A_344 : memref<1x32xf32, #tpu.memory_space<hbm>>) target(%dma_start3A_342 : memref<1x32xf32, #tpu.memory_space<hbm>>) target_semaphore(%arg23 : memref<!tpu.dma_semaphore, #tpu.memory_space<semaphore_mem>>)
      %scan3A_345 = arith.constant 0 : i32
      scf.yield %scan3A_345 : i32
    }
    %scan3A_23 = arith.constant 8 : i32
    %scan3A_24 = arith.constant 0 : i32
    %scan3A_25 = arith.constant 0 : i32
    %scan3A_26 = arith.constant 24 : i32
    %scan3A_27 = arith.addi %scan3A_25, %scan3A_26 : i32
    %scan3A_28 = arith.constant 1 : i32
    %scan3A_29 = scf.for %scan3A_208 = %scan3A_25 to %scan3A_27 step %scan3A_28 iter_args(%scan3A_209 = %scan3A_24) -> (i32)  : i32 {
      %mul3A_210 = arith.constant 8 : i32
      %mul3A_211 = arith.muli %scan3A_208, %mul3A_210 : i32
      %add3A_212 = arith.constant 0 : i32
      %add3A_213 = arith.addi %mul3A_211, %add3A_212 : i32
      %add3A_214 = arith.constant 256 : i32
      %add3A_215 = arith.addi %add3A_214, %add3A_213 : i32
      %get3A = arith.index_cast %add3A_215 : i32 to index
      %get3A_216 = memref.load %arg9[%get3A] : memref<1536xi32, #tpu.memory_space<smem>>
      %dma_start3A_217 = arith.constant 0 : i32
      %dma_start3A_218 = tpu.memref_slice %arg12[%add3A_213, %dma_start3A_217] : memref<192x32xf32, #tpu.memory_space<vmem>> -> memref<1x32xf32, #tpu.memory_space<vmem>>
      %dma_start3A_219 = arith.constant 0 : i32
      %dma_start3A_220 = tpu.memref_slice %arg2[%get3A_216, %dma_start3A_219] : memref<1000000x32xf32, #tpu.memory_space<hbm>> -> memref<1x32xf32, #tpu.memory_space<hbm>>
      %dma_start3A_221 = arith.constant 0 : i32
      %dma_start3A_222 = tpu.memref_slice %arg12[%add3A_213, %dma_start3A_221] : memref<192x32xf32, #tpu.memory_space<vmem>> -> memref<1x32xf32, #tpu.memory_space<vmem>>
      %dma_start3A_223 = arith.constant 0 : i32
      %dma_start3A_224 = tpu.memref_slice %arg2[%get3A_216, %dma_start3A_223] : memref<1000000x32xf32, #tpu.memory_space<hbm>> -> memref<1x32xf32, #tpu.memory_space<hbm>>
      tpu.enqueue_dma source(%dma_start3A_224 : memref<1x32xf32, #tpu.memory_space<hbm>>) target(%dma_start3A_222 : memref<1x32xf32, #tpu.memory_space<vmem>>) target_semaphore(%arg15 : memref<!tpu.dma_semaphore, #tpu.memory_space<semaphore_mem>>)
      %mul3A_225 = arith.constant 8 : i32
      %mul3A_226 = arith.muli %scan3A_208, %mul3A_225 : i32
      %add3A_227 = arith.constant 1 : i32
      %add3A_228 = arith.addi %mul3A_226, %add3A_227 : i32
      %add3A_229 = arith.constant 256 : i32
      %add3A_230 = arith.addi %add3A_229, %add3A_228 : i32
      %get3A_231 = arith.index_cast %add3A_230 : i32 to index
      %get3A_232 = memref.load %arg9[%get3A_231] : memref<1536xi32, #tpu.memory_space<smem>>
      %dma_start3A_233 = arith.constant 0 : i32
      %dma_start3A_234 = tpu.memref_slice %arg12[%add3A_228, %dma_start3A_233] : memref<192x32xf32, #tpu.memory_space<vmem>> -> memref<1x32xf32, #tpu.memory_space<vmem>>
      %dma_start3A_235 = arith.constant 0 : i32
      %dma_start3A_236 = tpu.memref_slice %arg2[%get3A_232, %dma_start3A_235] : memref<1000000x32xf32, #tpu.memory_space<hbm>> -> memref<1x32xf32, #tpu.memory_space<hbm>>
      %dma_start3A_237 = arith.constant 0 : i32
      %dma_start3A_238 = tpu.memref_slice %arg12[%add3A_228, %dma_start3A_237] : memref<192x32xf32, #tpu.memory_space<vmem>> -> memref<1x32xf32, #tpu.memory_space<vmem>>
      %dma_start3A_239 = arith.constant 0 : i32
      %dma_start3A_240 = tpu.memref_slice %arg2[%get3A_232, %dma_start3A_239] : memref<1000000x32xf32, #tpu.memory_space<hbm>> -> memref<1x32xf32, #tpu.memory_space<hbm>>
      tpu.enqueue_dma source(%dma_start3A_240 : memref<1x32xf32, #tpu.memory_space<hbm>>) target(%dma_start3A_238 : memref<1x32xf32, #tpu.memory_space<vmem>>) target_semaphore(%arg15 : memref<!tpu.dma_semaphore, #tpu.memory_space<semaphore_mem>>)
      %mul3A_241 = arith.constant 8 : i32
      %mul3A_242 = arith.muli %scan3A_208, %mul3A_241 : i32
      %add3A_243 = arith.constant 2 : i32
      %add3A_244 = arith.addi %mul3A_242, %add3A_243 : i32
      %add3A_245 = arith.constant 256 : i32
      %add3A_246 = arith.addi %add3A_245, %add3A_244 : i32
      %get3A_247 = arith.index_cast %add3A_246 : i32 to index
      %get3A_248 = memref.load %arg9[%get3A_247] : memref<1536xi32, #tpu.memory_space<smem>>
      %dma_start3A_249 = arith.constant 0 : i32
      %dma_start3A_250 = tpu.memref_slice %arg12[%add3A_244, %dma_start3A_249] : memref<192x32xf32, #tpu.memory_space<vmem>> -> memref<1x32xf32, #tpu.memory_space<vmem>>
      %dma_start3A_251 = arith.constant 0 : i32
      %dma_start3A_252 = tpu.memref_slice %arg2[%get3A_248, %dma_start3A_251] : memref<1000000x32xf32, #tpu.memory_space<hbm>> -> memref<1x32xf32, #tpu.memory_space<hbm>>
      %dma_start3A_253 = arith.constant 0 : i32
      %dma_start3A_254 = tpu.memref_slice %arg12[%add3A_244, %dma_start3A_253] : memref<192x32xf32, #tpu.memory_space<vmem>> -> memref<1x32xf32, #tpu.memory_space<vmem>>
      %dma_start3A_255 = arith.constant 0 : i32
      %dma_start3A_256 = tpu.memref_slice %arg2[%get3A_248, %dma_start3A_255] : memref<1000000x32xf32, #tpu.memory_space<hbm>> -> memref<1x32xf32, #tpu.memory_space<hbm>>
      tpu.enqueue_dma source(%dma_start3A_256 : memref<1x32xf32, #tpu.memory_space<hbm>>) target(%dma_start3A_254 : memref<1x32xf32, #tpu.memory_space<vmem>>) target_semaphore(%arg15 : memref<!tpu.dma_semaphore, #tpu.memory_space<semaphore_mem>>)
      %mul3A_257 = arith.constant 8 : i32
      %mul3A_258 = arith.muli %scan3A_208, %mul3A_257 : i32
      %add3A_259 = arith.constant 3 : i32
      %add3A_260 = arith.addi %mul3A_258, %add3A_259 : i32
      %add3A_261 = arith.constant 256 : i32
      %add3A_262 = arith.addi %add3A_261, %add3A_260 : i32
      %get3A_263 = arith.index_cast %add3A_262 : i32 to index
      %get3A_264 = memref.load %arg9[%get3A_263] : memref<1536xi32, #tpu.memory_space<smem>>
      %dma_start3A_265 = arith.constant 0 : i32
      %dma_start3A_266 = tpu.memref_slice %arg12[%add3A_260, %dma_start3A_265] : memref<192x32xf32, #tpu.memory_space<vmem>> -> memref<1x32xf32, #tpu.memory_space<vmem>>
      %dma_start3A_267 = arith.constant 0 : i32
      %dma_start3A_268 = tpu.memref_slice %arg2[%get3A_264, %dma_start3A_267] : memref<1000000x32xf32, #tpu.memory_space<hbm>> -> memref<1x32xf32, #tpu.memory_space<hbm>>
      %dma_start3A_269 = arith.constant 0 : i32
      %dma_start3A_270 = tpu.memref_slice %arg12[%add3A_260, %dma_start3A_269] : memref<192x32xf32, #tpu.memory_space<vmem>> -> memref<1x32xf32, #tpu.memory_space<vmem>>
      %dma_start3A_271 = arith.constant 0 : i32
      %dma_start3A_272 = tpu.memref_slice %arg2[%get3A_264, %dma_start3A_271] : memref<1000000x32xf32, #tpu.memory_space<hbm>> -> memref<1x32xf32, #tpu.memory_space<hbm>>
      tpu.enqueue_dma source(%dma_start3A_272 : memref<1x32xf32, #tpu.memory_space<hbm>>) target(%dma_start3A_270 : memref<1x32xf32, #tpu.memory_space<vmem>>) target_semaphore(%arg15 : memref<!tpu.dma_semaphore, #tpu.memory_space<semaphore_mem>>)
      %mul3A_273 = arith.constant 8 : i32
      %mul3A_274 = arith.muli %scan3A_208, %mul3A_273 : i32
      %add3A_275 = arith.constant 4 : i32
      %add3A_276 = arith.addi %mul3A_274, %add3A_275 : i32
      %add3A_277 = arith.constant 256 : i32
      %add3A_278 = arith.addi %add3A_277, %add3A_276 : i32
      %get3A_279 = arith.index_cast %add3A_278 : i32 to index
      %get3A_280 = memref.load %arg9[%get3A_279] : memref<1536xi32, #tpu.memory_space<smem>>
      %dma_start3A_281 = arith.constant 0 : i32
      %dma_start3A_282 = tpu.memref_slice %arg12[%add3A_276, %dma_start3A_281] : memref<192x32xf32, #tpu.memory_space<vmem>> -> memref<1x32xf32, #tpu.memory_space<vmem>>
      %dma_start3A_283 = arith.constant 0 : i32
      %dma_start3A_284 = tpu.memref_slice %arg2[%get3A_280, %dma_start3A_283] : memref<1000000x32xf32, #tpu.memory_space<hbm>> -> memref<1x32xf32, #tpu.memory_space<hbm>>
      %dma_start3A_285 = arith.constant 0 : i32
      %dma_start3A_286 = tpu.memref_slice %arg12[%add3A_276, %dma_start3A_285] : memref<192x32xf32, #tpu.memory_space<vmem>> -> memref<1x32xf32, #tpu.memory_space<vmem>>
      %dma_start3A_287 = arith.constant 0 : i32
      %dma_start3A_288 = tpu.memref_slice %arg2[%get3A_280, %dma_start3A_287] : memref<1000000x32xf32, #tpu.memory_space<hbm>> -> memref<1x32xf32, #tpu.memory_space<hbm>>
      tpu.enqueue_dma source(%dma_start3A_288 : memref<1x32xf32, #tpu.memory_space<hbm>>) target(%dma_start3A_286 : memref<1x32xf32, #tpu.memory_space<vmem>>) target_semaphore(%arg15 : memref<!tpu.dma_semaphore, #tpu.memory_space<semaphore_mem>>)
      %mul3A_289 = arith.constant 8 : i32
      %mul3A_290 = arith.muli %scan3A_208, %mul3A_289 : i32
      %add3A_291 = arith.constant 5 : i32
      %add3A_292 = arith.addi %mul3A_290, %add3A_291 : i32
      %add3A_293 = arith.constant 256 : i32
      %add3A_294 = arith.addi %add3A_293, %add3A_292 : i32
      %get3A_295 = arith.index_cast %add3A_294 : i32 to index
      %get3A_296 = memref.load %arg9[%get3A_295] : memref<1536xi32, #tpu.memory_space<smem>>
      %dma_start3A_297 = arith.constant 0 : i32
      %dma_start3A_298 = tpu.memref_slice %arg12[%add3A_292, %dma_start3A_297] : memref<192x32xf32, #tpu.memory_space<vmem>> -> memref<1x32xf32, #tpu.memory_space<vmem>>
      %dma_start3A_299 = arith.constant 0 : i32
      %dma_start3A_300 = tpu.memref_slice %arg2[%get3A_296, %dma_start3A_299] : memref<1000000x32xf32, #tpu.memory_space<hbm>> -> memref<1x32xf32, #tpu.memory_space<hbm>>
      %dma_start3A_301 = arith.constant 0 : i32
      %dma_start3A_302 = tpu.memref_slice %arg12[%add3A_292, %dma_start3A_301] : memref<192x32xf32, #tpu.memory_space<vmem>> -> memref<1x32xf32, #tpu.memory_space<vmem>>
      %dma_start3A_303 = arith.constant 0 : i32
      %dma_start3A_304 = tpu.memref_slice %arg2[%get3A_296, %dma_start3A_303] : memref<1000000x32xf32, #tpu.memory_space<hbm>> -> memref<1x32xf32, #tpu.memory_space<hbm>>
      tpu.enqueue_dma source(%dma_start3A_304 : memref<1x32xf32, #tpu.memory_space<hbm>>) target(%dma_start3A_302 : memref<1x32xf32, #tpu.memory_space<vmem>>) target_semaphore(%arg15 : memref<!tpu.dma_semaphore, #tpu.memory_space<semaphore_mem>>)
      %mul3A_305 = arith.constant 8 : i32
      %mul3A_306 = arith.muli %scan3A_208, %mul3A_305 : i32
      %add3A_307 = arith.constant 6 : i32
      %add3A_308 = arith.addi %mul3A_306, %add3A_307 : i32
      %add3A_309 = arith.constant 256 : i32
      %add3A_310 = arith.addi %add3A_309, %add3A_308 : i32
      %get3A_311 = arith.index_cast %add3A_310 : i32 to index
      %get3A_312 = memref.load %arg9[%get3A_311] : memref<1536xi32, #tpu.memory_space<smem>>
      %dma_start3A_313 = arith.constant 0 : i32
      %dma_start3A_314 = tpu.memref_slice %arg12[%add3A_308, %dma_start3A_313] : memref<192x32xf32, #tpu.memory_space<vmem>> -> memref<1x32xf32, #tpu.memory_space<vmem>>
      %dma_start3A_315 = arith.constant 0 : i32
      %dma_start3A_316 = tpu.memref_slice %arg2[%get3A_312, %dma_start3A_315] : memref<1000000x32xf32, #tpu.memory_space<hbm>> -> memref<1x32xf32, #tpu.memory_space<hbm>>
      %dma_start3A_317 = arith.constant 0 : i32
      %dma_start3A_318 = tpu.memref_slice %arg12[%add3A_308, %dma_start3A_317] : memref<192x32xf32, #tpu.memory_space<vmem>> -> memref<1x32xf32, #tpu.memory_space<vmem>>
      %dma_start3A_319 = arith.constant 0 : i32
      %dma_start3A_320 = tpu.memref_slice %arg2[%get3A_312, %dma_start3A_319] : memref<1000000x32xf32, #tpu.memory_space<hbm>> -> memref<1x32xf32, #tpu.memory_space<hbm>>
      tpu.enqueue_dma source(%dma_start3A_320 : memref<1x32xf32, #tpu.memory_space<hbm>>) target(%dma_start3A_318 : memref<1x32xf32, #tpu.memory_space<vmem>>) target_semaphore(%arg15 : memref<!tpu.dma_semaphore, #tpu.memory_space<semaphore_mem>>)
      %mul3A_321 = arith.constant 8 : i32
      %mul3A_322 = arith.muli %scan3A_208, %mul3A_321 : i32
      %add3A_323 = arith.constant 7 : i32
      %add3A_324 = arith.addi %mul3A_322, %add3A_323 : i32
      %add3A_325 = arith.constant 256 : i32
      %add3A_326 = arith.addi %add3A_325, %add3A_324 : i32
      %get3A_327 = arith.index_cast %add3A_326 : i32 to index
      %get3A_328 = memref.load %arg9[%get3A_327] : memref<1536xi32, #tpu.memory_space<smem>>
      %dma_start3A_329 = arith.constant 0 : i32
      %dma_start3A_330 = tpu.memref_slice %arg12[%add3A_324, %dma_start3A_329] : memref<192x32xf32, #tpu.memory_space<vmem>> -> memref<1x32xf32, #tpu.memory_space<vmem>>
      %dma_start3A_331 = arith.constant 0 : i32
      %dma_start3A_332 = tpu.memref_slice %arg2[%get3A_328, %dma_start3A_331] : memref<1000000x32xf32, #tpu.memory_space<hbm>> -> memref<1x32xf32, #tpu.memory_space<hbm>>
      %dma_start3A_333 = arith.constant 0 : i32
      %dma_start3A_334 = tpu.memref_slice %arg12[%add3A_324, %dma_start3A_333] : memref<192x32xf32, #tpu.memory_space<vmem>> -> memref<1x32xf32, #tpu.memory_space<vmem>>
      %dma_start3A_335 = arith.constant 0 : i32
      %dma_start3A_336 = tpu.memref_slice %arg2[%get3A_328, %dma_start3A_335] : memref<1000000x32xf32, #tpu.memory_space<hbm>> -> memref<1x32xf32, #tpu.memory_space<hbm>>
      tpu.enqueue_dma source(%dma_start3A_336 : memref<1x32xf32, #tpu.memory_space<hbm>>) target(%dma_start3A_334 : memref<1x32xf32, #tpu.memory_space<vmem>>) target_semaphore(%arg15 : memref<!tpu.dma_semaphore, #tpu.memory_space<semaphore_mem>>)
      %scan3A_337 = arith.constant 0 : i32
      scf.yield %scan3A_337 : i32
    }
    %scan3A_30 = arith.constant 24 : i32
    %scan3A_31 = arith.constant 0 : i32
    %scan3A_32 = arith.constant 0 : i32
    %scan3A_33 = arith.constant 8 : i32
    %scan3A_34 = arith.addi %scan3A_32, %scan3A_33 : i32
    %scan3A_35 = arith.constant 1 : i32
    %scan3A_36 = scf.for %scan3A_208 = %scan3A_32 to %scan3A_34 step %scan3A_35 iter_args(%scan3A_209 = %scan3A_31) -> (i32)  : i32 {
      %mul3A_210 = arith.constant 8 : i32
      %mul3A_211 = arith.muli %scan3A_208, %mul3A_210 : i32
      %add3A_212 = arith.constant 192 : i32
      %add3A_213 = arith.addi %add3A_212, %mul3A_211 : i32
      %add3A_214 = arith.constant 0 : i32
      %add3A_215 = arith.addi %add3A_213, %add3A_214 : i32
      %add3A_216 = arith.constant 256 : i32
      %add3A_217 = arith.addi %add3A_216, %add3A_215 : i32
      %get3A = arith.index_cast %add3A_217 : i32 to index
      %get3A_218 = memref.load %arg9[%get3A] : memref<1536xi32, #tpu.memory_space<smem>>
      %add3A_219 = arith.constant 256 : i32
      %add3A_220 = arith.addi %mul3A_2, %add3A_219 : i32
      %add3A_221 = arith.addi %add3A_220, %add3A_215 : i32
      %dma_start3A_222 = arith.constant 0 : i32
      %dma_start3A_223 = tpu.memref_slice %arg6[%add3A_221, %dma_start3A_222] : memref<16384x32xf32, #tpu.memory_space<hbm>> -> memref<1x32xf32, #tpu.memory_space<hbm>>
      %dma_start3A_224 = arith.constant 0 : i32
      %dma_start3A_225 = tpu.memref_slice %arg2[%get3A_218, %dma_start3A_224] : memref<1000000x32xf32, #tpu.memory_space<hbm>> -> memref<1x32xf32, #tpu.memory_space<hbm>>
      tpu.enqueue_dma source(%dma_start3A_225 : memref<1x32xf32, #tpu.memory_space<hbm>>) target(%dma_start3A_223 : memref<1x32xf32, #tpu.memory_space<hbm>>) target_semaphore(%arg20 : memref<!tpu.dma_semaphore, #tpu.memory_space<semaphore_mem>>)
      %mul3A_226 = arith.constant 8 : i32
      %mul3A_227 = arith.muli %scan3A_208, %mul3A_226 : i32
      %add3A_228 = arith.constant 192 : i32
      %add3A_229 = arith.addi %add3A_228, %mul3A_227 : i32
      %add3A_230 = arith.constant 1 : i32
      %add3A_231 = arith.addi %add3A_229, %add3A_230 : i32
      %add3A_232 = arith.constant 256 : i32
      %add3A_233 = arith.addi %add3A_232, %add3A_231 : i32
      %get3A_234 = arith.index_cast %add3A_233 : i32 to index
      %get3A_235 = memref.load %arg9[%get3A_234] : memref<1536xi32, #tpu.memory_space<smem>>
      %add3A_236 = arith.constant 256 : i32
      %add3A_237 = arith.addi %mul3A_2, %add3A_236 : i32
      %add3A_238 = arith.addi %add3A_237, %add3A_231 : i32
      %dma_start3A_239 = arith.constant 0 : i32
      %dma_start3A_240 = tpu.memref_slice %arg6[%add3A_238, %dma_start3A_239] : memref<16384x32xf32, #tpu.memory_space<hbm>> -> memref<1x32xf32, #tpu.memory_space<hbm>>
      %dma_start3A_241 = arith.constant 0 : i32
      %dma_start3A_242 = tpu.memref_slice %arg2[%get3A_235, %dma_start3A_241] : memref<1000000x32xf32, #tpu.memory_space<hbm>> -> memref<1x32xf32, #tpu.memory_space<hbm>>
      tpu.enqueue_dma source(%dma_start3A_242 : memref<1x32xf32, #tpu.memory_space<hbm>>) target(%dma_start3A_240 : memref<1x32xf32, #tpu.memory_space<hbm>>) target_semaphore(%arg21 : memref<!tpu.dma_semaphore, #tpu.memory_space<semaphore_mem>>)
      %mul3A_243 = arith.constant 8 : i32
      %mul3A_244 = arith.muli %scan3A_208, %mul3A_243 : i32
      %add3A_245 = arith.constant 192 : i32
      %add3A_246 = arith.addi %add3A_245, %mul3A_244 : i32
      %add3A_247 = arith.constant 2 : i32
      %add3A_248 = arith.addi %add3A_246, %add3A_247 : i32
      %add3A_249 = arith.constant 256 : i32
      %add3A_250 = arith.addi %add3A_249, %add3A_248 : i32
      %get3A_251 = arith.index_cast %add3A_250 : i32 to index
      %get3A_252 = memref.load %arg9[%get3A_251] : memref<1536xi32, #tpu.memory_space<smem>>
      %add3A_253 = arith.constant 256 : i32
      %add3A_254 = arith.addi %mul3A_2, %add3A_253 : i32
      %add3A_255 = arith.addi %add3A_254, %add3A_248 : i32
      %dma_start3A_256 = arith.constant 0 : i32
      %dma_start3A_257 = tpu.memref_slice %arg6[%add3A_255, %dma_start3A_256] : memref<16384x32xf32, #tpu.memory_space<hbm>> -> memref<1x32xf32, #tpu.memory_space<hbm>>
      %dma_start3A_258 = arith.constant 0 : i32
      %dma_start3A_259 = tpu.memref_slice %arg2[%get3A_252, %dma_start3A_258] : memref<1000000x32xf32, #tpu.memory_space<hbm>> -> memref<1x32xf32, #tpu.memory_space<hbm>>
      tpu.enqueue_dma source(%dma_start3A_259 : memref<1x32xf32, #tpu.memory_space<hbm>>) target(%dma_start3A_257 : memref<1x32xf32, #tpu.memory_space<hbm>>) target_semaphore(%arg22 : memref<!tpu.dma_semaphore, #tpu.memory_space<semaphore_mem>>)
      %mul3A_260 = arith.constant 8 : i32
      %mul3A_261 = arith.muli %scan3A_208, %mul3A_260 : i32
      %add3A_262 = arith.constant 192 : i32
      %add3A_263 = arith.addi %add3A_262, %mul3A_261 : i32
      %add3A_264 = arith.constant 3 : i32
      %add3A_265 = arith.addi %add3A_263, %add3A_264 : i32
      %add3A_266 = arith.constant 256 : i32
      %add3A_267 = arith.addi %add3A_266, %add3A_265 : i32
      %get3A_268 = arith.index_cast %add3A_267 : i32 to index
      %get3A_269 = memref.load %arg9[%get3A_268] : memref<1536xi32, #tpu.memory_space<smem>>
      %add3A_270 = arith.constant 256 : i32
      %add3A_271 = arith.addi %mul3A_2, %add3A_270 : i32
      %add3A_272 = arith.addi %add3A_271, %add3A_265 : i32
      %dma_start3A_273 = arith.constant 0 : i32
      %dma_start3A_274 = tpu.memref_slice %arg6[%add3A_272, %dma_start3A_273] : memref<16384x32xf32, #tpu.memory_space<hbm>> -> memref<1x32xf32, #tpu.memory_space<hbm>>
      %dma_start3A_275 = arith.constant 0 : i32
      %dma_start3A_276 = tpu.memref_slice %arg2[%get3A_269, %dma_start3A_275] : memref<1000000x32xf32, #tpu.memory_space<hbm>> -> memref<1x32xf32, #tpu.memory_space<hbm>>
      tpu.enqueue_dma source(%dma_start3A_276 : memref<1x32xf32, #tpu.memory_space<hbm>>) target(%dma_start3A_274 : memref<1x32xf32, #tpu.memory_space<hbm>>) target_semaphore(%arg23 : memref<!tpu.dma_semaphore, #tpu.memory_space<semaphore_mem>>)
      %mul3A_277 = arith.constant 8 : i32
      %mul3A_278 = arith.muli %scan3A_208, %mul3A_277 : i32
      %add3A_279 = arith.constant 192 : i32
      %add3A_280 = arith.addi %add3A_279, %mul3A_278 : i32
      %add3A_281 = arith.constant 4 : i32
      %add3A_282 = arith.addi %add3A_280, %add3A_281 : i32
      %add3A_283 = arith.constant 256 : i32
      %add3A_284 = arith.addi %add3A_283, %add3A_282 : i32
      %get3A_285 = arith.index_cast %add3A_284 : i32 to index
      %get3A_286 = memref.load %arg9[%get3A_285] : memref<1536xi32, #tpu.memory_space<smem>>
      %add3A_287 = arith.constant 256 : i32
      %add3A_288 = arith.addi %mul3A_2, %add3A_287 : i32
      %add3A_289 = arith.addi %add3A_288, %add3A_282 : i32
      %dma_start3A_290 = arith.constant 0 : i32
      %dma_start3A_291 = tpu.memref_slice %arg6[%add3A_289, %dma_start3A_290] : memref<16384x32xf32, #tpu.memory_space<hbm>> -> memref<1x32xf32, #tpu.memory_space<hbm>>
      %dma_start3A_292 = arith.constant 0 : i32
      %dma_start3A_293 = tpu.memref_slice %arg2[%get3A_286, %dma_start3A_292] : memref<1000000x32xf32, #tpu.memory_space<hbm>> -> memref<1x32xf32, #tpu.memory_space<hbm>>
      tpu.enqueue_dma source(%dma_start3A_293 : memref<1x32xf32, #tpu.memory_space<hbm>>) target(%dma_start3A_291 : memref<1x32xf32, #tpu.memory_space<hbm>>) target_semaphore(%arg20 : memref<!tpu.dma_semaphore, #tpu.memory_space<semaphore_mem>>)
      %mul3A_294 = arith.constant 8 : i32
      %mul3A_295 = arith.muli %scan3A_208, %mul3A_294 : i32
      %add3A_296 = arith.constant 192 : i32
      %add3A_297 = arith.addi %add3A_296, %mul3A_295 : i32
      %add3A_298 = arith.constant 5 : i32
      %add3A_299 = arith.addi %add3A_297, %add3A_298 : i32
      %add3A_300 = arith.constant 256 : i32
      %add3A_301 = arith.addi %add3A_300, %add3A_299 : i32
      %get3A_302 = arith.index_cast %add3A_301 : i32 to index
      %get3A_303 = memref.load %arg9[%get3A_302] : memref<1536xi32, #tpu.memory_space<smem>>
      %add3A_304 = arith.constant 256 : i32
      %add3A_305 = arith.addi %mul3A_2, %add3A_304 : i32
      %add3A_306 = arith.addi %add3A_305, %add3A_299 : i32
      %dma_start3A_307 = arith.constant 0 : i32
      %dma_start3A_308 = tpu.memref_slice %arg6[%add3A_306, %dma_start3A_307] : memref<16384x32xf32, #tpu.memory_space<hbm>> -> memref<1x32xf32, #tpu.memory_space<hbm>>
      %dma_start3A_309 = arith.constant 0 : i32
      %dma_start3A_310 = tpu.memref_slice %arg2[%get3A_303, %dma_start3A_309] : memref<1000000x32xf32, #tpu.memory_space<hbm>> -> memref<1x32xf32, #tpu.memory_space<hbm>>
      tpu.enqueue_dma source(%dma_start3A_310 : memref<1x32xf32, #tpu.memory_space<hbm>>) target(%dma_start3A_308 : memref<1x32xf32, #tpu.memory_space<hbm>>) target_semaphore(%arg21 : memref<!tpu.dma_semaphore, #tpu.memory_space<semaphore_mem>>)
      %mul3A_311 = arith.constant 8 : i32
      %mul3A_312 = arith.muli %scan3A_208, %mul3A_311 : i32
      %add3A_313 = arith.constant 192 : i32
      %add3A_314 = arith.addi %add3A_313, %mul3A_312 : i32
      %add3A_315 = arith.constant 6 : i32
      %add3A_316 = arith.addi %add3A_314, %add3A_315 : i32
      %add3A_317 = arith.constant 256 : i32
      %add3A_318 = arith.addi %add3A_317, %add3A_316 : i32
      %get3A_319 = arith.index_cast %add3A_318 : i32 to index
      %get3A_320 = memref.load %arg9[%get3A_319] : memref<1536xi32, #tpu.memory_space<smem>>
      %add3A_321 = arith.constant 256 : i32
      %add3A_322 = arith.addi %mul3A_2, %add3A_321 : i32
      %add3A_323 = arith.addi %add3A_322, %add3A_316 : i32
      %dma_start3A_324 = arith.constant 0 : i32
      %dma_start3A_325 = tpu.memref_slice %arg6[%add3A_323, %dma_start3A_324] : memref<16384x32xf32, #tpu.memory_space<hbm>> -> memref<1x32xf32, #tpu.memory_space<hbm>>
      %dma_start3A_326 = arith.constant 0 : i32
      %dma_start3A_327 = tpu.memref_slice %arg2[%get3A_320, %dma_start3A_326] : memref<1000000x32xf32, #tpu.memory_space<hbm>> -> memref<1x32xf32, #tpu.memory_space<hbm>>
      tpu.enqueue_dma source(%dma_start3A_327 : memref<1x32xf32, #tpu.memory_space<hbm>>) target(%dma_start3A_325 : memref<1x32xf32, #tpu.memory_space<hbm>>) target_semaphore(%arg22 : memref<!tpu.dma_semaphore, #tpu.memory_space<semaphore_mem>>)
      %mul3A_328 = arith.constant 8 : i32
      %mul3A_329 = arith.muli %scan3A_208, %mul3A_328 : i32
      %add3A_330 = arith.constant 192 : i32
      %add3A_331 = arith.addi %add3A_330, %mul3A_329 : i32
      %add3A_332 = arith.constant 7 : i32
      %add3A_333 = arith.addi %add3A_331, %add3A_332 : i32
      %add3A_334 = arith.constant 256 : i32
      %add3A_335 = arith.addi %add3A_334, %add3A_333 : i32
      %get3A_336 = arith.index_cast %add3A_335 : i32 to index
      %get3A_337 = memref.load %arg9[%get3A_336] : memref<1536xi32, #tpu.memory_space<smem>>
      %add3A_338 = arith.constant 256 : i32
      %add3A_339 = arith.addi %mul3A_2, %add3A_338 : i32
      %add3A_340 = arith.addi %add3A_339, %add3A_333 : i32
      %dma_start3A_341 = arith.constant 0 : i32
      %dma_start3A_342 = tpu.memref_slice %arg6[%add3A_340, %dma_start3A_341] : memref<16384x32xf32, #tpu.memory_space<hbm>> -> memref<1x32xf32, #tpu.memory_space<hbm>>
      %dma_start3A_343 = arith.constant 0 : i32
      %dma_start3A_344 = tpu.memref_slice %arg2[%get3A_337, %dma_start3A_343] : memref<1000000x32xf32, #tpu.memory_space<hbm>> -> memref<1x32xf32, #tpu.memory_space<hbm>>
      tpu.enqueue_dma source(%dma_start3A_344 : memref<1x32xf32, #tpu.memory_space<hbm>>) target(%dma_start3A_342 : memref<1x32xf32, #tpu.memory_space<hbm>>) target_semaphore(%arg23 : memref<!tpu.dma_semaphore, #tpu.memory_space<semaphore_mem>>)
      %scan3A_345 = arith.constant 0 : i32
      scf.yield %scan3A_345 : i32
    }
    %scan3A_37 = arith.constant 8 : i32
    %dma_wait3A = arith.constant 0 : i32
    %dma_wait3A_38 = arith.constant 0 : i32
    %dma_wait3A_39 = tpu.memref_slice %arg2[%dma_wait3A, %dma_wait3A_38] : memref<1000000x32xf32, #tpu.memory_space<hbm>> -> memref<192x32xf32, #tpu.memory_space<hbm>>
    %dma_wait3A_40 = arith.constant 0 : i32
    %dma_wait3A_41 = arith.constant 0 : i32
    %dma_wait3A_42 = tpu.memref_slice %arg2[%dma_wait3A_40, %dma_wait3A_41] : memref<1000000x32xf32, #tpu.memory_space<hbm>> -> memref<192x32xf32, #tpu.memory_space<hbm>>
    tpu.wait_dma2 semaphore(%arg14 : memref<!tpu.dma_semaphore, #tpu.memory_space<semaphore_mem>>) src(%dma_wait3A_42 : memref<192x32xf32, #tpu.memory_space<hbm>>) dst(%arg11 : memref<192x32xf32, #tpu.memory_space<vmem>>)
    %add3A_43 = arith.constant 0 : i32
    %add3A_44 = arith.addi %mul3A_2, %add3A_43 : i32
    %dma_start3A = arith.constant 0 : i32
    %dma_start3A_45 = tpu.memref_slice %arg6[%add3A_44, %dma_start3A] : memref<16384x32xf32, #tpu.memory_space<hbm>> -> memref<192x32xf32, #tpu.memory_space<hbm>>
    %dma_start3A_46 = arith.constant 0 : i32
    %dma_start3A_47 = tpu.memref_slice %arg6[%add3A_44, %dma_start3A_46] : memref<16384x32xf32, #tpu.memory_space<hbm>> -> memref<192x32xf32, #tpu.memory_space<hbm>>
    tpu.enqueue_dma source(%arg11 : memref<192x32xf32, #tpu.memory_space<vmem>>) target(%dma_start3A_47 : memref<192x32xf32, #tpu.memory_space<hbm>>) target_semaphore(%arg17 : memref<!tpu.dma_semaphore, #tpu.memory_space<semaphore_mem>>)
    %scan3A_48 = arith.constant 0 : i32
    %scan3A_49 = arith.constant 0 : i32
    %scan3A_50 = arith.constant 24 : i32
    %scan3A_51 = arith.addi %scan3A_49, %scan3A_50 : i32
    %scan3A_52 = arith.constant 1 : i32
    %scan3A_53 = scf.for %scan3A_208 = %scan3A_49 to %scan3A_51 step %scan3A_52 iter_args(%scan3A_209 = %scan3A_48) -> (i32)  : i32 {
      %mul3A_210 = arith.constant 8 : i32
      %mul3A_211 = arith.muli %scan3A_208, %mul3A_210 : i32
      %add3A_212 = arith.constant 0 : i32
      %add3A_213 = arith.addi %mul3A_211, %add3A_212 : i32
      %add3A_214 = arith.constant 512 : i32
      %add3A_215 = arith.addi %add3A_214, %add3A_213 : i32
      %get3A = arith.index_cast %add3A_215 : i32 to index
      %get3A_216 = memref.load %arg9[%get3A] : memref<1536xi32, #tpu.memory_space<smem>>
      %dma_start3A_217 = arith.constant 0 : i32
      %dma_start3A_218 = tpu.memref_slice %arg13[%add3A_213, %dma_start3A_217] : memref<192x32xf32, #tpu.memory_space<vmem>> -> memref<1x32xf32, #tpu.memory_space<vmem>>
      %dma_start3A_219 = arith.constant 0 : i32
      %dma_start3A_220 = tpu.memref_slice %arg2[%get3A_216, %dma_start3A_219] : memref<1000000x32xf32, #tpu.memory_space<hbm>> -> memref<1x32xf32, #tpu.memory_space<hbm>>
      %dma_start3A_221 = arith.constant 0 : i32
      %dma_start3A_222 = tpu.memref_slice %arg13[%add3A_213, %dma_start3A_221] : memref<192x32xf32, #tpu.memory_space<vmem>> -> memref<1x32xf32, #tpu.memory_space<vmem>>
      %dma_start3A_223 = arith.constant 0 : i32
      %dma_start3A_224 = tpu.memref_slice %arg2[%get3A_216, %dma_start3A_223] : memref<1000000x32xf32, #tpu.memory_space<hbm>> -> memref<1x32xf32, #tpu.memory_space<hbm>>
      tpu.enqueue_dma source(%dma_start3A_224 : memref<1x32xf32, #tpu.memory_space<hbm>>) target(%dma_start3A_222 : memref<1x32xf32, #tpu.memory_space<vmem>>) target_semaphore(%arg16 : memref<!tpu.dma_semaphore, #tpu.memory_space<semaphore_mem>>)
      %mul3A_225 = arith.constant 8 : i32
      %mul3A_226 = arith.muli %scan3A_208, %mul3A_225 : i32
      %add3A_227 = arith.constant 1 : i32
      %add3A_228 = arith.addi %mul3A_226, %add3A_227 : i32
      %add3A_229 = arith.constant 512 : i32
      %add3A_230 = arith.addi %add3A_229, %add3A_228 : i32
      %get3A_231 = arith.index_cast %add3A_230 : i32 to index
      %get3A_232 = memref.load %arg9[%get3A_231] : memref<1536xi32, #tpu.memory_space<smem>>
      %dma_start3A_233 = arith.constant 0 : i32
      %dma_start3A_234 = tpu.memref_slice %arg13[%add3A_228, %dma_start3A_233] : memref<192x32xf32, #tpu.memory_space<vmem>> -> memref<1x32xf32, #tpu.memory_space<vmem>>
      %dma_start3A_235 = arith.constant 0 : i32
      %dma_start3A_236 = tpu.memref_slice %arg2[%get3A_232, %dma_start3A_235] : memref<1000000x32xf32, #tpu.memory_space<hbm>> -> memref<1x32xf32, #tpu.memory_space<hbm>>
      %dma_start3A_237 = arith.constant 0 : i32
      %dma_start3A_238 = tpu.memref_slice %arg13[%add3A_228, %dma_start3A_237] : memref<192x32xf32, #tpu.memory_space<vmem>> -> memref<1x32xf32, #tpu.memory_space<vmem>>
      %dma_start3A_239 = arith.constant 0 : i32
      %dma_start3A_240 = tpu.memref_slice %arg2[%get3A_232, %dma_start3A_239] : memref<1000000x32xf32, #tpu.memory_space<hbm>> -> memref<1x32xf32, #tpu.memory_space<hbm>>
      tpu.enqueue_dma source(%dma_start3A_240 : memref<1x32xf32, #tpu.memory_space<hbm>>) target(%dma_start3A_238 : memref<1x32xf32, #tpu.memory_space<vmem>>) target_semaphore(%arg16 : memref<!tpu.dma_semaphore, #tpu.memory_space<semaphore_mem>>)
      %mul3A_241 = arith.constant 8 : i32
      %mul3A_242 = arith.muli %scan3A_208, %mul3A_241 : i32
      %add3A_243 = arith.constant 2 : i32
      %add3A_244 = arith.addi %mul3A_242, %add3A_243 : i32
      %add3A_245 = arith.constant 512 : i32
      %add3A_246 = arith.addi %add3A_245, %add3A_244 : i32
      %get3A_247 = arith.index_cast %add3A_246 : i32 to index
      %get3A_248 = memref.load %arg9[%get3A_247] : memref<1536xi32, #tpu.memory_space<smem>>
      %dma_start3A_249 = arith.constant 0 : i32
      %dma_start3A_250 = tpu.memref_slice %arg13[%add3A_244, %dma_start3A_249] : memref<192x32xf32, #tpu.memory_space<vmem>> -> memref<1x32xf32, #tpu.memory_space<vmem>>
      %dma_start3A_251 = arith.constant 0 : i32
      %dma_start3A_252 = tpu.memref_slice %arg2[%get3A_248, %dma_start3A_251] : memref<1000000x32xf32, #tpu.memory_space<hbm>> -> memref<1x32xf32, #tpu.memory_space<hbm>>
      %dma_start3A_253 = arith.constant 0 : i32
      %dma_start3A_254 = tpu.memref_slice %arg13[%add3A_244, %dma_start3A_253] : memref<192x32xf32, #tpu.memory_space<vmem>> -> memref<1x32xf32, #tpu.memory_space<vmem>>
      %dma_start3A_255 = arith.constant 0 : i32
      %dma_start3A_256 = tpu.memref_slice %arg2[%get3A_248, %dma_start3A_255] : memref<1000000x32xf32, #tpu.memory_space<hbm>> -> memref<1x32xf32, #tpu.memory_space<hbm>>
      tpu.enqueue_dma source(%dma_start3A_256 : memref<1x32xf32, #tpu.memory_space<hbm>>) target(%dma_start3A_254 : memref<1x32xf32, #tpu.memory_space<vmem>>) target_semaphore(%arg16 : memref<!tpu.dma_semaphore, #tpu.memory_space<semaphore_mem>>)
      %mul3A_257 = arith.constant 8 : i32
      %mul3A_258 = arith.muli %scan3A_208, %mul3A_257 : i32
      %add3A_259 = arith.constant 3 : i32
      %add3A_260 = arith.addi %mul3A_258, %add3A_259 : i32
      %add3A_261 = arith.constant 512 : i32
      %add3A_262 = arith.addi %add3A_261, %add3A_260 : i32
      %get3A_263 = arith.index_cast %add3A_262 : i32 to index
      %get3A_264 = memref.load %arg9[%get3A_263] : memref<1536xi32, #tpu.memory_space<smem>>
      %dma_start3A_265 = arith.constant 0 : i32
      %dma_start3A_266 = tpu.memref_slice %arg13[%add3A_260, %dma_start3A_265] : memref<192x32xf32, #tpu.memory_space<vmem>> -> memref<1x32xf32, #tpu.memory_space<vmem>>
      %dma_start3A_267 = arith.constant 0 : i32
      %dma_start3A_268 = tpu.memref_slice %arg2[%get3A_264, %dma_start3A_267] : memref<1000000x32xf32, #tpu.memory_space<hbm>> -> memref<1x32xf32, #tpu.memory_space<hbm>>
      %dma_start3A_269 = arith.constant 0 : i32
      %dma_start3A_270 = tpu.memref_slice %arg13[%add3A_260, %dma_start3A_269] : memref<192x32xf32, #tpu.memory_space<vmem>> -> memref<1x32xf32, #tpu.memory_space<vmem>>
      %dma_start3A_271 = arith.constant 0 : i32
      %dma_start3A_272 = tpu.memref_slice %arg2[%get3A_264, %dma_start3A_271] : memref<1000000x32xf32, #tpu.memory_space<hbm>> -> memref<1x32xf32, #tpu.memory_space<hbm>>
      tpu.enqueue_dma source(%dma_start3A_272 : memref<1x32xf32, #tpu.memory_space<hbm>>) target(%dma_start3A_270 : memref<1x32xf32, #tpu.memory_space<vmem>>) target_semaphore(%arg16 : memref<!tpu.dma_semaphore, #tpu.memory_space<semaphore_mem>>)
      %mul3A_273 = arith.constant 8 : i32
      %mul3A_274 = arith.muli %scan3A_208, %mul3A_273 : i32
      %add3A_275 = arith.constant 4 : i32
      %add3A_276 = arith.addi %mul3A_274, %add3A_275 : i32
      %add3A_277 = arith.constant 512 : i32
      %add3A_278 = arith.addi %add3A_277, %add3A_276 : i32
      %get3A_279 = arith.index_cast %add3A_278 : i32 to index
      %get3A_280 = memref.load %arg9[%get3A_279] : memref<1536xi32, #tpu.memory_space<smem>>
      %dma_start3A_281 = arith.constant 0 : i32
      %dma_start3A_282 = tpu.memref_slice %arg13[%add3A_276, %dma_start3A_281] : memref<192x32xf32, #tpu.memory_space<vmem>> -> memref<1x32xf32, #tpu.memory_space<vmem>>
      %dma_start3A_283 = arith.constant 0 : i32
      %dma_start3A_284 = tpu.memref_slice %arg2[%get3A_280, %dma_start3A_283] : memref<1000000x32xf32, #tpu.memory_space<hbm>> -> memref<1x32xf32, #tpu.memory_space<hbm>>
      %dma_start3A_285 = arith.constant 0 : i32
      %dma_start3A_286 = tpu.memref_slice %arg13[%add3A_276, %dma_start3A_285] : memref<192x32xf32, #tpu.memory_space<vmem>> -> memref<1x32xf32, #tpu.memory_space<vmem>>
      %dma_start3A_287 = arith.constant 0 : i32
      %dma_start3A_288 = tpu.memref_slice %arg2[%get3A_280, %dma_start3A_287] : memref<1000000x32xf32, #tpu.memory_space<hbm>> -> memref<1x32xf32, #tpu.memory_space<hbm>>
      tpu.enqueue_dma source(%dma_start3A_288 : memref<1x32xf32, #tpu.memory_space<hbm>>) target(%dma_start3A_286 : memref<1x32xf32, #tpu.memory_space<vmem>>) target_semaphore(%arg16 : memref<!tpu.dma_semaphore, #tpu.memory_space<semaphore_mem>>)
      %mul3A_289 = arith.constant 8 : i32
      %mul3A_290 = arith.muli %scan3A_208, %mul3A_289 : i32
      %add3A_291 = arith.constant 5 : i32
      %add3A_292 = arith.addi %mul3A_290, %add3A_291 : i32
      %add3A_293 = arith.constant 512 : i32
      %add3A_294 = arith.addi %add3A_293, %add3A_292 : i32
      %get3A_295 = arith.index_cast %add3A_294 : i32 to index
      %get3A_296 = memref.load %arg9[%get3A_295] : memref<1536xi32, #tpu.memory_space<smem>>
      %dma_start3A_297 = arith.constant 0 : i32
      %dma_start3A_298 = tpu.memref_slice %arg13[%add3A_292, %dma_start3A_297] : memref<192x32xf32, #tpu.memory_space<vmem>> -> memref<1x32xf32, #tpu.memory_space<vmem>>
      %dma_start3A_299 = arith.constant 0 : i32
      %dma_start3A_300 = tpu.memref_slice %arg2[%get3A_296, %dma_start3A_299] : memref<1000000x32xf32, #tpu.memory_space<hbm>> -> memref<1x32xf32, #tpu.memory_space<hbm>>
      %dma_start3A_301 = arith.constant 0 : i32
      %dma_start3A_302 = tpu.memref_slice %arg13[%add3A_292, %dma_start3A_301] : memref<192x32xf32, #tpu.memory_space<vmem>> -> memref<1x32xf32, #tpu.memory_space<vmem>>
      %dma_start3A_303 = arith.constant 0 : i32
      %dma_start3A_304 = tpu.memref_slice %arg2[%get3A_296, %dma_start3A_303] : memref<1000000x32xf32, #tpu.memory_space<hbm>> -> memref<1x32xf32, #tpu.memory_space<hbm>>
      tpu.enqueue_dma source(%dma_start3A_304 : memref<1x32xf32, #tpu.memory_space<hbm>>) target(%dma_start3A_302 : memref<1x32xf32, #tpu.memory_space<vmem>>) target_semaphore(%arg16 : memref<!tpu.dma_semaphore, #tpu.memory_space<semaphore_mem>>)
      %mul3A_305 = arith.constant 8 : i32
      %mul3A_306 = arith.muli %scan3A_208, %mul3A_305 : i32
      %add3A_307 = arith.constant 6 : i32
      %add3A_308 = arith.addi %mul3A_306, %add3A_307 : i32
      %add3A_309 = arith.constant 512 : i32
      %add3A_310 = arith.addi %add3A_309, %add3A_308 : i32
      %get3A_311 = arith.index_cast %add3A_310 : i32 to index
      %get3A_312 = memref.load %arg9[%get3A_311] : memref<1536xi32, #tpu.memory_space<smem>>
      %dma_start3A_313 = arith.constant 0 : i32
      %dma_start3A_314 = tpu.memref_slice %arg13[%add3A_308, %dma_start3A_313] : memref<192x32xf32, #tpu.memory_space<vmem>> -> memref<1x32xf32, #tpu.memory_space<vmem>>
      %dma_start3A_315 = arith.constant 0 : i32
      %dma_start3A_316 = tpu.memref_slice %arg2[%get3A_312, %dma_start3A_315] : memref<1000000x32xf32, #tpu.memory_space<hbm>> -> memref<1x32xf32, #tpu.memory_space<hbm>>
      %dma_start3A_317 = arith.constant 0 : i32
      %dma_start3A_318 = tpu.memref_slice %arg13[%add3A_308, %dma_start3A_317] : memref<192x32xf32, #tpu.memory_space<vmem>> -> memref<1x32xf32, #tpu.memory_space<vmem>>
      %dma_start3A_319 = arith.constant 0 : i32
      %dma_start3A_320 = tpu.memref_slice %arg2[%get3A_312, %dma_start3A_319] : memref<1000000x32xf32, #tpu.memory_space<hbm>> -> memref<1x32xf32, #tpu.memory_space<hbm>>
      tpu.enqueue_dma source(%dma_start3A_320 : memref<1x32xf32, #tpu.memory_space<hbm>>) target(%dma_start3A_318 : memref<1x32xf32, #tpu.memory_space<vmem>>) target_semaphore(%arg16 : memref<!tpu.dma_semaphore, #tpu.memory_space<semaphore_mem>>)
      %mul3A_321 = arith.constant 8 : i32
      %mul3A_322 = arith.muli %scan3A_208, %mul3A_321 : i32
      %add3A_323 = arith.constant 7 : i32
      %add3A_324 = arith.addi %mul3A_322, %add3A_323 : i32
      %add3A_325 = arith.constant 512 : i32
      %add3A_326 = arith.addi %add3A_325, %add3A_324 : i32
      %get3A_327 = arith.index_cast %add3A_326 : i32 to index
      %get3A_328 = memref.load %arg9[%get3A_327] : memref<1536xi32, #tpu.memory_space<smem>>
      %dma_start3A_329 = arith.constant 0 : i32
      %dma_start3A_330 = tpu.memref_slice %arg13[%add3A_324, %dma_start3A_329] : memref<192x32xf32, #tpu.memory_space<vmem>> -> memref<1x32xf32, #tpu.memory_space<vmem>>
      %dma_start3A_331 = arith.constant 0 : i32
      %dma_start3A_332 = tpu.memref_slice %arg2[%get3A_328, %dma_start3A_331] : memref<1000000x32xf32, #tpu.memory_space<hbm>> -> memref<1x32xf32, #tpu.memory_space<hbm>>
      %dma_start3A_333 = arith.constant 0 : i32
      %dma_start3A_334 = tpu.memref_slice %arg13[%add3A_324, %dma_start3A_333] : memref<192x32xf32, #tpu.memory_space<vmem>> -> memref<1x32xf32, #tpu.memory_space<vmem>>
      %dma_start3A_335 = arith.constant 0 : i32
      %dma_start3A_336 = tpu.memref_slice %arg2[%get3A_328, %dma_start3A_335] : memref<1000000x32xf32, #tpu.memory_space<hbm>> -> memref<1x32xf32, #tpu.memory_space<hbm>>
      tpu.enqueue_dma source(%dma_start3A_336 : memref<1x32xf32, #tpu.memory_space<hbm>>) target(%dma_start3A_334 : memref<1x32xf32, #tpu.memory_space<vmem>>) target_semaphore(%arg16 : memref<!tpu.dma_semaphore, #tpu.memory_space<semaphore_mem>>)
      %scan3A_337 = arith.constant 0 : i32
      scf.yield %scan3A_337 : i32
    }
    %scan3A_54 = arith.constant 24 : i32
    %scan3A_55 = arith.constant 0 : i32
    %scan3A_56 = arith.constant 0 : i32
    %scan3A_57 = arith.constant 8 : i32
    %scan3A_58 = arith.addi %scan3A_56, %scan3A_57 : i32
    %scan3A_59 = arith.constant 1 : i32
    %scan3A_60 = scf.for %scan3A_208 = %scan3A_56 to %scan3A_58 step %scan3A_59 iter_args(%scan3A_209 = %scan3A_55) -> (i32)  : i32 {
      %mul3A_210 = arith.constant 8 : i32
      %mul3A_211 = arith.muli %scan3A_208, %mul3A_210 : i32
      %add3A_212 = arith.constant 192 : i32
      %add3A_213 = arith.addi %add3A_212, %mul3A_211 : i32
      %add3A_214 = arith.constant 0 : i32
      %add3A_215 = arith.addi %add3A_213, %add3A_214 : i32
      %add3A_216 = arith.constant 512 : i32
      %add3A_217 = arith.addi %add3A_216, %add3A_215 : i32
      %get3A = arith.index_cast %add3A_217 : i32 to index
      %get3A_218 = memref.load %arg9[%get3A] : memref<1536xi32, #tpu.memory_space<smem>>
      %add3A_219 = arith.constant 0 : i32
      %add3A_220 = arith.addi %mul3A_2, %add3A_219 : i32
      %add3A_221 = arith.addi %add3A_220, %add3A_215 : i32
      %dma_start3A_222 = arith.constant 0 : i32
      %dma_start3A_223 = tpu.memref_slice %arg7[%add3A_221, %dma_start3A_222] : memref<16384x32xf32, #tpu.memory_space<hbm>> -> memref<1x32xf32, #tpu.memory_space<hbm>>
      %dma_start3A_224 = arith.constant 0 : i32
      %dma_start3A_225 = tpu.memref_slice %arg2[%get3A_218, %dma_start3A_224] : memref<1000000x32xf32, #tpu.memory_space<hbm>> -> memref<1x32xf32, #tpu.memory_space<hbm>>
      tpu.enqueue_dma source(%dma_start3A_225 : memref<1x32xf32, #tpu.memory_space<hbm>>) target(%dma_start3A_223 : memref<1x32xf32, #tpu.memory_space<hbm>>) target_semaphore(%arg20 : memref<!tpu.dma_semaphore, #tpu.memory_space<semaphore_mem>>)
      %mul3A_226 = arith.constant 8 : i32
      %mul3A_227 = arith.muli %scan3A_208, %mul3A_226 : i32
      %add3A_228 = arith.constant 192 : i32
      %add3A_229 = arith.addi %add3A_228, %mul3A_227 : i32
      %add3A_230 = arith.constant 1 : i32
      %add3A_231 = arith.addi %add3A_229, %add3A_230 : i32
      %add3A_232 = arith.constant 512 : i32
      %add3A_233 = arith.addi %add3A_232, %add3A_231 : i32
      %get3A_234 = arith.index_cast %add3A_233 : i32 to index
      %get3A_235 = memref.load %arg9[%get3A_234] : memref<1536xi32, #tpu.memory_space<smem>>
      %add3A_236 = arith.constant 0 : i32
      %add3A_237 = arith.addi %mul3A_2, %add3A_236 : i32
      %add3A_238 = arith.addi %add3A_237, %add3A_231 : i32
      %dma_start3A_239 = arith.constant 0 : i32
      %dma_start3A_240 = tpu.memref_slice %arg7[%add3A_238, %dma_start3A_239] : memref<16384x32xf32, #tpu.memory_space<hbm>> -> memref<1x32xf32, #tpu.memory_space<hbm>>
      %dma_start3A_241 = arith.constant 0 : i32
      %dma_start3A_242 = tpu.memref_slice %arg2[%get3A_235, %dma_start3A_241] : memref<1000000x32xf32, #tpu.memory_space<hbm>> -> memref<1x32xf32, #tpu.memory_space<hbm>>
      tpu.enqueue_dma source(%dma_start3A_242 : memref<1x32xf32, #tpu.memory_space<hbm>>) target(%dma_start3A_240 : memref<1x32xf32, #tpu.memory_space<hbm>>) target_semaphore(%arg21 : memref<!tpu.dma_semaphore, #tpu.memory_space<semaphore_mem>>)
      %mul3A_243 = arith.constant 8 : i32
      %mul3A_244 = arith.muli %scan3A_208, %mul3A_243 : i32
      %add3A_245 = arith.constant 192 : i32
      %add3A_246 = arith.addi %add3A_245, %mul3A_244 : i32
      %add3A_247 = arith.constant 2 : i32
      %add3A_248 = arith.addi %add3A_246, %add3A_247 : i32
      %add3A_249 = arith.constant 512 : i32
      %add3A_250 = arith.addi %add3A_249, %add3A_248 : i32
      %get3A_251 = arith.index_cast %add3A_250 : i32 to index
      %get3A_252 = memref.load %arg9[%get3A_251] : memref<1536xi32, #tpu.memory_space<smem>>
      %add3A_253 = arith.constant 0 : i32
      %add3A_254 = arith.addi %mul3A_2, %add3A_253 : i32
      %add3A_255 = arith.addi %add3A_254, %add3A_248 : i32
      %dma_start3A_256 = arith.constant 0 : i32
      %dma_start3A_257 = tpu.memref_slice %arg7[%add3A_255, %dma_start3A_256] : memref<16384x32xf32, #tpu.memory_space<hbm>> -> memref<1x32xf32, #tpu.memory_space<hbm>>
      %dma_start3A_258 = arith.constant 0 : i32
      %dma_start3A_259 = tpu.memref_slice %arg2[%get3A_252, %dma_start3A_258] : memref<1000000x32xf32, #tpu.memory_space<hbm>> -> memref<1x32xf32, #tpu.memory_space<hbm>>
      tpu.enqueue_dma source(%dma_start3A_259 : memref<1x32xf32, #tpu.memory_space<hbm>>) target(%dma_start3A_257 : memref<1x32xf32, #tpu.memory_space<hbm>>) target_semaphore(%arg22 : memref<!tpu.dma_semaphore, #tpu.memory_space<semaphore_mem>>)
      %mul3A_260 = arith.constant 8 : i32
      %mul3A_261 = arith.muli %scan3A_208, %mul3A_260 : i32
      %add3A_262 = arith.constant 192 : i32
      %add3A_263 = arith.addi %add3A_262, %mul3A_261 : i32
      %add3A_264 = arith.constant 3 : i32
      %add3A_265 = arith.addi %add3A_263, %add3A_264 : i32
      %add3A_266 = arith.constant 512 : i32
      %add3A_267 = arith.addi %add3A_266, %add3A_265 : i32
      %get3A_268 = arith.index_cast %add3A_267 : i32 to index
      %get3A_269 = memref.load %arg9[%get3A_268] : memref<1536xi32, #tpu.memory_space<smem>>
      %add3A_270 = arith.constant 0 : i32
      %add3A_271 = arith.addi %mul3A_2, %add3A_270 : i32
      %add3A_272 = arith.addi %add3A_271, %add3A_265 : i32
      %dma_start3A_273 = arith.constant 0 : i32
      %dma_start3A_274 = tpu.memref_slice %arg7[%add3A_272, %dma_start3A_273] : memref<16384x32xf32, #tpu.memory_space<hbm>> -> memref<1x32xf32, #tpu.memory_space<hbm>>
      %dma_start3A_275 = arith.constant 0 : i32
      %dma_start3A_276 = tpu.memref_slice %arg2[%get3A_269, %dma_start3A_275] : memref<1000000x32xf32, #tpu.memory_space<hbm>> -> memref<1x32xf32, #tpu.memory_space<hbm>>
      tpu.enqueue_dma source(%dma_start3A_276 : memref<1x32xf32, #tpu.memory_space<hbm>>) target(%dma_start3A_274 : memref<1x32xf32, #tpu.memory_space<hbm>>) target_semaphore(%arg23 : memref<!tpu.dma_semaphore, #tpu.memory_space<semaphore_mem>>)
      %mul3A_277 = arith.constant 8 : i32
      %mul3A_278 = arith.muli %scan3A_208, %mul3A_277 : i32
      %add3A_279 = arith.constant 192 : i32
      %add3A_280 = arith.addi %add3A_279, %mul3A_278 : i32
      %add3A_281 = arith.constant 4 : i32
      %add3A_282 = arith.addi %add3A_280, %add3A_281 : i32
      %add3A_283 = arith.constant 512 : i32
      %add3A_284 = arith.addi %add3A_283, %add3A_282 : i32
      %get3A_285 = arith.index_cast %add3A_284 : i32 to index
      %get3A_286 = memref.load %arg9[%get3A_285] : memref<1536xi32, #tpu.memory_space<smem>>
      %add3A_287 = arith.constant 0 : i32
      %add3A_288 = arith.addi %mul3A_2, %add3A_287 : i32
      %add3A_289 = arith.addi %add3A_288, %add3A_282 : i32
      %dma_start3A_290 = arith.constant 0 : i32
      %dma_start3A_291 = tpu.memref_slice %arg7[%add3A_289, %dma_start3A_290] : memref<16384x32xf32, #tpu.memory_space<hbm>> -> memref<1x32xf32, #tpu.memory_space<hbm>>
      %dma_start3A_292 = arith.constant 0 : i32
      %dma_start3A_293 = tpu.memref_slice %arg2[%get3A_286, %dma_start3A_292] : memref<1000000x32xf32, #tpu.memory_space<hbm>> -> memref<1x32xf32, #tpu.memory_space<hbm>>
      tpu.enqueue_dma source(%dma_start3A_293 : memref<1x32xf32, #tpu.memory_space<hbm>>) target(%dma_start3A_291 : memref<1x32xf32, #tpu.memory_space<hbm>>) target_semaphore(%arg20 : memref<!tpu.dma_semaphore, #tpu.memory_space<semaphore_mem>>)
      %mul3A_294 = arith.constant 8 : i32
      %mul3A_295 = arith.muli %scan3A_208, %mul3A_294 : i32
      %add3A_296 = arith.constant 192 : i32
      %add3A_297 = arith.addi %add3A_296, %mul3A_295 : i32
      %add3A_298 = arith.constant 5 : i32
      %add3A_299 = arith.addi %add3A_297, %add3A_298 : i32
      %add3A_300 = arith.constant 512 : i32
      %add3A_301 = arith.addi %add3A_300, %add3A_299 : i32
      %get3A_302 = arith.index_cast %add3A_301 : i32 to index
      %get3A_303 = memref.load %arg9[%get3A_302] : memref<1536xi32, #tpu.memory_space<smem>>
      %add3A_304 = arith.constant 0 : i32
      %add3A_305 = arith.addi %mul3A_2, %add3A_304 : i32
      %add3A_306 = arith.addi %add3A_305, %add3A_299 : i32
      %dma_start3A_307 = arith.constant 0 : i32
      %dma_start3A_308 = tpu.memref_slice %arg7[%add3A_306, %dma_start3A_307] : memref<16384x32xf32, #tpu.memory_space<hbm>> -> memref<1x32xf32, #tpu.memory_space<hbm>>
      %dma_start3A_309 = arith.constant 0 : i32
      %dma_start3A_310 = tpu.memref_slice %arg2[%get3A_303, %dma_start3A_309] : memref<1000000x32xf32, #tpu.memory_space<hbm>> -> memref<1x32xf32, #tpu.memory_space<hbm>>
      tpu.enqueue_dma source(%dma_start3A_310 : memref<1x32xf32, #tpu.memory_space<hbm>>) target(%dma_start3A_308 : memref<1x32xf32, #tpu.memory_space<hbm>>) target_semaphore(%arg21 : memref<!tpu.dma_semaphore, #tpu.memory_space<semaphore_mem>>)
      %mul3A_311 = arith.constant 8 : i32
      %mul3A_312 = arith.muli %scan3A_208, %mul3A_311 : i32
      %add3A_313 = arith.constant 192 : i32
      %add3A_314 = arith.addi %add3A_313, %mul3A_312 : i32
      %add3A_315 = arith.constant 6 : i32
      %add3A_316 = arith.addi %add3A_314, %add3A_315 : i32
      %add3A_317 = arith.constant 512 : i32
      %add3A_318 = arith.addi %add3A_317, %add3A_316 : i32
      %get3A_319 = arith.index_cast %add3A_318 : i32 to index
      %get3A_320 = memref.load %arg9[%get3A_319] : memref<1536xi32, #tpu.memory_space<smem>>
      %add3A_321 = arith.constant 0 : i32
      %add3A_322 = arith.addi %mul3A_2, %add3A_321 : i32
      %add3A_323 = arith.addi %add3A_322, %add3A_316 : i32
      %dma_start3A_324 = arith.constant 0 : i32
      %dma_start3A_325 = tpu.memref_slice %arg7[%add3A_323, %dma_start3A_324] : memref<16384x32xf32, #tpu.memory_space<hbm>> -> memref<1x32xf32, #tpu.memory_space<hbm>>
      %dma_start3A_326 = arith.constant 0 : i32
      %dma_start3A_327 = tpu.memref_slice %arg2[%get3A_320, %dma_start3A_326] : memref<1000000x32xf32, #tpu.memory_space<hbm>> -> memref<1x32xf32, #tpu.memory_space<hbm>>
      tpu.enqueue_dma source(%dma_start3A_327 : memref<1x32xf32, #tpu.memory_space<hbm>>) target(%dma_start3A_325 : memref<1x32xf32, #tpu.memory_space<hbm>>) target_semaphore(%arg22 : memref<!tpu.dma_semaphore, #tpu.memory_space<semaphore_mem>>)
      %mul3A_328 = arith.constant 8 : i32
      %mul3A_329 = arith.muli %scan3A_208, %mul3A_328 : i32
      %add3A_330 = arith.constant 192 : i32
      %add3A_331 = arith.addi %add3A_330, %mul3A_329 : i32
      %add3A_332 = arith.constant 7 : i32
      %add3A_333 = arith.addi %add3A_331, %add3A_332 : i32
      %add3A_334 = arith.constant 512 : i32
      %add3A_335 = arith.addi %add3A_334, %add3A_333 : i32
      %get3A_336 = arith.index_cast %add3A_335 : i32 to index
      %get3A_337 = memref.load %arg9[%get3A_336] : memref<1536xi32, #tpu.memory_space<smem>>
      %add3A_338 = arith.constant 0 : i32
      %add3A_339 = arith.addi %mul3A_2, %add3A_338 : i32
      %add3A_340 = arith.addi %add3A_339, %add3A_333 : i32
      %dma_start3A_341 = arith.constant 0 : i32
      %dma_start3A_342 = tpu.memref_slice %arg7[%add3A_340, %dma_start3A_341] : memref<16384x32xf32, #tpu.memory_space<hbm>> -> memref<1x32xf32, #tpu.memory_space<hbm>>
      %dma_start3A_343 = arith.constant 0 : i32
      %dma_start3A_344 = tpu.memref_slice %arg2[%get3A_337, %dma_start3A_343] : memref<1000000x32xf32, #tpu.memory_space<hbm>> -> memref<1x32xf32, #tpu.memory_space<hbm>>
      tpu.enqueue_dma source(%dma_start3A_344 : memref<1x32xf32, #tpu.memory_space<hbm>>) target(%dma_start3A_342 : memref<1x32xf32, #tpu.memory_space<hbm>>) target_semaphore(%arg23 : memref<!tpu.dma_semaphore, #tpu.memory_space<semaphore_mem>>)
      %scan3A_345 = arith.constant 0 : i32
      scf.yield %scan3A_345 : i32
    }
    %scan3A_61 = arith.constant 8 : i32
    %dma_wait3A_62 = arith.constant 0 : i32
    %dma_wait3A_63 = arith.constant 0 : i32
    %dma_wait3A_64 = tpu.memref_slice %arg2[%dma_wait3A_62, %dma_wait3A_63] : memref<1000000x32xf32, #tpu.memory_space<hbm>> -> memref<192x32xf32, #tpu.memory_space<hbm>>
    %dma_wait3A_65 = arith.constant 0 : i32
    %dma_wait3A_66 = arith.constant 0 : i32
    %dma_wait3A_67 = tpu.memref_slice %arg2[%dma_wait3A_65, %dma_wait3A_66] : memref<1000000x32xf32, #tpu.memory_space<hbm>> -> memref<192x32xf32, #tpu.memory_space<hbm>>
    tpu.wait_dma2 semaphore(%arg15 : memref<!tpu.dma_semaphore, #tpu.memory_space<semaphore_mem>>) src(%dma_wait3A_67 : memref<192x32xf32, #tpu.memory_space<hbm>>) dst(%arg12 : memref<192x32xf32, #tpu.memory_space<vmem>>)
    %add3A_68 = arith.constant 256 : i32
    %add3A_69 = arith.addi %mul3A_2, %add3A_68 : i32
    %dma_start3A_70 = arith.constant 0 : i32
    %dma_start3A_71 = tpu.memref_slice %arg6[%add3A_69, %dma_start3A_70] : memref<16384x32xf32, #tpu.memory_space<hbm>> -> memref<192x32xf32, #tpu.memory_space<hbm>>
    %dma_start3A_72 = arith.constant 0 : i32
    %dma_start3A_73 = tpu.memref_slice %arg6[%add3A_69, %dma_start3A_72] : memref<16384x32xf32, #tpu.memory_space<hbm>> -> memref<192x32xf32, #tpu.memory_space<hbm>>
    tpu.enqueue_dma source(%arg12 : memref<192x32xf32, #tpu.memory_space<vmem>>) target(%dma_start3A_73 : memref<192x32xf32, #tpu.memory_space<hbm>>) target_semaphore(%arg18 : memref<!tpu.dma_semaphore, #tpu.memory_space<semaphore_mem>>)
    %dma_wait3A_74 = arith.constant 0 : i32
    %dma_wait3A_75 = tpu.memref_slice %arg6[%add3A_44, %dma_wait3A_74] : memref<16384x32xf32, #tpu.memory_space<hbm>> -> memref<192x32xf32, #tpu.memory_space<hbm>>
    %dma_wait3A_76 = arith.constant 0 : i32
    %dma_wait3A_77 = tpu.memref_slice %arg6[%add3A_44, %dma_wait3A_76] : memref<16384x32xf32, #tpu.memory_space<hbm>> -> memref<192x32xf32, #tpu.memory_space<hbm>>
    tpu.wait_dma2 semaphore(%arg17 : memref<!tpu.dma_semaphore, #tpu.memory_space<semaphore_mem>>) src(%arg11 : memref<192x32xf32, #tpu.memory_space<vmem>>) dst(%dma_wait3A_77 : memref<192x32xf32, #tpu.memory_space<hbm>>)
    %scan3A_78 = arith.constant 0 : i32
    %scan3A_79 = arith.constant 0 : i32
    %scan3A_80 = arith.constant 24 : i32
    %scan3A_81 = arith.addi %scan3A_79, %scan3A_80 : i32
    %scan3A_82 = arith.constant 1 : i32
    %scan3A_83 = scf.for %scan3A_208 = %scan3A_79 to %scan3A_81 step %scan3A_82 iter_args(%scan3A_209 = %scan3A_78) -> (i32)  : i32 {
      %mul3A_210 = arith.constant 8 : i32
      %mul3A_211 = arith.muli %scan3A_208, %mul3A_210 : i32
      %add3A_212 = arith.constant 0 : i32
      %add3A_213 = arith.addi %mul3A_211, %add3A_212 : i32
      %add3A_214 = arith.constant 768 : i32
      %add3A_215 = arith.addi %add3A_214, %add3A_213 : i32
      %get3A = arith.index_cast %add3A_215 : i32 to index
      %get3A_216 = memref.load %arg9[%get3A] : memref<1536xi32, #tpu.memory_space<smem>>
      %dma_start3A_217 = arith.constant 0 : i32
      %dma_start3A_218 = tpu.memref_slice %arg11[%add3A_213, %dma_start3A_217] : memref<192x32xf32, #tpu.memory_space<vmem>> -> memref<1x32xf32, #tpu.memory_space<vmem>>
      %dma_start3A_219 = arith.constant 0 : i32
      %dma_start3A_220 = tpu.memref_slice %arg2[%get3A_216, %dma_start3A_219] : memref<1000000x32xf32, #tpu.memory_space<hbm>> -> memref<1x32xf32, #tpu.memory_space<hbm>>
      %dma_start3A_221 = arith.constant 0 : i32
      %dma_start3A_222 = tpu.memref_slice %arg11[%add3A_213, %dma_start3A_221] : memref<192x32xf32, #tpu.memory_space<vmem>> -> memref<1x32xf32, #tpu.memory_space<vmem>>
      %dma_start3A_223 = arith.constant 0 : i32
      %dma_start3A_224 = tpu.memref_slice %arg2[%get3A_216, %dma_start3A_223] : memref<1000000x32xf32, #tpu.memory_space<hbm>> -> memref<1x32xf32, #tpu.memory_space<hbm>>
      tpu.enqueue_dma source(%dma_start3A_224 : memref<1x32xf32, #tpu.memory_space<hbm>>) target(%dma_start3A_222 : memref<1x32xf32, #tpu.memory_space<vmem>>) target_semaphore(%arg14 : memref<!tpu.dma_semaphore, #tpu.memory_space<semaphore_mem>>)
      %mul3A_225 = arith.constant 8 : i32
      %mul3A_226 = arith.muli %scan3A_208, %mul3A_225 : i32
      %add3A_227 = arith.constant 1 : i32
      %add3A_228 = arith.addi %mul3A_226, %add3A_227 : i32
      %add3A_229 = arith.constant 768 : i32
      %add3A_230 = arith.addi %add3A_229, %add3A_228 : i32
      %get3A_231 = arith.index_cast %add3A_230 : i32 to index
      %get3A_232 = memref.load %arg9[%get3A_231] : memref<1536xi32, #tpu.memory_space<smem>>
      %dma_start3A_233 = arith.constant 0 : i32
      %dma_start3A_234 = tpu.memref_slice %arg11[%add3A_228, %dma_start3A_233] : memref<192x32xf32, #tpu.memory_space<vmem>> -> memref<1x32xf32, #tpu.memory_space<vmem>>
      %dma_start3A_235 = arith.constant 0 : i32
      %dma_start3A_236 = tpu.memref_slice %arg2[%get3A_232, %dma_start3A_235] : memref<1000000x32xf32, #tpu.memory_space<hbm>> -> memref<1x32xf32, #tpu.memory_space<hbm>>
      %dma_start3A_237 = arith.constant 0 : i32
      %dma_start3A_238 = tpu.memref_slice %arg11[%add3A_228, %dma_start3A_237] : memref<192x32xf32, #tpu.memory_space<vmem>> -> memref<1x32xf32, #tpu.memory_space<vmem>>
      %dma_start3A_239 = arith.constant 0 : i32
      %dma_start3A_240 = tpu.memref_slice %arg2[%get3A_232, %dma_start3A_239] : memref<1000000x32xf32, #tpu.memory_space<hbm>> -> memref<1x32xf32, #tpu.memory_space<hbm>>
      tpu.enqueue_dma source(%dma_start3A_240 : memref<1x32xf32, #tpu.memory_space<hbm>>) target(%dma_start3A_238 : memref<1x32xf32, #tpu.memory_space<vmem>>) target_semaphore(%arg14 : memref<!tpu.dma_semaphore, #tpu.memory_space<semaphore_mem>>)
      %mul3A_241 = arith.constant 8 : i32
      %mul3A_242 = arith.muli %scan3A_208, %mul3A_241 : i32
      %add3A_243 = arith.constant 2 : i32
      %add3A_244 = arith.addi %mul3A_242, %add3A_243 : i32
      %add3A_245 = arith.constant 768 : i32
      %add3A_246 = arith.addi %add3A_245, %add3A_244 : i32
      %get3A_247 = arith.index_cast %add3A_246 : i32 to index
      %get3A_248 = memref.load %arg9[%get3A_247] : memref<1536xi32, #tpu.memory_space<smem>>
      %dma_start3A_249 = arith.constant 0 : i32
      %dma_start3A_250 = tpu.memref_slice %arg11[%add3A_244, %dma_start3A_249] : memref<192x32xf32, #tpu.memory_space<vmem>> -> memref<1x32xf32, #tpu.memory_space<vmem>>
      %dma_start3A_251 = arith.constant 0 : i32
      %dma_start3A_252 = tpu.memref_slice %arg2[%get3A_248, %dma_start3A_251] : memref<1000000x32xf32, #tpu.memory_space<hbm>> -> memref<1x32xf32, #tpu.memory_space<hbm>>
      %dma_start3A_253 = arith.constant 0 : i32
      %dma_start3A_254 = tpu.memref_slice %arg11[%add3A_244, %dma_start3A_253] : memref<192x32xf32, #tpu.memory_space<vmem>> -> memref<1x32xf32, #tpu.memory_space<vmem>>
      %dma_start3A_255 = arith.constant 0 : i32
      %dma_start3A_256 = tpu.memref_slice %arg2[%get3A_248, %dma_start3A_255] : memref<1000000x32xf32, #tpu.memory_space<hbm>> -> memref<1x32xf32, #tpu.memory_space<hbm>>
      tpu.enqueue_dma source(%dma_start3A_256 : memref<1x32xf32, #tpu.memory_space<hbm>>) target(%dma_start3A_254 : memref<1x32xf32, #tpu.memory_space<vmem>>) target_semaphore(%arg14 : memref<!tpu.dma_semaphore, #tpu.memory_space<semaphore_mem>>)
      %mul3A_257 = arith.constant 8 : i32
      %mul3A_258 = arith.muli %scan3A_208, %mul3A_257 : i32
      %add3A_259 = arith.constant 3 : i32
      %add3A_260 = arith.addi %mul3A_258, %add3A_259 : i32
      %add3A_261 = arith.constant 768 : i32
      %add3A_262 = arith.addi %add3A_261, %add3A_260 : i32
      %get3A_263 = arith.index_cast %add3A_262 : i32 to index
      %get3A_264 = memref.load %arg9[%get3A_263] : memref<1536xi32, #tpu.memory_space<smem>>
      %dma_start3A_265 = arith.constant 0 : i32
      %dma_start3A_266 = tpu.memref_slice %arg11[%add3A_260, %dma_start3A_265] : memref<192x32xf32, #tpu.memory_space<vmem>> -> memref<1x32xf32, #tpu.memory_space<vmem>>
      %dma_start3A_267 = arith.constant 0 : i32
      %dma_start3A_268 = tpu.memref_slice %arg2[%get3A_264, %dma_start3A_267] : memref<1000000x32xf32, #tpu.memory_space<hbm>> -> memref<1x32xf32, #tpu.memory_space<hbm>>
      %dma_start3A_269 = arith.constant 0 : i32
      %dma_start3A_270 = tpu.memref_slice %arg11[%add3A_260, %dma_start3A_269] : memref<192x32xf32, #tpu.memory_space<vmem>> -> memref<1x32xf32, #tpu.memory_space<vmem>>
      %dma_start3A_271 = arith.constant 0 : i32
      %dma_start3A_272 = tpu.memref_slice %arg2[%get3A_264, %dma_start3A_271] : memref<1000000x32xf32, #tpu.memory_space<hbm>> -> memref<1x32xf32, #tpu.memory_space<hbm>>
      tpu.enqueue_dma source(%dma_start3A_272 : memref<1x32xf32, #tpu.memory_space<hbm>>) target(%dma_start3A_270 : memref<1x32xf32, #tpu.memory_space<vmem>>) target_semaphore(%arg14 : memref<!tpu.dma_semaphore, #tpu.memory_space<semaphore_mem>>)
      %mul3A_273 = arith.constant 8 : i32
      %mul3A_274 = arith.muli %scan3A_208, %mul3A_273 : i32
      %add3A_275 = arith.constant 4 : i32
      %add3A_276 = arith.addi %mul3A_274, %add3A_275 : i32
      %add3A_277 = arith.constant 768 : i32
      %add3A_278 = arith.addi %add3A_277, %add3A_276 : i32
      %get3A_279 = arith.index_cast %add3A_278 : i32 to index
      %get3A_280 = memref.load %arg9[%get3A_279] : memref<1536xi32, #tpu.memory_space<smem>>
      %dma_start3A_281 = arith.constant 0 : i32
      %dma_start3A_282 = tpu.memref_slice %arg11[%add3A_276, %dma_start3A_281] : memref<192x32xf32, #tpu.memory_space<vmem>> -> memref<1x32xf32, #tpu.memory_space<vmem>>
      %dma_start3A_283 = arith.constant 0 : i32
      %dma_start3A_284 = tpu.memref_slice %arg2[%get3A_280, %dma_start3A_283] : memref<1000000x32xf32, #tpu.memory_space<hbm>> -> memref<1x32xf32, #tpu.memory_space<hbm>>
      %dma_start3A_285 = arith.constant 0 : i32
      %dma_start3A_286 = tpu.memref_slice %arg11[%add3A_276, %dma_start3A_285] : memref<192x32xf32, #tpu.memory_space<vmem>> -> memref<1x32xf32, #tpu.memory_space<vmem>>
      %dma_start3A_287 = arith.constant 0 : i32
      %dma_start3A_288 = tpu.memref_slice %arg2[%get3A_280, %dma_start3A_287] : memref<1000000x32xf32, #tpu.memory_space<hbm>> -> memref<1x32xf32, #tpu.memory_space<hbm>>
      tpu.enqueue_dma source(%dma_start3A_288 : memref<1x32xf32, #tpu.memory_space<hbm>>) target(%dma_start3A_286 : memref<1x32xf32, #tpu.memory_space<vmem>>) target_semaphore(%arg14 : memref<!tpu.dma_semaphore, #tpu.memory_space<semaphore_mem>>)
      %mul3A_289 = arith.constant 8 : i32
      %mul3A_290 = arith.muli %scan3A_208, %mul3A_289 : i32
      %add3A_291 = arith.constant 5 : i32
      %add3A_292 = arith.addi %mul3A_290, %add3A_291 : i32
      %add3A_293 = arith.constant 768 : i32
      %add3A_294 = arith.addi %add3A_293, %add3A_292 : i32
      %get3A_295 = arith.index_cast %add3A_294 : i32 to index
      %get3A_296 = memref.load %arg9[%get3A_295] : memref<1536xi32, #tpu.memory_space<smem>>
      %dma_start3A_297 = arith.constant 0 : i32
      %dma_start3A_298 = tpu.memref_slice %arg11[%add3A_292, %dma_start3A_297] : memref<192x32xf32, #tpu.memory_space<vmem>> -> memref<1x32xf32, #tpu.memory_space<vmem>>
      %dma_start3A_299 = arith.constant 0 : i32
      %dma_start3A_300 = tpu.memref_slice %arg2[%get3A_296, %dma_start3A_299] : memref<1000000x32xf32, #tpu.memory_space<hbm>> -> memref<1x32xf32, #tpu.memory_space<hbm>>
      %dma_start3A_301 = arith.constant 0 : i32
      %dma_start3A_302 = tpu.memref_slice %arg11[%add3A_292, %dma_start3A_301] : memref<192x32xf32, #tpu.memory_space<vmem>> -> memref<1x32xf32, #tpu.memory_space<vmem>>
      %dma_start3A_303 = arith.constant 0 : i32
      %dma_start3A_304 = tpu.memref_slice %arg2[%get3A_296, %dma_start3A_303] : memref<1000000x32xf32, #tpu.memory_space<hbm>> -> memref<1x32xf32, #tpu.memory_space<hbm>>
      tpu.enqueue_dma source(%dma_start3A_304 : memref<1x32xf32, #tpu.memory_space<hbm>>) target(%dma_start3A_302 : memref<1x32xf32, #tpu.memory_space<vmem>>) target_semaphore(%arg14 : memref<!tpu.dma_semaphore, #tpu.memory_space<semaphore_mem>>)
      %mul3A_305 = arith.constant 8 : i32
      %mul3A_306 = arith.muli %scan3A_208, %mul3A_305 : i32
      %add3A_307 = arith.constant 6 : i32
      %add3A_308 = arith.addi %mul3A_306, %add3A_307 : i32
      %add3A_309 = arith.constant 768 : i32
      %add3A_310 = arith.addi %add3A_309, %add3A_308 : i32
      %get3A_311 = arith.index_cast %add3A_310 : i32 to index
      %get3A_312 = memref.load %arg9[%get3A_311] : memref<1536xi32, #tpu.memory_space<smem>>
      %dma_start3A_313 = arith.constant 0 : i32
      %dma_start3A_314 = tpu.memref_slice %arg11[%add3A_308, %dma_start3A_313] : memref<192x32xf32, #tpu.memory_space<vmem>> -> memref<1x32xf32, #tpu.memory_space<vmem>>
      %dma_start3A_315 = arith.constant 0 : i32
      %dma_start3A_316 = tpu.memref_slice %arg2[%get3A_312, %dma_start3A_315] : memref<1000000x32xf32, #tpu.memory_space<hbm>> -> memref<1x32xf32, #tpu.memory_space<hbm>>
      %dma_start3A_317 = arith.constant 0 : i32
      %dma_start3A_318 = tpu.memref_slice %arg11[%add3A_308, %dma_start3A_317] : memref<192x32xf32, #tpu.memory_space<vmem>> -> memref<1x32xf32, #tpu.memory_space<vmem>>
      %dma_start3A_319 = arith.constant 0 : i32
      %dma_start3A_320 = tpu.memref_slice %arg2[%get3A_312, %dma_start3A_319] : memref<1000000x32xf32, #tpu.memory_space<hbm>> -> memref<1x32xf32, #tpu.memory_space<hbm>>
      tpu.enqueue_dma source(%dma_start3A_320 : memref<1x32xf32, #tpu.memory_space<hbm>>) target(%dma_start3A_318 : memref<1x32xf32, #tpu.memory_space<vmem>>) target_semaphore(%arg14 : memref<!tpu.dma_semaphore, #tpu.memory_space<semaphore_mem>>)
      %mul3A_321 = arith.constant 8 : i32
      %mul3A_322 = arith.muli %scan3A_208, %mul3A_321 : i32
      %add3A_323 = arith.constant 7 : i32
      %add3A_324 = arith.addi %mul3A_322, %add3A_323 : i32
      %add3A_325 = arith.constant 768 : i32
      %add3A_326 = arith.addi %add3A_325, %add3A_324 : i32
      %get3A_327 = arith.index_cast %add3A_326 : i32 to index
      %get3A_328 = memref.load %arg9[%get3A_327] : memref<1536xi32, #tpu.memory_space<smem>>
      %dma_start3A_329 = arith.constant 0 : i32
      %dma_start3A_330 = tpu.memref_slice %arg11[%add3A_324, %dma_start3A_329] : memref<192x32xf32, #tpu.memory_space<vmem>> -> memref<1x32xf32, #tpu.memory_space<vmem>>
      %dma_start3A_331 = arith.constant 0 : i32
      %dma_start3A_332 = tpu.memref_slice %arg2[%get3A_328, %dma_start3A_331] : memref<1000000x32xf32, #tpu.memory_space<hbm>> -> memref<1x32xf32, #tpu.memory_space<hbm>>
      %dma_start3A_333 = arith.constant 0 : i32
      %dma_start3A_334 = tpu.memref_slice %arg11[%add3A_324, %dma_start3A_333] : memref<192x32xf32, #tpu.memory_space<vmem>> -> memref<1x32xf32, #tpu.memory_space<vmem>>
      %dma_start3A_335 = arith.constant 0 : i32
      %dma_start3A_336 = tpu.memref_slice %arg2[%get3A_328, %dma_start3A_335] : memref<1000000x32xf32, #tpu.memory_space<hbm>> -> memref<1x32xf32, #tpu.memory_space<hbm>>
      tpu.enqueue_dma source(%dma_start3A_336 : memref<1x32xf32, #tpu.memory_space<hbm>>) target(%dma_start3A_334 : memref<1x32xf32, #tpu.memory_space<vmem>>) target_semaphore(%arg14 : memref<!tpu.dma_semaphore, #tpu.memory_space<semaphore_mem>>)
      %scan3A_337 = arith.constant 0 : i32
      scf.yield %scan3A_337 : i32
    }
    %scan3A_84 = arith.constant 24 : i32
    %scan3A_85 = arith.constant 0 : i32
    %scan3A_86 = arith.constant 0 : i32
    %scan3A_87 = arith.constant 8 : i32
    %scan3A_88 = arith.addi %scan3A_86, %scan3A_87 : i32
    %scan3A_89 = arith.constant 1 : i32
    %scan3A_90 = scf.for %scan3A_208 = %scan3A_86 to %scan3A_88 step %scan3A_89 iter_args(%scan3A_209 = %scan3A_85) -> (i32)  : i32 {
      %mul3A_210 = arith.constant 8 : i32
      %mul3A_211 = arith.muli %scan3A_208, %mul3A_210 : i32
      %add3A_212 = arith.constant 192 : i32
      %add3A_213 = arith.addi %add3A_212, %mul3A_211 : i32
      %add3A_214 = arith.constant 0 : i32
      %add3A_215 = arith.addi %add3A_213, %add3A_214 : i32
      %add3A_216 = arith.constant 768 : i32
      %add3A_217 = arith.addi %add3A_216, %add3A_215 : i32
      %get3A = arith.index_cast %add3A_217 : i32 to index
      %get3A_218 = memref.load %arg9[%get3A] : memref<1536xi32, #tpu.memory_space<smem>>
      %add3A_219 = arith.constant 256 : i32
      %add3A_220 = arith.addi %mul3A_2, %add3A_219 : i32
      %add3A_221 = arith.addi %add3A_220, %add3A_215 : i32
      %dma_start3A_222 = arith.constant 0 : i32
      %dma_start3A_223 = tpu.memref_slice %arg7[%add3A_221, %dma_start3A_222] : memref<16384x32xf32, #tpu.memory_space<hbm>> -> memref<1x32xf32, #tpu.memory_space<hbm>>
      %dma_start3A_224 = arith.constant 0 : i32
      %dma_start3A_225 = tpu.memref_slice %arg2[%get3A_218, %dma_start3A_224] : memref<1000000x32xf32, #tpu.memory_space<hbm>> -> memref<1x32xf32, #tpu.memory_space<hbm>>
      tpu.enqueue_dma source(%dma_start3A_225 : memref<1x32xf32, #tpu.memory_space<hbm>>) target(%dma_start3A_223 : memref<1x32xf32, #tpu.memory_space<hbm>>) target_semaphore(%arg20 : memref<!tpu.dma_semaphore, #tpu.memory_space<semaphore_mem>>)
      %mul3A_226 = arith.constant 8 : i32
      %mul3A_227 = arith.muli %scan3A_208, %mul3A_226 : i32
      %add3A_228 = arith.constant 192 : i32
      %add3A_229 = arith.addi %add3A_228, %mul3A_227 : i32
      %add3A_230 = arith.constant 1 : i32
      %add3A_231 = arith.addi %add3A_229, %add3A_230 : i32
      %add3A_232 = arith.constant 768 : i32
      %add3A_233 = arith.addi %add3A_232, %add3A_231 : i32
      %get3A_234 = arith.index_cast %add3A_233 : i32 to index
      %get3A_235 = memref.load %arg9[%get3A_234] : memref<1536xi32, #tpu.memory_space<smem>>
      %add3A_236 = arith.constant 256 : i32
      %add3A_237 = arith.addi %mul3A_2, %add3A_236 : i32
      %add3A_238 = arith.addi %add3A_237, %add3A_231 : i32
      %dma_start3A_239 = arith.constant 0 : i32
      %dma_start3A_240 = tpu.memref_slice %arg7[%add3A_238, %dma_start3A_239] : memref<16384x32xf32, #tpu.memory_space<hbm>> -> memref<1x32xf32, #tpu.memory_space<hbm>>
      %dma_start3A_241 = arith.constant 0 : i32
      %dma_start3A_242 = tpu.memref_slice %arg2[%get3A_235, %dma_start3A_241] : memref<1000000x32xf32, #tpu.memory_space<hbm>> -> memref<1x32xf32, #tpu.memory_space<hbm>>
      tpu.enqueue_dma source(%dma_start3A_242 : memref<1x32xf32, #tpu.memory_space<hbm>>) target(%dma_start3A_240 : memref<1x32xf32, #tpu.memory_space<hbm>>) target_semaphore(%arg21 : memref<!tpu.dma_semaphore, #tpu.memory_space<semaphore_mem>>)
      %mul3A_243 = arith.constant 8 : i32
      %mul3A_244 = arith.muli %scan3A_208, %mul3A_243 : i32
      %add3A_245 = arith.constant 192 : i32
      %add3A_246 = arith.addi %add3A_245, %mul3A_244 : i32
      %add3A_247 = arith.constant 2 : i32
      %add3A_248 = arith.addi %add3A_246, %add3A_247 : i32
      %add3A_249 = arith.constant 768 : i32
      %add3A_250 = arith.addi %add3A_249, %add3A_248 : i32
      %get3A_251 = arith.index_cast %add3A_250 : i32 to index
      %get3A_252 = memref.load %arg9[%get3A_251] : memref<1536xi32, #tpu.memory_space<smem>>
      %add3A_253 = arith.constant 256 : i32
      %add3A_254 = arith.addi %mul3A_2, %add3A_253 : i32
      %add3A_255 = arith.addi %add3A_254, %add3A_248 : i32
      %dma_start3A_256 = arith.constant 0 : i32
      %dma_start3A_257 = tpu.memref_slice %arg7[%add3A_255, %dma_start3A_256] : memref<16384x32xf32, #tpu.memory_space<hbm>> -> memref<1x32xf32, #tpu.memory_space<hbm>>
      %dma_start3A_258 = arith.constant 0 : i32
      %dma_start3A_259 = tpu.memref_slice %arg2[%get3A_252, %dma_start3A_258] : memref<1000000x32xf32, #tpu.memory_space<hbm>> -> memref<1x32xf32, #tpu.memory_space<hbm>>
      tpu.enqueue_dma source(%dma_start3A_259 : memref<1x32xf32, #tpu.memory_space<hbm>>) target(%dma_start3A_257 : memref<1x32xf32, #tpu.memory_space<hbm>>) target_semaphore(%arg22 : memref<!tpu.dma_semaphore, #tpu.memory_space<semaphore_mem>>)
      %mul3A_260 = arith.constant 8 : i32
      %mul3A_261 = arith.muli %scan3A_208, %mul3A_260 : i32
      %add3A_262 = arith.constant 192 : i32
      %add3A_263 = arith.addi %add3A_262, %mul3A_261 : i32
      %add3A_264 = arith.constant 3 : i32
      %add3A_265 = arith.addi %add3A_263, %add3A_264 : i32
      %add3A_266 = arith.constant 768 : i32
      %add3A_267 = arith.addi %add3A_266, %add3A_265 : i32
      %get3A_268 = arith.index_cast %add3A_267 : i32 to index
      %get3A_269 = memref.load %arg9[%get3A_268] : memref<1536xi32, #tpu.memory_space<smem>>
      %add3A_270 = arith.constant 256 : i32
      %add3A_271 = arith.addi %mul3A_2, %add3A_270 : i32
      %add3A_272 = arith.addi %add3A_271, %add3A_265 : i32
      %dma_start3A_273 = arith.constant 0 : i32
      %dma_start3A_274 = tpu.memref_slice %arg7[%add3A_272, %dma_start3A_273] : memref<16384x32xf32, #tpu.memory_space<hbm>> -> memref<1x32xf32, #tpu.memory_space<hbm>>
      %dma_start3A_275 = arith.constant 0 : i32
      %dma_start3A_276 = tpu.memref_slice %arg2[%get3A_269, %dma_start3A_275] : memref<1000000x32xf32, #tpu.memory_space<hbm>> -> memref<1x32xf32, #tpu.memory_space<hbm>>
      tpu.enqueue_dma source(%dma_start3A_276 : memref<1x32xf32, #tpu.memory_space<hbm>>) target(%dma_start3A_274 : memref<1x32xf32, #tpu.memory_space<hbm>>) target_semaphore(%arg23 : memref<!tpu.dma_semaphore, #tpu.memory_space<semaphore_mem>>)
      %mul3A_277 = arith.constant 8 : i32
      %mul3A_278 = arith.muli %scan3A_208, %mul3A_277 : i32
      %add3A_279 = arith.constant 192 : i32
      %add3A_280 = arith.addi %add3A_279, %mul3A_278 : i32
      %add3A_281 = arith.constant 4 : i32
      %add3A_282 = arith.addi %add3A_280, %add3A_281 : i32
      %add3A_283 = arith.constant 768 : i32
      %add3A_284 = arith.addi %add3A_283, %add3A_282 : i32
      %get3A_285 = arith.index_cast %add3A_284 : i32 to index
      %get3A_286 = memref.load %arg9[%get3A_285] : memref<1536xi32, #tpu.memory_space<smem>>
      %add3A_287 = arith.constant 256 : i32
      %add3A_288 = arith.addi %mul3A_2, %add3A_287 : i32
      %add3A_289 = arith.addi %add3A_288, %add3A_282 : i32
      %dma_start3A_290 = arith.constant 0 : i32
      %dma_start3A_291 = tpu.memref_slice %arg7[%add3A_289, %dma_start3A_290] : memref<16384x32xf32, #tpu.memory_space<hbm>> -> memref<1x32xf32, #tpu.memory_space<hbm>>
      %dma_start3A_292 = arith.constant 0 : i32
      %dma_start3A_293 = tpu.memref_slice %arg2[%get3A_286, %dma_start3A_292] : memref<1000000x32xf32, #tpu.memory_space<hbm>> -> memref<1x32xf32, #tpu.memory_space<hbm>>
      tpu.enqueue_dma source(%dma_start3A_293 : memref<1x32xf32, #tpu.memory_space<hbm>>) target(%dma_start3A_291 : memref<1x32xf32, #tpu.memory_space<hbm>>) target_semaphore(%arg20 : memref<!tpu.dma_semaphore, #tpu.memory_space<semaphore_mem>>)
      %mul3A_294 = arith.constant 8 : i32
      %mul3A_295 = arith.muli %scan3A_208, %mul3A_294 : i32
      %add3A_296 = arith.constant 192 : i32
      %add3A_297 = arith.addi %add3A_296, %mul3A_295 : i32
      %add3A_298 = arith.constant 5 : i32
      %add3A_299 = arith.addi %add3A_297, %add3A_298 : i32
      %add3A_300 = arith.constant 768 : i32
      %add3A_301 = arith.addi %add3A_300, %add3A_299 : i32
      %get3A_302 = arith.index_cast %add3A_301 : i32 to index
      %get3A_303 = memref.load %arg9[%get3A_302] : memref<1536xi32, #tpu.memory_space<smem>>
      %add3A_304 = arith.constant 256 : i32
      %add3A_305 = arith.addi %mul3A_2, %add3A_304 : i32
      %add3A_306 = arith.addi %add3A_305, %add3A_299 : i32
      %dma_start3A_307 = arith.constant 0 : i32
      %dma_start3A_308 = tpu.memref_slice %arg7[%add3A_306, %dma_start3A_307] : memref<16384x32xf32, #tpu.memory_space<hbm>> -> memref<1x32xf32, #tpu.memory_space<hbm>>
      %dma_start3A_309 = arith.constant 0 : i32
      %dma_start3A_310 = tpu.memref_slice %arg2[%get3A_303, %dma_start3A_309] : memref<1000000x32xf32, #tpu.memory_space<hbm>> -> memref<1x32xf32, #tpu.memory_space<hbm>>
      tpu.enqueue_dma source(%dma_start3A_310 : memref<1x32xf32, #tpu.memory_space<hbm>>) target(%dma_start3A_308 : memref<1x32xf32, #tpu.memory_space<hbm>>) target_semaphore(%arg21 : memref<!tpu.dma_semaphore, #tpu.memory_space<semaphore_mem>>)
      %mul3A_311 = arith.constant 8 : i32
      %mul3A_312 = arith.muli %scan3A_208, %mul3A_311 : i32
      %add3A_313 = arith.constant 192 : i32
      %add3A_314 = arith.addi %add3A_313, %mul3A_312 : i32
      %add3A_315 = arith.constant 6 : i32
      %add3A_316 = arith.addi %add3A_314, %add3A_315 : i32
      %add3A_317 = arith.constant 768 : i32
      %add3A_318 = arith.addi %add3A_317, %add3A_316 : i32
      %get3A_319 = arith.index_cast %add3A_318 : i32 to index
      %get3A_320 = memref.load %arg9[%get3A_319] : memref<1536xi32, #tpu.memory_space<smem>>
      %add3A_321 = arith.constant 256 : i32
      %add3A_322 = arith.addi %mul3A_2, %add3A_321 : i32
      %add3A_323 = arith.addi %add3A_322, %add3A_316 : i32
      %dma_start3A_324 = arith.constant 0 : i32
      %dma_start3A_325 = tpu.memref_slice %arg7[%add3A_323, %dma_start3A_324] : memref<16384x32xf32, #tpu.memory_space<hbm>> -> memref<1x32xf32, #tpu.memory_space<hbm>>
      %dma_start3A_326 = arith.constant 0 : i32
      %dma_start3A_327 = tpu.memref_slice %arg2[%get3A_320, %dma_start3A_326] : memref<1000000x32xf32, #tpu.memory_space<hbm>> -> memref<1x32xf32, #tpu.memory_space<hbm>>
      tpu.enqueue_dma source(%dma_start3A_327 : memref<1x32xf32, #tpu.memory_space<hbm>>) target(%dma_start3A_325 : memref<1x32xf32, #tpu.memory_space<hbm>>) target_semaphore(%arg22 : memref<!tpu.dma_semaphore, #tpu.memory_space<semaphore_mem>>)
      %mul3A_328 = arith.constant 8 : i32
      %mul3A_329 = arith.muli %scan3A_208, %mul3A_328 : i32
      %add3A_330 = arith.constant 192 : i32
      %add3A_331 = arith.addi %add3A_330, %mul3A_329 : i32
      %add3A_332 = arith.constant 7 : i32
      %add3A_333 = arith.addi %add3A_331, %add3A_332 : i32
      %add3A_334 = arith.constant 768 : i32
      %add3A_335 = arith.addi %add3A_334, %add3A_333 : i32
      %get3A_336 = arith.index_cast %add3A_335 : i32 to index
      %get3A_337 = memref.load %arg9[%get3A_336] : memref<1536xi32, #tpu.memory_space<smem>>
      %add3A_338 = arith.constant 256 : i32
      %add3A_339 = arith.addi %mul3A_2, %add3A_338 : i32
      %add3A_340 = arith.addi %add3A_339, %add3A_333 : i32
      %dma_start3A_341 = arith.constant 0 : i32
      %dma_start3A_342 = tpu.memref_slice %arg7[%add3A_340, %dma_start3A_341] : memref<16384x32xf32, #tpu.memory_space<hbm>> -> memref<1x32xf32, #tpu.memory_space<hbm>>
      %dma_start3A_343 = arith.constant 0 : i32
      %dma_start3A_344 = tpu.memref_slice %arg2[%get3A_337, %dma_start3A_343] : memref<1000000x32xf32, #tpu.memory_space<hbm>> -> memref<1x32xf32, #tpu.memory_space<hbm>>
      tpu.enqueue_dma source(%dma_start3A_344 : memref<1x32xf32, #tpu.memory_space<hbm>>) target(%dma_start3A_342 : memref<1x32xf32, #tpu.memory_space<hbm>>) target_semaphore(%arg23 : memref<!tpu.dma_semaphore, #tpu.memory_space<semaphore_mem>>)
      %scan3A_345 = arith.constant 0 : i32
      scf.yield %scan3A_345 : i32
    }
    %scan3A_91 = arith.constant 8 : i32
    %dma_wait3A_92 = arith.constant 0 : i32
    %dma_wait3A_93 = arith.constant 0 : i32
    %dma_wait3A_94 = tpu.memref_slice %arg2[%dma_wait3A_92, %dma_wait3A_93] : memref<1000000x32xf32, #tpu.memory_space<hbm>> -> memref<192x32xf32, #tpu.memory_space<hbm>>
    %dma_wait3A_95 = arith.constant 0 : i32
    %dma_wait3A_96 = arith.constant 0 : i32
    %dma_wait3A_97 = tpu.memref_slice %arg2[%dma_wait3A_95, %dma_wait3A_96] : memref<1000000x32xf32, #tpu.memory_space<hbm>> -> memref<192x32xf32, #tpu.memory_space<hbm>>
    tpu.wait_dma2 semaphore(%arg16 : memref<!tpu.dma_semaphore, #tpu.memory_space<semaphore_mem>>) src(%dma_wait3A_97 : memref<192x32xf32, #tpu.memory_space<hbm>>) dst(%arg13 : memref<192x32xf32, #tpu.memory_space<vmem>>)
    %add3A_98 = arith.constant 0 : i32
    %add3A_99 = arith.addi %mul3A_2, %add3A_98 : i32
    %dma_start3A_100 = arith.constant 0 : i32
    %dma_start3A_101 = tpu.memref_slice %arg7[%add3A_99, %dma_start3A_100] : memref<16384x32xf32, #tpu.memory_space<hbm>> -> memref<192x32xf32, #tpu.memory_space<hbm>>
    %dma_start3A_102 = arith.constant 0 : i32
    %dma_start3A_103 = tpu.memref_slice %arg7[%add3A_99, %dma_start3A_102] : memref<16384x32xf32, #tpu.memory_space<hbm>> -> memref<192x32xf32, #tpu.memory_space<hbm>>
    tpu.enqueue_dma source(%arg13 : memref<192x32xf32, #tpu.memory_space<vmem>>) target(%dma_start3A_103 : memref<192x32xf32, #tpu.memory_space<hbm>>) target_semaphore(%arg19 : memref<!tpu.dma_semaphore, #tpu.memory_space<semaphore_mem>>)
    %dma_wait3A_104 = arith.constant 0 : i32
    %dma_wait3A_105 = tpu.memref_slice %arg6[%add3A_69, %dma_wait3A_104] : memref<16384x32xf32, #tpu.memory_space<hbm>> -> memref<192x32xf32, #tpu.memory_space<hbm>>
    %dma_wait3A_106 = arith.constant 0 : i32
    %dma_wait3A_107 = tpu.memref_slice %arg6[%add3A_69, %dma_wait3A_106] : memref<16384x32xf32, #tpu.memory_space<hbm>> -> memref<192x32xf32, #tpu.memory_space<hbm>>
    tpu.wait_dma2 semaphore(%arg18 : memref<!tpu.dma_semaphore, #tpu.memory_space<semaphore_mem>>) src(%arg12 : memref<192x32xf32, #tpu.memory_space<vmem>>) dst(%dma_wait3A_107 : memref<192x32xf32, #tpu.memory_space<hbm>>)
    %scan3A_108 = arith.constant 0 : i32
    %scan3A_109 = arith.constant 0 : i32
    %scan3A_110 = arith.constant 24 : i32
    %scan3A_111 = arith.addi %scan3A_109, %scan3A_110 : i32
    %scan3A_112 = arith.constant 1 : i32
    %scan3A_113 = scf.for %scan3A_208 = %scan3A_109 to %scan3A_111 step %scan3A_112 iter_args(%scan3A_209 = %scan3A_108) -> (i32)  : i32 {
      %mul3A_210 = arith.constant 8 : i32
      %mul3A_211 = arith.muli %scan3A_208, %mul3A_210 : i32
      %add3A_212 = arith.constant 0 : i32
      %add3A_213 = arith.addi %mul3A_211, %add3A_212 : i32
      %add3A_214 = arith.constant 1024 : i32
      %add3A_215 = arith.addi %add3A_214, %add3A_213 : i32
      %get3A = arith.index_cast %add3A_215 : i32 to index
      %get3A_216 = memref.load %arg9[%get3A] : memref<1536xi32, #tpu.memory_space<smem>>
      %dma_start3A_217 = arith.constant 0 : i32
      %dma_start3A_218 = tpu.memref_slice %arg12[%add3A_213, %dma_start3A_217] : memref<192x32xf32, #tpu.memory_space<vmem>> -> memref<1x32xf32, #tpu.memory_space<vmem>>
      %dma_start3A_219 = arith.constant 0 : i32
      %dma_start3A_220 = tpu.memref_slice %arg2[%get3A_216, %dma_start3A_219] : memref<1000000x32xf32, #tpu.memory_space<hbm>> -> memref<1x32xf32, #tpu.memory_space<hbm>>
      %dma_start3A_221 = arith.constant 0 : i32
      %dma_start3A_222 = tpu.memref_slice %arg12[%add3A_213, %dma_start3A_221] : memref<192x32xf32, #tpu.memory_space<vmem>> -> memref<1x32xf32, #tpu.memory_space<vmem>>
      %dma_start3A_223 = arith.constant 0 : i32
      %dma_start3A_224 = tpu.memref_slice %arg2[%get3A_216, %dma_start3A_223] : memref<1000000x32xf32, #tpu.memory_space<hbm>> -> memref<1x32xf32, #tpu.memory_space<hbm>>
      tpu.enqueue_dma source(%dma_start3A_224 : memref<1x32xf32, #tpu.memory_space<hbm>>) target(%dma_start3A_222 : memref<1x32xf32, #tpu.memory_space<vmem>>) target_semaphore(%arg15 : memref<!tpu.dma_semaphore, #tpu.memory_space<semaphore_mem>>)
      %mul3A_225 = arith.constant 8 : i32
      %mul3A_226 = arith.muli %scan3A_208, %mul3A_225 : i32
      %add3A_227 = arith.constant 1 : i32
      %add3A_228 = arith.addi %mul3A_226, %add3A_227 : i32
      %add3A_229 = arith.constant 1024 : i32
      %add3A_230 = arith.addi %add3A_229, %add3A_228 : i32
      %get3A_231 = arith.index_cast %add3A_230 : i32 to index
      %get3A_232 = memref.load %arg9[%get3A_231] : memref<1536xi32, #tpu.memory_space<smem>>
      %dma_start3A_233 = arith.constant 0 : i32
      %dma_start3A_234 = tpu.memref_slice %arg12[%add3A_228, %dma_start3A_233] : memref<192x32xf32, #tpu.memory_space<vmem>> -> memref<1x32xf32, #tpu.memory_space<vmem>>
      %dma_start3A_235 = arith.constant 0 : i32
      %dma_start3A_236 = tpu.memref_slice %arg2[%get3A_232, %dma_start3A_235] : memref<1000000x32xf32, #tpu.memory_space<hbm>> -> memref<1x32xf32, #tpu.memory_space<hbm>>
      %dma_start3A_237 = arith.constant 0 : i32
      %dma_start3A_238 = tpu.memref_slice %arg12[%add3A_228, %dma_start3A_237] : memref<192x32xf32, #tpu.memory_space<vmem>> -> memref<1x32xf32, #tpu.memory_space<vmem>>
      %dma_start3A_239 = arith.constant 0 : i32
      %dma_start3A_240 = tpu.memref_slice %arg2[%get3A_232, %dma_start3A_239] : memref<1000000x32xf32, #tpu.memory_space<hbm>> -> memref<1x32xf32, #tpu.memory_space<hbm>>
      tpu.enqueue_dma source(%dma_start3A_240 : memref<1x32xf32, #tpu.memory_space<hbm>>) target(%dma_start3A_238 : memref<1x32xf32, #tpu.memory_space<vmem>>) target_semaphore(%arg15 : memref<!tpu.dma_semaphore, #tpu.memory_space<semaphore_mem>>)
      %mul3A_241 = arith.constant 8 : i32
      %mul3A_242 = arith.muli %scan3A_208, %mul3A_241 : i32
      %add3A_243 = arith.constant 2 : i32
      %add3A_244 = arith.addi %mul3A_242, %add3A_243 : i32
      %add3A_245 = arith.constant 1024 : i32
      %add3A_246 = arith.addi %add3A_245, %add3A_244 : i32
      %get3A_247 = arith.index_cast %add3A_246 : i32 to index
      %get3A_248 = memref.load %arg9[%get3A_247] : memref<1536xi32, #tpu.memory_space<smem>>
      %dma_start3A_249 = arith.constant 0 : i32
      %dma_start3A_250 = tpu.memref_slice %arg12[%add3A_244, %dma_start3A_249] : memref<192x32xf32, #tpu.memory_space<vmem>> -> memref<1x32xf32, #tpu.memory_space<vmem>>
      %dma_start3A_251 = arith.constant 0 : i32
      %dma_start3A_252 = tpu.memref_slice %arg2[%get3A_248, %dma_start3A_251] : memref<1000000x32xf32, #tpu.memory_space<hbm>> -> memref<1x32xf32, #tpu.memory_space<hbm>>
      %dma_start3A_253 = arith.constant 0 : i32
      %dma_start3A_254 = tpu.memref_slice %arg12[%add3A_244, %dma_start3A_253] : memref<192x32xf32, #tpu.memory_space<vmem>> -> memref<1x32xf32, #tpu.memory_space<vmem>>
      %dma_start3A_255 = arith.constant 0 : i32
      %dma_start3A_256 = tpu.memref_slice %arg2[%get3A_248, %dma_start3A_255] : memref<1000000x32xf32, #tpu.memory_space<hbm>> -> memref<1x32xf32, #tpu.memory_space<hbm>>
      tpu.enqueue_dma source(%dma_start3A_256 : memref<1x32xf32, #tpu.memory_space<hbm>>) target(%dma_start3A_254 : memref<1x32xf32, #tpu.memory_space<vmem>>) target_semaphore(%arg15 : memref<!tpu.dma_semaphore, #tpu.memory_space<semaphore_mem>>)
      %mul3A_257 = arith.constant 8 : i32
      %mul3A_258 = arith.muli %scan3A_208, %mul3A_257 : i32
      %add3A_259 = arith.constant 3 : i32
      %add3A_260 = arith.addi %mul3A_258, %add3A_259 : i32
      %add3A_261 = arith.constant 1024 : i32
      %add3A_262 = arith.addi %add3A_261, %add3A_260 : i32
      %get3A_263 = arith.index_cast %add3A_262 : i32 to index
      %get3A_264 = memref.load %arg9[%get3A_263] : memref<1536xi32, #tpu.memory_space<smem>>
      %dma_start3A_265 = arith.constant 0 : i32
      %dma_start3A_266 = tpu.memref_slice %arg12[%add3A_260, %dma_start3A_265] : memref<192x32xf32, #tpu.memory_space<vmem>> -> memref<1x32xf32, #tpu.memory_space<vmem>>
      %dma_start3A_267 = arith.constant 0 : i32
      %dma_start3A_268 = tpu.memref_slice %arg2[%get3A_264, %dma_start3A_267] : memref<1000000x32xf32, #tpu.memory_space<hbm>> -> memref<1x32xf32, #tpu.memory_space<hbm>>
      %dma_start3A_269 = arith.constant 0 : i32
      %dma_start3A_270 = tpu.memref_slice %arg12[%add3A_260, %dma_start3A_269] : memref<192x32xf32, #tpu.memory_space<vmem>> -> memref<1x32xf32, #tpu.memory_space<vmem>>
      %dma_start3A_271 = arith.constant 0 : i32
      %dma_start3A_272 = tpu.memref_slice %arg2[%get3A_264, %dma_start3A_271] : memref<1000000x32xf32, #tpu.memory_space<hbm>> -> memref<1x32xf32, #tpu.memory_space<hbm>>
      tpu.enqueue_dma source(%dma_start3A_272 : memref<1x32xf32, #tpu.memory_space<hbm>>) target(%dma_start3A_270 : memref<1x32xf32, #tpu.memory_space<vmem>>) target_semaphore(%arg15 : memref<!tpu.dma_semaphore, #tpu.memory_space<semaphore_mem>>)
      %mul3A_273 = arith.constant 8 : i32
      %mul3A_274 = arith.muli %scan3A_208, %mul3A_273 : i32
      %add3A_275 = arith.constant 4 : i32
      %add3A_276 = arith.addi %mul3A_274, %add3A_275 : i32
      %add3A_277 = arith.constant 1024 : i32
      %add3A_278 = arith.addi %add3A_277, %add3A_276 : i32
      %get3A_279 = arith.index_cast %add3A_278 : i32 to index
      %get3A_280 = memref.load %arg9[%get3A_279] : memref<1536xi32, #tpu.memory_space<smem>>
      %dma_start3A_281 = arith.constant 0 : i32
      %dma_start3A_282 = tpu.memref_slice %arg12[%add3A_276, %dma_start3A_281] : memref<192x32xf32, #tpu.memory_space<vmem>> -> memref<1x32xf32, #tpu.memory_space<vmem>>
      %dma_start3A_283 = arith.constant 0 : i32
      %dma_start3A_284 = tpu.memref_slice %arg2[%get3A_280, %dma_start3A_283] : memref<1000000x32xf32, #tpu.memory_space<hbm>> -> memref<1x32xf32, #tpu.memory_space<hbm>>
      %dma_start3A_285 = arith.constant 0 : i32
      %dma_start3A_286 = tpu.memref_slice %arg12[%add3A_276, %dma_start3A_285] : memref<192x32xf32, #tpu.memory_space<vmem>> -> memref<1x32xf32, #tpu.memory_space<vmem>>
      %dma_start3A_287 = arith.constant 0 : i32
      %dma_start3A_288 = tpu.memref_slice %arg2[%get3A_280, %dma_start3A_287] : memref<1000000x32xf32, #tpu.memory_space<hbm>> -> memref<1x32xf32, #tpu.memory_space<hbm>>
      tpu.enqueue_dma source(%dma_start3A_288 : memref<1x32xf32, #tpu.memory_space<hbm>>) target(%dma_start3A_286 : memref<1x32xf32, #tpu.memory_space<vmem>>) target_semaphore(%arg15 : memref<!tpu.dma_semaphore, #tpu.memory_space<semaphore_mem>>)
      %mul3A_289 = arith.constant 8 : i32
      %mul3A_290 = arith.muli %scan3A_208, %mul3A_289 : i32
      %add3A_291 = arith.constant 5 : i32
      %add3A_292 = arith.addi %mul3A_290, %add3A_291 : i32
      %add3A_293 = arith.constant 1024 : i32
      %add3A_294 = arith.addi %add3A_293, %add3A_292 : i32
      %get3A_295 = arith.index_cast %add3A_294 : i32 to index
      %get3A_296 = memref.load %arg9[%get3A_295] : memref<1536xi32, #tpu.memory_space<smem>>
      %dma_start3A_297 = arith.constant 0 : i32
      %dma_start3A_298 = tpu.memref_slice %arg12[%add3A_292, %dma_start3A_297] : memref<192x32xf32, #tpu.memory_space<vmem>> -> memref<1x32xf32, #tpu.memory_space<vmem>>
      %dma_start3A_299 = arith.constant 0 : i32
      %dma_start3A_300 = tpu.memref_slice %arg2[%get3A_296, %dma_start3A_299] : memref<1000000x32xf32, #tpu.memory_space<hbm>> -> memref<1x32xf32, #tpu.memory_space<hbm>>
      %dma_start3A_301 = arith.constant 0 : i32
      %dma_start3A_302 = tpu.memref_slice %arg12[%add3A_292, %dma_start3A_301] : memref<192x32xf32, #tpu.memory_space<vmem>> -> memref<1x32xf32, #tpu.memory_space<vmem>>
      %dma_start3A_303 = arith.constant 0 : i32
      %dma_start3A_304 = tpu.memref_slice %arg2[%get3A_296, %dma_start3A_303] : memref<1000000x32xf32, #tpu.memory_space<hbm>> -> memref<1x32xf32, #tpu.memory_space<hbm>>
      tpu.enqueue_dma source(%dma_start3A_304 : memref<1x32xf32, #tpu.memory_space<hbm>>) target(%dma_start3A_302 : memref<1x32xf32, #tpu.memory_space<vmem>>) target_semaphore(%arg15 : memref<!tpu.dma_semaphore, #tpu.memory_space<semaphore_mem>>)
      %mul3A_305 = arith.constant 8 : i32
      %mul3A_306 = arith.muli %scan3A_208, %mul3A_305 : i32
      %add3A_307 = arith.constant 6 : i32
      %add3A_308 = arith.addi %mul3A_306, %add3A_307 : i32
      %add3A_309 = arith.constant 1024 : i32
      %add3A_310 = arith.addi %add3A_309, %add3A_308 : i32
      %get3A_311 = arith.index_cast %add3A_310 : i32 to index
      %get3A_312 = memref.load %arg9[%get3A_311] : memref<1536xi32, #tpu.memory_space<smem>>
      %dma_start3A_313 = arith.constant 0 : i32
      %dma_start3A_314 = tpu.memref_slice %arg12[%add3A_308, %dma_start3A_313] : memref<192x32xf32, #tpu.memory_space<vmem>> -> memref<1x32xf32, #tpu.memory_space<vmem>>
      %dma_start3A_315 = arith.constant 0 : i32
      %dma_start3A_316 = tpu.memref_slice %arg2[%get3A_312, %dma_start3A_315] : memref<1000000x32xf32, #tpu.memory_space<hbm>> -> memref<1x32xf32, #tpu.memory_space<hbm>>
      %dma_start3A_317 = arith.constant 0 : i32
      %dma_start3A_318 = tpu.memref_slice %arg12[%add3A_308, %dma_start3A_317] : memref<192x32xf32, #tpu.memory_space<vmem>> -> memref<1x32xf32, #tpu.memory_space<vmem>>
      %dma_start3A_319 = arith.constant 0 : i32
      %dma_start3A_320 = tpu.memref_slice %arg2[%get3A_312, %dma_start3A_319] : memref<1000000x32xf32, #tpu.memory_space<hbm>> -> memref<1x32xf32, #tpu.memory_space<hbm>>
      tpu.enqueue_dma source(%dma_start3A_320 : memref<1x32xf32, #tpu.memory_space<hbm>>) target(%dma_start3A_318 : memref<1x32xf32, #tpu.memory_space<vmem>>) target_semaphore(%arg15 : memref<!tpu.dma_semaphore, #tpu.memory_space<semaphore_mem>>)
      %mul3A_321 = arith.constant 8 : i32
      %mul3A_322 = arith.muli %scan3A_208, %mul3A_321 : i32
      %add3A_323 = arith.constant 7 : i32
      %add3A_324 = arith.addi %mul3A_322, %add3A_323 : i32
      %add3A_325 = arith.constant 1024 : i32
      %add3A_326 = arith.addi %add3A_325, %add3A_324 : i32
      %get3A_327 = arith.index_cast %add3A_326 : i32 to index
      %get3A_328 = memref.load %arg9[%get3A_327] : memref<1536xi32, #tpu.memory_space<smem>>
      %dma_start3A_329 = arith.constant 0 : i32
      %dma_start3A_330 = tpu.memref_slice %arg12[%add3A_324, %dma_start3A_329] : memref<192x32xf32, #tpu.memory_space<vmem>> -> memref<1x32xf32, #tpu.memory_space<vmem>>
      %dma_start3A_331 = arith.constant 0 : i32
      %dma_start3A_332 = tpu.memref_slice %arg2[%get3A_328, %dma_start3A_331] : memref<1000000x32xf32, #tpu.memory_space<hbm>> -> memref<1x32xf32, #tpu.memory_space<hbm>>
      %dma_start3A_333 = arith.constant 0 : i32
      %dma_start3A_334 = tpu.memref_slice %arg12[%add3A_324, %dma_start3A_333] : memref<192x32xf32, #tpu.memory_space<vmem>> -> memref<1x32xf32, #tpu.memory_space<vmem>>
      %dma_start3A_335 = arith.constant 0 : i32
      %dma_start3A_336 = tpu.memref_slice %arg2[%get3A_328, %dma_start3A_335] : memref<1000000x32xf32, #tpu.memory_space<hbm>> -> memref<1x32xf32, #tpu.memory_space<hbm>>
      tpu.enqueue_dma source(%dma_start3A_336 : memref<1x32xf32, #tpu.memory_space<hbm>>) target(%dma_start3A_334 : memref<1x32xf32, #tpu.memory_space<vmem>>) target_semaphore(%arg15 : memref<!tpu.dma_semaphore, #tpu.memory_space<semaphore_mem>>)
      %scan3A_337 = arith.constant 0 : i32
      scf.yield %scan3A_337 : i32
    }
    %scan3A_114 = arith.constant 24 : i32
    %scan3A_115 = arith.constant 0 : i32
    %scan3A_116 = arith.constant 0 : i32
    %scan3A_117 = arith.constant 8 : i32
    %scan3A_118 = arith.addi %scan3A_116, %scan3A_117 : i32
    %scan3A_119 = arith.constant 1 : i32
    %scan3A_120 = scf.for %scan3A_208 = %scan3A_116 to %scan3A_118 step %scan3A_119 iter_args(%scan3A_209 = %scan3A_115) -> (i32)  : i32 {
      %mul3A_210 = arith.constant 8 : i32
      %mul3A_211 = arith.muli %scan3A_208, %mul3A_210 : i32
      %add3A_212 = arith.constant 192 : i32
      %add3A_213 = arith.addi %add3A_212, %mul3A_211 : i32
      %add3A_214 = arith.constant 0 : i32
      %add3A_215 = arith.addi %add3A_213, %add3A_214 : i32
      %add3A_216 = arith.constant 1024 : i32
      %add3A_217 = arith.addi %add3A_216, %add3A_215 : i32
      %get3A = arith.index_cast %add3A_217 : i32 to index
      %get3A_218 = memref.load %arg9[%get3A] : memref<1536xi32, #tpu.memory_space<smem>>
      %add3A_219 = arith.constant 0 : i32
      %add3A_220 = arith.addi %mul3A_2, %add3A_219 : i32
      %add3A_221 = arith.addi %add3A_220, %add3A_215 : i32
      %dma_start3A_222 = arith.constant 0 : i32
      %dma_start3A_223 = tpu.memref_slice %arg8[%add3A_221, %dma_start3A_222] : memref<16384x32xf32, #tpu.memory_space<hbm>> -> memref<1x32xf32, #tpu.memory_space<hbm>>
      %dma_start3A_224 = arith.constant 0 : i32
      %dma_start3A_225 = tpu.memref_slice %arg2[%get3A_218, %dma_start3A_224] : memref<1000000x32xf32, #tpu.memory_space<hbm>> -> memref<1x32xf32, #tpu.memory_space<hbm>>
      tpu.enqueue_dma source(%dma_start3A_225 : memref<1x32xf32, #tpu.memory_space<hbm>>) target(%dma_start3A_223 : memref<1x32xf32, #tpu.memory_space<hbm>>) target_semaphore(%arg20 : memref<!tpu.dma_semaphore, #tpu.memory_space<semaphore_mem>>)
      %mul3A_226 = arith.constant 8 : i32
      %mul3A_227 = arith.muli %scan3A_208, %mul3A_226 : i32
      %add3A_228 = arith.constant 192 : i32
      %add3A_229 = arith.addi %add3A_228, %mul3A_227 : i32
      %add3A_230 = arith.constant 1 : i32
      %add3A_231 = arith.addi %add3A_229, %add3A_230 : i32
      %add3A_232 = arith.constant 1024 : i32
      %add3A_233 = arith.addi %add3A_232, %add3A_231 : i32
      %get3A_234 = arith.index_cast %add3A_233 : i32 to index
      %get3A_235 = memref.load %arg9[%get3A_234] : memref<1536xi32, #tpu.memory_space<smem>>
      %add3A_236 = arith.constant 0 : i32
      %add3A_237 = arith.addi %mul3A_2, %add3A_236 : i32
      %add3A_238 = arith.addi %add3A_237, %add3A_231 : i32
      %dma_start3A_239 = arith.constant 0 : i32
      %dma_start3A_240 = tpu.memref_slice %arg8[%add3A_238, %dma_start3A_239] : memref<16384x32xf32, #tpu.memory_space<hbm>> -> memref<1x32xf32, #tpu.memory_space<hbm>>
      %dma_start3A_241 = arith.constant 0 : i32
      %dma_start3A_242 = tpu.memref_slice %arg2[%get3A_235, %dma_start3A_241] : memref<1000000x32xf32, #tpu.memory_space<hbm>> -> memref<1x32xf32, #tpu.memory_space<hbm>>
      tpu.enqueue_dma source(%dma_start3A_242 : memref<1x32xf32, #tpu.memory_space<hbm>>) target(%dma_start3A_240 : memref<1x32xf32, #tpu.memory_space<hbm>>) target_semaphore(%arg21 : memref<!tpu.dma_semaphore, #tpu.memory_space<semaphore_mem>>)
      %mul3A_243 = arith.constant 8 : i32
      %mul3A_244 = arith.muli %scan3A_208, %mul3A_243 : i32
      %add3A_245 = arith.constant 192 : i32
      %add3A_246 = arith.addi %add3A_245, %mul3A_244 : i32
      %add3A_247 = arith.constant 2 : i32
      %add3A_248 = arith.addi %add3A_246, %add3A_247 : i32
      %add3A_249 = arith.constant 1024 : i32
      %add3A_250 = arith.addi %add3A_249, %add3A_248 : i32
      %get3A_251 = arith.index_cast %add3A_250 : i32 to index
      %get3A_252 = memref.load %arg9[%get3A_251] : memref<1536xi32, #tpu.memory_space<smem>>
      %add3A_253 = arith.constant 0 : i32
      %add3A_254 = arith.addi %mul3A_2, %add3A_253 : i32
      %add3A_255 = arith.addi %add3A_254, %add3A_248 : i32
      %dma_start3A_256 = arith.constant 0 : i32
      %dma_start3A_257 = tpu.memref_slice %arg8[%add3A_255, %dma_start3A_256] : memref<16384x32xf32, #tpu.memory_space<hbm>> -> memref<1x32xf32, #tpu.memory_space<hbm>>
      %dma_start3A_258 = arith.constant 0 : i32
      %dma_start3A_259 = tpu.memref_slice %arg2[%get3A_252, %dma_start3A_258] : memref<1000000x32xf32, #tpu.memory_space<hbm>> -> memref<1x32xf32, #tpu.memory_space<hbm>>
      tpu.enqueue_dma source(%dma_start3A_259 : memref<1x32xf32, #tpu.memory_space<hbm>>) target(%dma_start3A_257 : memref<1x32xf32, #tpu.memory_space<hbm>>) target_semaphore(%arg22 : memref<!tpu.dma_semaphore, #tpu.memory_space<semaphore_mem>>)
      %mul3A_260 = arith.constant 8 : i32
      %mul3A_261 = arith.muli %scan3A_208, %mul3A_260 : i32
      %add3A_262 = arith.constant 192 : i32
      %add3A_263 = arith.addi %add3A_262, %mul3A_261 : i32
      %add3A_264 = arith.constant 3 : i32
      %add3A_265 = arith.addi %add3A_263, %add3A_264 : i32
      %add3A_266 = arith.constant 1024 : i32
      %add3A_267 = arith.addi %add3A_266, %add3A_265 : i32
      %get3A_268 = arith.index_cast %add3A_267 : i32 to index
      %get3A_269 = memref.load %arg9[%get3A_268] : memref<1536xi32, #tpu.memory_space<smem>>
      %add3A_270 = arith.constant 0 : i32
      %add3A_271 = arith.addi %mul3A_2, %add3A_270 : i32
      %add3A_272 = arith.addi %add3A_271, %add3A_265 : i32
      %dma_start3A_273 = arith.constant 0 : i32
      %dma_start3A_274 = tpu.memref_slice %arg8[%add3A_272, %dma_start3A_273] : memref<16384x32xf32, #tpu.memory_space<hbm>> -> memref<1x32xf32, #tpu.memory_space<hbm>>
      %dma_start3A_275 = arith.constant 0 : i32
      %dma_start3A_276 = tpu.memref_slice %arg2[%get3A_269, %dma_start3A_275] : memref<1000000x32xf32, #tpu.memory_space<hbm>> -> memref<1x32xf32, #tpu.memory_space<hbm>>
      tpu.enqueue_dma source(%dma_start3A_276 : memref<1x32xf32, #tpu.memory_space<hbm>>) target(%dma_start3A_274 : memref<1x32xf32, #tpu.memory_space<hbm>>) target_semaphore(%arg23 : memref<!tpu.dma_semaphore, #tpu.memory_space<semaphore_mem>>)
      %mul3A_277 = arith.constant 8 : i32
      %mul3A_278 = arith.muli %scan3A_208, %mul3A_277 : i32
      %add3A_279 = arith.constant 192 : i32
      %add3A_280 = arith.addi %add3A_279, %mul3A_278 : i32
      %add3A_281 = arith.constant 4 : i32
      %add3A_282 = arith.addi %add3A_280, %add3A_281 : i32
      %add3A_283 = arith.constant 1024 : i32
      %add3A_284 = arith.addi %add3A_283, %add3A_282 : i32
      %get3A_285 = arith.index_cast %add3A_284 : i32 to index
      %get3A_286 = memref.load %arg9[%get3A_285] : memref<1536xi32, #tpu.memory_space<smem>>
      %add3A_287 = arith.constant 0 : i32
      %add3A_288 = arith.addi %mul3A_2, %add3A_287 : i32
      %add3A_289 = arith.addi %add3A_288, %add3A_282 : i32
      %dma_start3A_290 = arith.constant 0 : i32
      %dma_start3A_291 = tpu.memref_slice %arg8[%add3A_289, %dma_start3A_290] : memref<16384x32xf32, #tpu.memory_space<hbm>> -> memref<1x32xf32, #tpu.memory_space<hbm>>
      %dma_start3A_292 = arith.constant 0 : i32
      %dma_start3A_293 = tpu.memref_slice %arg2[%get3A_286, %dma_start3A_292] : memref<1000000x32xf32, #tpu.memory_space<hbm>> -> memref<1x32xf32, #tpu.memory_space<hbm>>
      tpu.enqueue_dma source(%dma_start3A_293 : memref<1x32xf32, #tpu.memory_space<hbm>>) target(%dma_start3A_291 : memref<1x32xf32, #tpu.memory_space<hbm>>) target_semaphore(%arg20 : memref<!tpu.dma_semaphore, #tpu.memory_space<semaphore_mem>>)
      %mul3A_294 = arith.constant 8 : i32
      %mul3A_295 = arith.muli %scan3A_208, %mul3A_294 : i32
      %add3A_296 = arith.constant 192 : i32
      %add3A_297 = arith.addi %add3A_296, %mul3A_295 : i32
      %add3A_298 = arith.constant 5 : i32
      %add3A_299 = arith.addi %add3A_297, %add3A_298 : i32
      %add3A_300 = arith.constant 1024 : i32
      %add3A_301 = arith.addi %add3A_300, %add3A_299 : i32
      %get3A_302 = arith.index_cast %add3A_301 : i32 to index
      %get3A_303 = memref.load %arg9[%get3A_302] : memref<1536xi32, #tpu.memory_space<smem>>
      %add3A_304 = arith.constant 0 : i32
      %add3A_305 = arith.addi %mul3A_2, %add3A_304 : i32
      %add3A_306 = arith.addi %add3A_305, %add3A_299 : i32
      %dma_start3A_307 = arith.constant 0 : i32
      %dma_start3A_308 = tpu.memref_slice %arg8[%add3A_306, %dma_start3A_307] : memref<16384x32xf32, #tpu.memory_space<hbm>> -> memref<1x32xf32, #tpu.memory_space<hbm>>
      %dma_start3A_309 = arith.constant 0 : i32
      %dma_start3A_310 = tpu.memref_slice %arg2[%get3A_303, %dma_start3A_309] : memref<1000000x32xf32, #tpu.memory_space<hbm>> -> memref<1x32xf32, #tpu.memory_space<hbm>>
      tpu.enqueue_dma source(%dma_start3A_310 : memref<1x32xf32, #tpu.memory_space<hbm>>) target(%dma_start3A_308 : memref<1x32xf32, #tpu.memory_space<hbm>>) target_semaphore(%arg21 : memref<!tpu.dma_semaphore, #tpu.memory_space<semaphore_mem>>)
      %mul3A_311 = arith.constant 8 : i32
      %mul3A_312 = arith.muli %scan3A_208, %mul3A_311 : i32
      %add3A_313 = arith.constant 192 : i32
      %add3A_314 = arith.addi %add3A_313, %mul3A_312 : i32
      %add3A_315 = arith.constant 6 : i32
      %add3A_316 = arith.addi %add3A_314, %add3A_315 : i32
      %add3A_317 = arith.constant 1024 : i32
      %add3A_318 = arith.addi %add3A_317, %add3A_316 : i32
      %get3A_319 = arith.index_cast %add3A_318 : i32 to index
      %get3A_320 = memref.load %arg9[%get3A_319] : memref<1536xi32, #tpu.memory_space<smem>>
      %add3A_321 = arith.constant 0 : i32
      %add3A_322 = arith.addi %mul3A_2, %add3A_321 : i32
      %add3A_323 = arith.addi %add3A_322, %add3A_316 : i32
      %dma_start3A_324 = arith.constant 0 : i32
      %dma_start3A_325 = tpu.memref_slice %arg8[%add3A_323, %dma_start3A_324] : memref<16384x32xf32, #tpu.memory_space<hbm>> -> memref<1x32xf32, #tpu.memory_space<hbm>>
      %dma_start3A_326 = arith.constant 0 : i32
      %dma_start3A_327 = tpu.memref_slice %arg2[%get3A_320, %dma_start3A_326] : memref<1000000x32xf32, #tpu.memory_space<hbm>> -> memref<1x32xf32, #tpu.memory_space<hbm>>
      tpu.enqueue_dma source(%dma_start3A_327 : memref<1x32xf32, #tpu.memory_space<hbm>>) target(%dma_start3A_325 : memref<1x32xf32, #tpu.memory_space<hbm>>) target_semaphore(%arg22 : memref<!tpu.dma_semaphore, #tpu.memory_space<semaphore_mem>>)
      %mul3A_328 = arith.constant 8 : i32
      %mul3A_329 = arith.muli %scan3A_208, %mul3A_328 : i32
      %add3A_330 = arith.constant 192 : i32
      %add3A_331 = arith.addi %add3A_330, %mul3A_329 : i32
      %add3A_332 = arith.constant 7 : i32
      %add3A_333 = arith.addi %add3A_331, %add3A_332 : i32
      %add3A_334 = arith.constant 1024 : i32
      %add3A_335 = arith.addi %add3A_334, %add3A_333 : i32
      %get3A_336 = arith.index_cast %add3A_335 : i32 to index
      %get3A_337 = memref.load %arg9[%get3A_336] : memref<1536xi32, #tpu.memory_space<smem>>
      %add3A_338 = arith.constant 0 : i32
      %add3A_339 = arith.addi %mul3A_2, %add3A_338 : i32
      %add3A_340 = arith.addi %add3A_339, %add3A_333 : i32
      %dma_start3A_341 = arith.constant 0 : i32
      %dma_start3A_342 = tpu.memref_slice %arg8[%add3A_340, %dma_start3A_341] : memref<16384x32xf32, #tpu.memory_space<hbm>> -> memref<1x32xf32, #tpu.memory_space<hbm>>
      %dma_start3A_343 = arith.constant 0 : i32
      %dma_start3A_344 = tpu.memref_slice %arg2[%get3A_337, %dma_start3A_343] : memref<1000000x32xf32, #tpu.memory_space<hbm>> -> memref<1x32xf32, #tpu.memory_space<hbm>>
      tpu.enqueue_dma source(%dma_start3A_344 : memref<1x32xf32, #tpu.memory_space<hbm>>) target(%dma_start3A_342 : memref<1x32xf32, #tpu.memory_space<hbm>>) target_semaphore(%arg23 : memref<!tpu.dma_semaphore, #tpu.memory_space<semaphore_mem>>)
      %scan3A_345 = arith.constant 0 : i32
      scf.yield %scan3A_345 : i32
    }
    %scan3A_121 = arith.constant 8 : i32
    %dma_wait3A_122 = arith.constant 0 : i32
    %dma_wait3A_123 = arith.constant 0 : i32
    %dma_wait3A_124 = tpu.memref_slice %arg2[%dma_wait3A_122, %dma_wait3A_123] : memref<1000000x32xf32, #tpu.memory_space<hbm>> -> memref<192x32xf32, #tpu.memory_space<hbm>>
    %dma_wait3A_125 = arith.constant 0 : i32
    %dma_wait3A_126 = arith.constant 0 : i32
    %dma_wait3A_127 = tpu.memref_slice %arg2[%dma_wait3A_125, %dma_wait3A_126] : memref<1000000x32xf32, #tpu.memory_space<hbm>> -> memref<192x32xf32, #tpu.memory_space<hbm>>
    tpu.wait_dma2 semaphore(%arg14 : memref<!tpu.dma_semaphore, #tpu.memory_space<semaphore_mem>>) src(%dma_wait3A_127 : memref<192x32xf32, #tpu.memory_space<hbm>>) dst(%arg11 : memref<192x32xf32, #tpu.memory_space<vmem>>)
    %add3A_128 = arith.constant 256 : i32
    %add3A_129 = arith.addi %mul3A_2, %add3A_128 : i32
    %dma_start3A_130 = arith.constant 0 : i32
    %dma_start3A_131 = tpu.memref_slice %arg7[%add3A_129, %dma_start3A_130] : memref<16384x32xf32, #tpu.memory_space<hbm>> -> memref<192x32xf32, #tpu.memory_space<hbm>>
    %dma_start3A_132 = arith.constant 0 : i32
    %dma_start3A_133 = tpu.memref_slice %arg7[%add3A_129, %dma_start3A_132] : memref<16384x32xf32, #tpu.memory_space<hbm>> -> memref<192x32xf32, #tpu.memory_space<hbm>>
    tpu.enqueue_dma source(%arg11 : memref<192x32xf32, #tpu.memory_space<vmem>>) target(%dma_start3A_133 : memref<192x32xf32, #tpu.memory_space<hbm>>) target_semaphore(%arg17 : memref<!tpu.dma_semaphore, #tpu.memory_space<semaphore_mem>>)
    %dma_wait3A_134 = arith.constant 0 : i32
    %dma_wait3A_135 = tpu.memref_slice %arg7[%add3A_99, %dma_wait3A_134] : memref<16384x32xf32, #tpu.memory_space<hbm>> -> memref<192x32xf32, #tpu.memory_space<hbm>>
    %dma_wait3A_136 = arith.constant 0 : i32
    %dma_wait3A_137 = tpu.memref_slice %arg7[%add3A_99, %dma_wait3A_136] : memref<16384x32xf32, #tpu.memory_space<hbm>> -> memref<192x32xf32, #tpu.memory_space<hbm>>
    tpu.wait_dma2 semaphore(%arg19 : memref<!tpu.dma_semaphore, #tpu.memory_space<semaphore_mem>>) src(%arg13 : memref<192x32xf32, #tpu.memory_space<vmem>>) dst(%dma_wait3A_137 : memref<192x32xf32, #tpu.memory_space<hbm>>)
    %scan3A_138 = arith.constant 0 : i32
    %scan3A_139 = arith.constant 0 : i32
    %scan3A_140 = arith.constant 24 : i32
    %scan3A_141 = arith.addi %scan3A_139, %scan3A_140 : i32
    %scan3A_142 = arith.constant 1 : i32
    %scan3A_143 = scf.for %scan3A_208 = %scan3A_139 to %scan3A_141 step %scan3A_142 iter_args(%scan3A_209 = %scan3A_138) -> (i32)  : i32 {
      %mul3A_210 = arith.constant 8 : i32
      %mul3A_211 = arith.muli %scan3A_208, %mul3A_210 : i32
      %add3A_212 = arith.constant 0 : i32
      %add3A_213 = arith.addi %mul3A_211, %add3A_212 : i32
      %add3A_214 = arith.constant 1280 : i32
      %add3A_215 = arith.addi %add3A_214, %add3A_213 : i32
      %get3A = arith.index_cast %add3A_215 : i32 to index
      %get3A_216 = memref.load %arg9[%get3A] : memref<1536xi32, #tpu.memory_space<smem>>
      %dma_start3A_217 = arith.constant 0 : i32
      %dma_start3A_218 = tpu.memref_slice %arg13[%add3A_213, %dma_start3A_217] : memref<192x32xf32, #tpu.memory_space<vmem>> -> memref<1x32xf32, #tpu.memory_space<vmem>>
      %dma_start3A_219 = arith.constant 0 : i32
      %dma_start3A_220 = tpu.memref_slice %arg2[%get3A_216, %dma_start3A_219] : memref<1000000x32xf32, #tpu.memory_space<hbm>> -> memref<1x32xf32, #tpu.memory_space<hbm>>
      %dma_start3A_221 = arith.constant 0 : i32
      %dma_start3A_222 = tpu.memref_slice %arg13[%add3A_213, %dma_start3A_221] : memref<192x32xf32, #tpu.memory_space<vmem>> -> memref<1x32xf32, #tpu.memory_space<vmem>>
      %dma_start3A_223 = arith.constant 0 : i32
      %dma_start3A_224 = tpu.memref_slice %arg2[%get3A_216, %dma_start3A_223] : memref<1000000x32xf32, #tpu.memory_space<hbm>> -> memref<1x32xf32, #tpu.memory_space<hbm>>
      tpu.enqueue_dma source(%dma_start3A_224 : memref<1x32xf32, #tpu.memory_space<hbm>>) target(%dma_start3A_222 : memref<1x32xf32, #tpu.memory_space<vmem>>) target_semaphore(%arg16 : memref<!tpu.dma_semaphore, #tpu.memory_space<semaphore_mem>>)
      %mul3A_225 = arith.constant 8 : i32
      %mul3A_226 = arith.muli %scan3A_208, %mul3A_225 : i32
      %add3A_227 = arith.constant 1 : i32
      %add3A_228 = arith.addi %mul3A_226, %add3A_227 : i32
      %add3A_229 = arith.constant 1280 : i32
      %add3A_230 = arith.addi %add3A_229, %add3A_228 : i32
      %get3A_231 = arith.index_cast %add3A_230 : i32 to index
      %get3A_232 = memref.load %arg9[%get3A_231] : memref<1536xi32, #tpu.memory_space<smem>>
      %dma_start3A_233 = arith.constant 0 : i32
      %dma_start3A_234 = tpu.memref_slice %arg13[%add3A_228, %dma_start3A_233] : memref<192x32xf32, #tpu.memory_space<vmem>> -> memref<1x32xf32, #tpu.memory_space<vmem>>
      %dma_start3A_235 = arith.constant 0 : i32
      %dma_start3A_236 = tpu.memref_slice %arg2[%get3A_232, %dma_start3A_235] : memref<1000000x32xf32, #tpu.memory_space<hbm>> -> memref<1x32xf32, #tpu.memory_space<hbm>>
      %dma_start3A_237 = arith.constant 0 : i32
      %dma_start3A_238 = tpu.memref_slice %arg13[%add3A_228, %dma_start3A_237] : memref<192x32xf32, #tpu.memory_space<vmem>> -> memref<1x32xf32, #tpu.memory_space<vmem>>
      %dma_start3A_239 = arith.constant 0 : i32
      %dma_start3A_240 = tpu.memref_slice %arg2[%get3A_232, %dma_start3A_239] : memref<1000000x32xf32, #tpu.memory_space<hbm>> -> memref<1x32xf32, #tpu.memory_space<hbm>>
      tpu.enqueue_dma source(%dma_start3A_240 : memref<1x32xf32, #tpu.memory_space<hbm>>) target(%dma_start3A_238 : memref<1x32xf32, #tpu.memory_space<vmem>>) target_semaphore(%arg16 : memref<!tpu.dma_semaphore, #tpu.memory_space<semaphore_mem>>)
      %mul3A_241 = arith.constant 8 : i32
      %mul3A_242 = arith.muli %scan3A_208, %mul3A_241 : i32
      %add3A_243 = arith.constant 2 : i32
      %add3A_244 = arith.addi %mul3A_242, %add3A_243 : i32
      %add3A_245 = arith.constant 1280 : i32
      %add3A_246 = arith.addi %add3A_245, %add3A_244 : i32
      %get3A_247 = arith.index_cast %add3A_246 : i32 to index
      %get3A_248 = memref.load %arg9[%get3A_247] : memref<1536xi32, #tpu.memory_space<smem>>
      %dma_start3A_249 = arith.constant 0 : i32
      %dma_start3A_250 = tpu.memref_slice %arg13[%add3A_244, %dma_start3A_249] : memref<192x32xf32, #tpu.memory_space<vmem>> -> memref<1x32xf32, #tpu.memory_space<vmem>>
      %dma_start3A_251 = arith.constant 0 : i32
      %dma_start3A_252 = tpu.memref_slice %arg2[%get3A_248, %dma_start3A_251] : memref<1000000x32xf32, #tpu.memory_space<hbm>> -> memref<1x32xf32, #tpu.memory_space<hbm>>
      %dma_start3A_253 = arith.constant 0 : i32
      %dma_start3A_254 = tpu.memref_slice %arg13[%add3A_244, %dma_start3A_253] : memref<192x32xf32, #tpu.memory_space<vmem>> -> memref<1x32xf32, #tpu.memory_space<vmem>>
      %dma_start3A_255 = arith.constant 0 : i32
      %dma_start3A_256 = tpu.memref_slice %arg2[%get3A_248, %dma_start3A_255] : memref<1000000x32xf32, #tpu.memory_space<hbm>> -> memref<1x32xf32, #tpu.memory_space<hbm>>
      tpu.enqueue_dma source(%dma_start3A_256 : memref<1x32xf32, #tpu.memory_space<hbm>>) target(%dma_start3A_254 : memref<1x32xf32, #tpu.memory_space<vmem>>) target_semaphore(%arg16 : memref<!tpu.dma_semaphore, #tpu.memory_space<semaphore_mem>>)
      %mul3A_257 = arith.constant 8 : i32
      %mul3A_258 = arith.muli %scan3A_208, %mul3A_257 : i32
      %add3A_259 = arith.constant 3 : i32
      %add3A_260 = arith.addi %mul3A_258, %add3A_259 : i32
      %add3A_261 = arith.constant 1280 : i32
      %add3A_262 = arith.addi %add3A_261, %add3A_260 : i32
      %get3A_263 = arith.index_cast %add3A_262 : i32 to index
      %get3A_264 = memref.load %arg9[%get3A_263] : memref<1536xi32, #tpu.memory_space<smem>>
      %dma_start3A_265 = arith.constant 0 : i32
      %dma_start3A_266 = tpu.memref_slice %arg13[%add3A_260, %dma_start3A_265] : memref<192x32xf32, #tpu.memory_space<vmem>> -> memref<1x32xf32, #tpu.memory_space<vmem>>
      %dma_start3A_267 = arith.constant 0 : i32
      %dma_start3A_268 = tpu.memref_slice %arg2[%get3A_264, %dma_start3A_267] : memref<1000000x32xf32, #tpu.memory_space<hbm>> -> memref<1x32xf32, #tpu.memory_space<hbm>>
      %dma_start3A_269 = arith.constant 0 : i32
      %dma_start3A_270 = tpu.memref_slice %arg13[%add3A_260, %dma_start3A_269] : memref<192x32xf32, #tpu.memory_space<vmem>> -> memref<1x32xf32, #tpu.memory_space<vmem>>
      %dma_start3A_271 = arith.constant 0 : i32
      %dma_start3A_272 = tpu.memref_slice %arg2[%get3A_264, %dma_start3A_271] : memref<1000000x32xf32, #tpu.memory_space<hbm>> -> memref<1x32xf32, #tpu.memory_space<hbm>>
      tpu.enqueue_dma source(%dma_start3A_272 : memref<1x32xf32, #tpu.memory_space<hbm>>) target(%dma_start3A_270 : memref<1x32xf32, #tpu.memory_space<vmem>>) target_semaphore(%arg16 : memref<!tpu.dma_semaphore, #tpu.memory_space<semaphore_mem>>)
      %mul3A_273 = arith.constant 8 : i32
      %mul3A_274 = arith.muli %scan3A_208, %mul3A_273 : i32
      %add3A_275 = arith.constant 4 : i32
      %add3A_276 = arith.addi %mul3A_274, %add3A_275 : i32
      %add3A_277 = arith.constant 1280 : i32
      %add3A_278 = arith.addi %add3A_277, %add3A_276 : i32
      %get3A_279 = arith.index_cast %add3A_278 : i32 to index
      %get3A_280 = memref.load %arg9[%get3A_279] : memref<1536xi32, #tpu.memory_space<smem>>
      %dma_start3A_281 = arith.constant 0 : i32
      %dma_start3A_282 = tpu.memref_slice %arg13[%add3A_276, %dma_start3A_281] : memref<192x32xf32, #tpu.memory_space<vmem>> -> memref<1x32xf32, #tpu.memory_space<vmem>>
      %dma_start3A_283 = arith.constant 0 : i32
      %dma_start3A_284 = tpu.memref_slice %arg2[%get3A_280, %dma_start3A_283] : memref<1000000x32xf32, #tpu.memory_space<hbm>> -> memref<1x32xf32, #tpu.memory_space<hbm>>
      %dma_start3A_285 = arith.constant 0 : i32
      %dma_start3A_286 = tpu.memref_slice %arg13[%add3A_276, %dma_start3A_285] : memref<192x32xf32, #tpu.memory_space<vmem>> -> memref<1x32xf32, #tpu.memory_space<vmem>>
      %dma_start3A_287 = arith.constant 0 : i32
      %dma_start3A_288 = tpu.memref_slice %arg2[%get3A_280, %dma_start3A_287] : memref<1000000x32xf32, #tpu.memory_space<hbm>> -> memref<1x32xf32, #tpu.memory_space<hbm>>
      tpu.enqueue_dma source(%dma_start3A_288 : memref<1x32xf32, #tpu.memory_space<hbm>>) target(%dma_start3A_286 : memref<1x32xf32, #tpu.memory_space<vmem>>) target_semaphore(%arg16 : memref<!tpu.dma_semaphore, #tpu.memory_space<semaphore_mem>>)
      %mul3A_289 = arith.constant 8 : i32
      %mul3A_290 = arith.muli %scan3A_208, %mul3A_289 : i32
      %add3A_291 = arith.constant 5 : i32
      %add3A_292 = arith.addi %mul3A_290, %add3A_291 : i32
      %add3A_293 = arith.constant 1280 : i32
      %add3A_294 = arith.addi %add3A_293, %add3A_292 : i32
      %get3A_295 = arith.index_cast %add3A_294 : i32 to index
      %get3A_296 = memref.load %arg9[%get3A_295] : memref<1536xi32, #tpu.memory_space<smem>>
      %dma_start3A_297 = arith.constant 0 : i32
      %dma_start3A_298 = tpu.memref_slice %arg13[%add3A_292, %dma_start3A_297] : memref<192x32xf32, #tpu.memory_space<vmem>> -> memref<1x32xf32, #tpu.memory_space<vmem>>
      %dma_start3A_299 = arith.constant 0 : i32
      %dma_start3A_300 = tpu.memref_slice %arg2[%get3A_296, %dma_start3A_299] : memref<1000000x32xf32, #tpu.memory_space<hbm>> -> memref<1x32xf32, #tpu.memory_space<hbm>>
      %dma_start3A_301 = arith.constant 0 : i32
      %dma_start3A_302 = tpu.memref_slice %arg13[%add3A_292, %dma_start3A_301] : memref<192x32xf32, #tpu.memory_space<vmem>> -> memref<1x32xf32, #tpu.memory_space<vmem>>
      %dma_start3A_303 = arith.constant 0 : i32
      %dma_start3A_304 = tpu.memref_slice %arg2[%get3A_296, %dma_start3A_303] : memref<1000000x32xf32, #tpu.memory_space<hbm>> -> memref<1x32xf32, #tpu.memory_space<hbm>>
      tpu.enqueue_dma source(%dma_start3A_304 : memref<1x32xf32, #tpu.memory_space<hbm>>) target(%dma_start3A_302 : memref<1x32xf32, #tpu.memory_space<vmem>>) target_semaphore(%arg16 : memref<!tpu.dma_semaphore, #tpu.memory_space<semaphore_mem>>)
      %mul3A_305 = arith.constant 8 : i32
      %mul3A_306 = arith.muli %scan3A_208, %mul3A_305 : i32
      %add3A_307 = arith.constant 6 : i32
      %add3A_308 = arith.addi %mul3A_306, %add3A_307 : i32
      %add3A_309 = arith.constant 1280 : i32
      %add3A_310 = arith.addi %add3A_309, %add3A_308 : i32
      %get3A_311 = arith.index_cast %add3A_310 : i32 to index
      %get3A_312 = memref.load %arg9[%get3A_311] : memref<1536xi32, #tpu.memory_space<smem>>
      %dma_start3A_313 = arith.constant 0 : i32
      %dma_start3A_314 = tpu.memref_slice %arg13[%add3A_308, %dma_start3A_313] : memref<192x32xf32, #tpu.memory_space<vmem>> -> memref<1x32xf32, #tpu.memory_space<vmem>>
      %dma_start3A_315 = arith.constant 0 : i32
      %dma_start3A_316 = tpu.memref_slice %arg2[%get3A_312, %dma_start3A_315] : memref<1000000x32xf32, #tpu.memory_space<hbm>> -> memref<1x32xf32, #tpu.memory_space<hbm>>
      %dma_start3A_317 = arith.constant 0 : i32
      %dma_start3A_318 = tpu.memref_slice %arg13[%add3A_308, %dma_start3A_317] : memref<192x32xf32, #tpu.memory_space<vmem>> -> memref<1x32xf32, #tpu.memory_space<vmem>>
      %dma_start3A_319 = arith.constant 0 : i32
      %dma_start3A_320 = tpu.memref_slice %arg2[%get3A_312, %dma_start3A_319] : memref<1000000x32xf32, #tpu.memory_space<hbm>> -> memref<1x32xf32, #tpu.memory_space<hbm>>
      tpu.enqueue_dma source(%dma_start3A_320 : memref<1x32xf32, #tpu.memory_space<hbm>>) target(%dma_start3A_318 : memref<1x32xf32, #tpu.memory_space<vmem>>) target_semaphore(%arg16 : memref<!tpu.dma_semaphore, #tpu.memory_space<semaphore_mem>>)
      %mul3A_321 = arith.constant 8 : i32
      %mul3A_322 = arith.muli %scan3A_208, %mul3A_321 : i32
      %add3A_323 = arith.constant 7 : i32
      %add3A_324 = arith.addi %mul3A_322, %add3A_323 : i32
      %add3A_325 = arith.constant 1280 : i32
      %add3A_326 = arith.addi %add3A_325, %add3A_324 : i32
      %get3A_327 = arith.index_cast %add3A_326 : i32 to index
      %get3A_328 = memref.load %arg9[%get3A_327] : memref<1536xi32, #tpu.memory_space<smem>>
      %dma_start3A_329 = arith.constant 0 : i32
      %dma_start3A_330 = tpu.memref_slice %arg13[%add3A_324, %dma_start3A_329] : memref<192x32xf32, #tpu.memory_space<vmem>> -> memref<1x32xf32, #tpu.memory_space<vmem>>
      %dma_start3A_331 = arith.constant 0 : i32
      %dma_start3A_332 = tpu.memref_slice %arg2[%get3A_328, %dma_start3A_331] : memref<1000000x32xf32, #tpu.memory_space<hbm>> -> memref<1x32xf32, #tpu.memory_space<hbm>>
      %dma_start3A_333 = arith.constant 0 : i32
      %dma_start3A_334 = tpu.memref_slice %arg13[%add3A_324, %dma_start3A_333] : memref<192x32xf32, #tpu.memory_space<vmem>> -> memref<1x32xf32, #tpu.memory_space<vmem>>
      %dma_start3A_335 = arith.constant 0 : i32
      %dma_start3A_336 = tpu.memref_slice %arg2[%get3A_328, %dma_start3A_335] : memref<1000000x32xf32, #tpu.memory_space<hbm>> -> memref<1x32xf32, #tpu.memory_space<hbm>>
      tpu.enqueue_dma source(%dma_start3A_336 : memref<1x32xf32, #tpu.memory_space<hbm>>) target(%dma_start3A_334 : memref<1x32xf32, #tpu.memory_space<vmem>>) target_semaphore(%arg16 : memref<!tpu.dma_semaphore, #tpu.memory_space<semaphore_mem>>)
      %scan3A_337 = arith.constant 0 : i32
      scf.yield %scan3A_337 : i32
    }
    %scan3A_144 = arith.constant 24 : i32
    %scan3A_145 = arith.constant 0 : i32
    %scan3A_146 = arith.constant 0 : i32
    %scan3A_147 = arith.constant 8 : i32
    %scan3A_148 = arith.addi %scan3A_146, %scan3A_147 : i32
    %scan3A_149 = arith.constant 1 : i32
    %scan3A_150 = scf.for %scan3A_208 = %scan3A_146 to %scan3A_148 step %scan3A_149 iter_args(%scan3A_209 = %scan3A_145) -> (i32)  : i32 {
      %mul3A_210 = arith.constant 8 : i32
      %mul3A_211 = arith.muli %scan3A_208, %mul3A_210 : i32
      %add3A_212 = arith.constant 192 : i32
      %add3A_213 = arith.addi %add3A_212, %mul3A_211 : i32
      %add3A_214 = arith.constant 0 : i32
      %add3A_215 = arith.addi %add3A_213, %add3A_214 : i32
      %add3A_216 = arith.constant 1280 : i32
      %add3A_217 = arith.addi %add3A_216, %add3A_215 : i32
      %get3A = arith.index_cast %add3A_217 : i32 to index
      %get3A_218 = memref.load %arg9[%get3A] : memref<1536xi32, #tpu.memory_space<smem>>
      %add3A_219 = arith.constant 256 : i32
      %add3A_220 = arith.addi %mul3A_2, %add3A_219 : i32
      %add3A_221 = arith.addi %add3A_220, %add3A_215 : i32
      %dma_start3A_222 = arith.constant 0 : i32
      %dma_start3A_223 = tpu.memref_slice %arg8[%add3A_221, %dma_start3A_222] : memref<16384x32xf32, #tpu.memory_space<hbm>> -> memref<1x32xf32, #tpu.memory_space<hbm>>
      %dma_start3A_224 = arith.constant 0 : i32
      %dma_start3A_225 = tpu.memref_slice %arg2[%get3A_218, %dma_start3A_224] : memref<1000000x32xf32, #tpu.memory_space<hbm>> -> memref<1x32xf32, #tpu.memory_space<hbm>>
      tpu.enqueue_dma source(%dma_start3A_225 : memref<1x32xf32, #tpu.memory_space<hbm>>) target(%dma_start3A_223 : memref<1x32xf32, #tpu.memory_space<hbm>>) target_semaphore(%arg20 : memref<!tpu.dma_semaphore, #tpu.memory_space<semaphore_mem>>)
      %mul3A_226 = arith.constant 8 : i32
      %mul3A_227 = arith.muli %scan3A_208, %mul3A_226 : i32
      %add3A_228 = arith.constant 192 : i32
      %add3A_229 = arith.addi %add3A_228, %mul3A_227 : i32
      %add3A_230 = arith.constant 1 : i32
      %add3A_231 = arith.addi %add3A_229, %add3A_230 : i32
      %add3A_232 = arith.constant 1280 : i32
      %add3A_233 = arith.addi %add3A_232, %add3A_231 : i32
      %get3A_234 = arith.index_cast %add3A_233 : i32 to index
      %get3A_235 = memref.load %arg9[%get3A_234] : memref<1536xi32, #tpu.memory_space<smem>>
      %add3A_236 = arith.constant 256 : i32
      %add3A_237 = arith.addi %mul3A_2, %add3A_236 : i32
      %add3A_238 = arith.addi %add3A_237, %add3A_231 : i32
      %dma_start3A_239 = arith.constant 0 : i32
      %dma_start3A_240 = tpu.memref_slice %arg8[%add3A_238, %dma_start3A_239] : memref<16384x32xf32, #tpu.memory_space<hbm>> -> memref<1x32xf32, #tpu.memory_space<hbm>>
      %dma_start3A_241 = arith.constant 0 : i32
      %dma_start3A_242 = tpu.memref_slice %arg2[%get3A_235, %dma_start3A_241] : memref<1000000x32xf32, #tpu.memory_space<hbm>> -> memref<1x32xf32, #tpu.memory_space<hbm>>
      tpu.enqueue_dma source(%dma_start3A_242 : memref<1x32xf32, #tpu.memory_space<hbm>>) target(%dma_start3A_240 : memref<1x32xf32, #tpu.memory_space<hbm>>) target_semaphore(%arg21 : memref<!tpu.dma_semaphore, #tpu.memory_space<semaphore_mem>>)
      %mul3A_243 = arith.constant 8 : i32
      %mul3A_244 = arith.muli %scan3A_208, %mul3A_243 : i32
      %add3A_245 = arith.constant 192 : i32
      %add3A_246 = arith.addi %add3A_245, %mul3A_244 : i32
      %add3A_247 = arith.constant 2 : i32
      %add3A_248 = arith.addi %add3A_246, %add3A_247 : i32
      %add3A_249 = arith.constant 1280 : i32
      %add3A_250 = arith.addi %add3A_249, %add3A_248 : i32
      %get3A_251 = arith.index_cast %add3A_250 : i32 to index
      %get3A_252 = memref.load %arg9[%get3A_251] : memref<1536xi32, #tpu.memory_space<smem>>
      %add3A_253 = arith.constant 256 : i32
      %add3A_254 = arith.addi %mul3A_2, %add3A_253 : i32
      %add3A_255 = arith.addi %add3A_254, %add3A_248 : i32
      %dma_start3A_256 = arith.constant 0 : i32
      %dma_start3A_257 = tpu.memref_slice %arg8[%add3A_255, %dma_start3A_256] : memref<16384x32xf32, #tpu.memory_space<hbm>> -> memref<1x32xf32, #tpu.memory_space<hbm>>
      %dma_start3A_258 = arith.constant 0 : i32
      %dma_start3A_259 = tpu.memref_slice %arg2[%get3A_252, %dma_start3A_258] : memref<1000000x32xf32, #tpu.memory_space<hbm>> -> memref<1x32xf32, #tpu.memory_space<hbm>>
      tpu.enqueue_dma source(%dma_start3A_259 : memref<1x32xf32, #tpu.memory_space<hbm>>) target(%dma_start3A_257 : memref<1x32xf32, #tpu.memory_space<hbm>>) target_semaphore(%arg22 : memref<!tpu.dma_semaphore, #tpu.memory_space<semaphore_mem>>)
      %mul3A_260 = arith.constant 8 : i32
      %mul3A_261 = arith.muli %scan3A_208, %mul3A_260 : i32
      %add3A_262 = arith.constant 192 : i32
      %add3A_263 = arith.addi %add3A_262, %mul3A_261 : i32
      %add3A_264 = arith.constant 3 : i32
      %add3A_265 = arith.addi %add3A_263, %add3A_264 : i32
      %add3A_266 = arith.constant 1280 : i32
      %add3A_267 = arith.addi %add3A_266, %add3A_265 : i32
      %get3A_268 = arith.index_cast %add3A_267 : i32 to index
      %get3A_269 = memref.load %arg9[%get3A_268] : memref<1536xi32, #tpu.memory_space<smem>>
      %add3A_270 = arith.constant 256 : i32
      %add3A_271 = arith.addi %mul3A_2, %add3A_270 : i32
      %add3A_272 = arith.addi %add3A_271, %add3A_265 : i32
      %dma_start3A_273 = arith.constant 0 : i32
      %dma_start3A_274 = tpu.memref_slice %arg8[%add3A_272, %dma_start3A_273] : memref<16384x32xf32, #tpu.memory_space<hbm>> -> memref<1x32xf32, #tpu.memory_space<hbm>>
      %dma_start3A_275 = arith.constant 0 : i32
      %dma_start3A_276 = tpu.memref_slice %arg2[%get3A_269, %dma_start3A_275] : memref<1000000x32xf32, #tpu.memory_space<hbm>> -> memref<1x32xf32, #tpu.memory_space<hbm>>
      tpu.enqueue_dma source(%dma_start3A_276 : memref<1x32xf32, #tpu.memory_space<hbm>>) target(%dma_start3A_274 : memref<1x32xf32, #tpu.memory_space<hbm>>) target_semaphore(%arg23 : memref<!tpu.dma_semaphore, #tpu.memory_space<semaphore_mem>>)
      %mul3A_277 = arith.constant 8 : i32
      %mul3A_278 = arith.muli %scan3A_208, %mul3A_277 : i32
      %add3A_279 = arith.constant 192 : i32
      %add3A_280 = arith.addi %add3A_279, %mul3A_278 : i32
      %add3A_281 = arith.constant 4 : i32
      %add3A_282 = arith.addi %add3A_280, %add3A_281 : i32
      %add3A_283 = arith.constant 1280 : i32
      %add3A_284 = arith.addi %add3A_283, %add3A_282 : i32
      %get3A_285 = arith.index_cast %add3A_284 : i32 to index
      %get3A_286 = memref.load %arg9[%get3A_285] : memref<1536xi32, #tpu.memory_space<smem>>
      %add3A_287 = arith.constant 256 : i32
      %add3A_288 = arith.addi %mul3A_2, %add3A_287 : i32
      %add3A_289 = arith.addi %add3A_288, %add3A_282 : i32
      %dma_start3A_290 = arith.constant 0 : i32
      %dma_start3A_291 = tpu.memref_slice %arg8[%add3A_289, %dma_start3A_290] : memref<16384x32xf32, #tpu.memory_space<hbm>> -> memref<1x32xf32, #tpu.memory_space<hbm>>
      %dma_start3A_292 = arith.constant 0 : i32
      %dma_start3A_293 = tpu.memref_slice %arg2[%get3A_286, %dma_start3A_292] : memref<1000000x32xf32, #tpu.memory_space<hbm>> -> memref<1x32xf32, #tpu.memory_space<hbm>>
      tpu.enqueue_dma source(%dma_start3A_293 : memref<1x32xf32, #tpu.memory_space<hbm>>) target(%dma_start3A_291 : memref<1x32xf32, #tpu.memory_space<hbm>>) target_semaphore(%arg20 : memref<!tpu.dma_semaphore, #tpu.memory_space<semaphore_mem>>)
      %mul3A_294 = arith.constant 8 : i32
      %mul3A_295 = arith.muli %scan3A_208, %mul3A_294 : i32
      %add3A_296 = arith.constant 192 : i32
      %add3A_297 = arith.addi %add3A_296, %mul3A_295 : i32
      %add3A_298 = arith.constant 5 : i32
      %add3A_299 = arith.addi %add3A_297, %add3A_298 : i32
      %add3A_300 = arith.constant 1280 : i32
      %add3A_301 = arith.addi %add3A_300, %add3A_299 : i32
      %get3A_302 = arith.index_cast %add3A_301 : i32 to index
      %get3A_303 = memref.load %arg9[%get3A_302] : memref<1536xi32, #tpu.memory_space<smem>>
      %add3A_304 = arith.constant 256 : i32
      %add3A_305 = arith.addi %mul3A_2, %add3A_304 : i32
      %add3A_306 = arith.addi %add3A_305, %add3A_299 : i32
      %dma_start3A_307 = arith.constant 0 : i32
      %dma_start3A_308 = tpu.memref_slice %arg8[%add3A_306, %dma_start3A_307] : memref<16384x32xf32, #tpu.memory_space<hbm>> -> memref<1x32xf32, #tpu.memory_space<hbm>>
      %dma_start3A_309 = arith.constant 0 : i32
      %dma_start3A_310 = tpu.memref_slice %arg2[%get3A_303, %dma_start3A_309] : memref<1000000x32xf32, #tpu.memory_space<hbm>> -> memref<1x32xf32, #tpu.memory_space<hbm>>
      tpu.enqueue_dma source(%dma_start3A_310 : memref<1x32xf32, #tpu.memory_space<hbm>>) target(%dma_start3A_308 : memref<1x32xf32, #tpu.memory_space<hbm>>) target_semaphore(%arg21 : memref<!tpu.dma_semaphore, #tpu.memory_space<semaphore_mem>>)
      %mul3A_311 = arith.constant 8 : i32
      %mul3A_312 = arith.muli %scan3A_208, %mul3A_311 : i32
      %add3A_313 = arith.constant 192 : i32
      %add3A_314 = arith.addi %add3A_313, %mul3A_312 : i32
      %add3A_315 = arith.constant 6 : i32
      %add3A_316 = arith.addi %add3A_314, %add3A_315 : i32
      %add3A_317 = arith.constant 1280 : i32
      %add3A_318 = arith.addi %add3A_317, %add3A_316 : i32
      %get3A_319 = arith.index_cast %add3A_318 : i32 to index
      %get3A_320 = memref.load %arg9[%get3A_319] : memref<1536xi32, #tpu.memory_space<smem>>
      %add3A_321 = arith.constant 256 : i32
      %add3A_322 = arith.addi %mul3A_2, %add3A_321 : i32
      %add3A_323 = arith.addi %add3A_322, %add3A_316 : i32
      %dma_start3A_324 = arith.constant 0 : i32
      %dma_start3A_325 = tpu.memref_slice %arg8[%add3A_323, %dma_start3A_324] : memref<16384x32xf32, #tpu.memory_space<hbm>> -> memref<1x32xf32, #tpu.memory_space<hbm>>
      %dma_start3A_326 = arith.constant 0 : i32
      %dma_start3A_327 = tpu.memref_slice %arg2[%get3A_320, %dma_start3A_326] : memref<1000000x32xf32, #tpu.memory_space<hbm>> -> memref<1x32xf32, #tpu.memory_space<hbm>>
      tpu.enqueue_dma source(%dma_start3A_327 : memref<1x32xf32, #tpu.memory_space<hbm>>) target(%dma_start3A_325 : memref<1x32xf32, #tpu.memory_space<hbm>>) target_semaphore(%arg22 : memref<!tpu.dma_semaphore, #tpu.memory_space<semaphore_mem>>)
      %mul3A_328 = arith.constant 8 : i32
      %mul3A_329 = arith.muli %scan3A_208, %mul3A_328 : i32
      %add3A_330 = arith.constant 192 : i32
      %add3A_331 = arith.addi %add3A_330, %mul3A_329 : i32
      %add3A_332 = arith.constant 7 : i32
      %add3A_333 = arith.addi %add3A_331, %add3A_332 : i32
      %add3A_334 = arith.constant 1280 : i32
      %add3A_335 = arith.addi %add3A_334, %add3A_333 : i32
      %get3A_336 = arith.index_cast %add3A_335 : i32 to index
      %get3A_337 = memref.load %arg9[%get3A_336] : memref<1536xi32, #tpu.memory_space<smem>>
      %add3A_338 = arith.constant 256 : i32
      %add3A_339 = arith.addi %mul3A_2, %add3A_338 : i32
      %add3A_340 = arith.addi %add3A_339, %add3A_333 : i32
      %dma_start3A_341 = arith.constant 0 : i32
      %dma_start3A_342 = tpu.memref_slice %arg8[%add3A_340, %dma_start3A_341] : memref<16384x32xf32, #tpu.memory_space<hbm>> -> memref<1x32xf32, #tpu.memory_space<hbm>>
      %dma_start3A_343 = arith.constant 0 : i32
      %dma_start3A_344 = tpu.memref_slice %arg2[%get3A_337, %dma_start3A_343] : memref<1000000x32xf32, #tpu.memory_space<hbm>> -> memref<1x32xf32, #tpu.memory_space<hbm>>
      tpu.enqueue_dma source(%dma_start3A_344 : memref<1x32xf32, #tpu.memory_space<hbm>>) target(%dma_start3A_342 : memref<1x32xf32, #tpu.memory_space<hbm>>) target_semaphore(%arg23 : memref<!tpu.dma_semaphore, #tpu.memory_space<semaphore_mem>>)
      %scan3A_345 = arith.constant 0 : i32
      scf.yield %scan3A_345 : i32
    }
    %scan3A_151 = arith.constant 8 : i32
    %dma_wait3A_152 = arith.constant 0 : i32
    %dma_wait3A_153 = arith.constant 0 : i32
    %dma_wait3A_154 = tpu.memref_slice %arg2[%dma_wait3A_152, %dma_wait3A_153] : memref<1000000x32xf32, #tpu.memory_space<hbm>> -> memref<192x32xf32, #tpu.memory_space<hbm>>
    %dma_wait3A_155 = arith.constant 0 : i32
    %dma_wait3A_156 = arith.constant 0 : i32
    %dma_wait3A_157 = tpu.memref_slice %arg2[%dma_wait3A_155, %dma_wait3A_156] : memref<1000000x32xf32, #tpu.memory_space<hbm>> -> memref<192x32xf32, #tpu.memory_space<hbm>>
    tpu.wait_dma2 semaphore(%arg15 : memref<!tpu.dma_semaphore, #tpu.memory_space<semaphore_mem>>) src(%dma_wait3A_157 : memref<192x32xf32, #tpu.memory_space<hbm>>) dst(%arg12 : memref<192x32xf32, #tpu.memory_space<vmem>>)
    %add3A_158 = arith.constant 0 : i32
    %add3A_159 = arith.addi %mul3A_2, %add3A_158 : i32
    %dma_start3A_160 = arith.constant 0 : i32
    %dma_start3A_161 = tpu.memref_slice %arg8[%add3A_159, %dma_start3A_160] : memref<16384x32xf32, #tpu.memory_space<hbm>> -> memref<192x32xf32, #tpu.memory_space<hbm>>
    %dma_start3A_162 = arith.constant 0 : i32
    %dma_start3A_163 = tpu.memref_slice %arg8[%add3A_159, %dma_start3A_162] : memref<16384x32xf32, #tpu.memory_space<hbm>> -> memref<192x32xf32, #tpu.memory_space<hbm>>
    tpu.enqueue_dma source(%arg12 : memref<192x32xf32, #tpu.memory_space<vmem>>) target(%dma_start3A_163 : memref<192x32xf32, #tpu.memory_space<hbm>>) target_semaphore(%arg18 : memref<!tpu.dma_semaphore, #tpu.memory_space<semaphore_mem>>)
    %dma_wait3A_164 = arith.constant 0 : i32
    %dma_wait3A_165 = arith.constant 0 : i32
    %dma_wait3A_166 = tpu.memref_slice %arg2[%dma_wait3A_164, %dma_wait3A_165] : memref<1000000x32xf32, #tpu.memory_space<hbm>> -> memref<192x32xf32, #tpu.memory_space<hbm>>
    %dma_wait3A_167 = arith.constant 0 : i32
    %dma_wait3A_168 = arith.constant 0 : i32
    %dma_wait3A_169 = tpu.memref_slice %arg2[%dma_wait3A_167, %dma_wait3A_168] : memref<1000000x32xf32, #tpu.memory_space<hbm>> -> memref<192x32xf32, #tpu.memory_space<hbm>>
    tpu.wait_dma2 semaphore(%arg16 : memref<!tpu.dma_semaphore, #tpu.memory_space<semaphore_mem>>) src(%dma_wait3A_169 : memref<192x32xf32, #tpu.memory_space<hbm>>) dst(%arg13 : memref<192x32xf32, #tpu.memory_space<vmem>>)
    %add3A_170 = arith.constant 256 : i32
    %add3A_171 = arith.addi %mul3A_2, %add3A_170 : i32
    %dma_start3A_172 = arith.constant 0 : i32
    %dma_start3A_173 = tpu.memref_slice %arg8[%add3A_171, %dma_start3A_172] : memref<16384x32xf32, #tpu.memory_space<hbm>> -> memref<192x32xf32, #tpu.memory_space<hbm>>
    %dma_start3A_174 = arith.constant 0 : i32
    %dma_start3A_175 = tpu.memref_slice %arg8[%add3A_171, %dma_start3A_174] : memref<16384x32xf32, #tpu.memory_space<hbm>> -> memref<192x32xf32, #tpu.memory_space<hbm>>
    tpu.enqueue_dma source(%arg13 : memref<192x32xf32, #tpu.memory_space<vmem>>) target(%dma_start3A_175 : memref<192x32xf32, #tpu.memory_space<hbm>>) target_semaphore(%arg19 : memref<!tpu.dma_semaphore, #tpu.memory_space<semaphore_mem>>)
    %dma_wait3A_176 = arith.constant 0 : i32
    %dma_wait3A_177 = tpu.memref_slice %arg7[%add3A_129, %dma_wait3A_176] : memref<16384x32xf32, #tpu.memory_space<hbm>> -> memref<192x32xf32, #tpu.memory_space<hbm>>
    %dma_wait3A_178 = arith.constant 0 : i32
    %dma_wait3A_179 = tpu.memref_slice %arg7[%add3A_129, %dma_wait3A_178] : memref<16384x32xf32, #tpu.memory_space<hbm>> -> memref<192x32xf32, #tpu.memory_space<hbm>>
    tpu.wait_dma2 semaphore(%arg17 : memref<!tpu.dma_semaphore, #tpu.memory_space<semaphore_mem>>) src(%arg11 : memref<192x32xf32, #tpu.memory_space<vmem>>) dst(%dma_wait3A_179 : memref<192x32xf32, #tpu.memory_space<hbm>>)
    %dma_wait3A_180 = arith.constant 0 : i32
    %dma_wait3A_181 = tpu.memref_slice %arg8[%add3A_159, %dma_wait3A_180] : memref<16384x32xf32, #tpu.memory_space<hbm>> -> memref<192x32xf32, #tpu.memory_space<hbm>>
    %dma_wait3A_182 = arith.constant 0 : i32
    %dma_wait3A_183 = tpu.memref_slice %arg8[%add3A_159, %dma_wait3A_182] : memref<16384x32xf32, #tpu.memory_space<hbm>> -> memref<192x32xf32, #tpu.memory_space<hbm>>
    tpu.wait_dma2 semaphore(%arg18 : memref<!tpu.dma_semaphore, #tpu.memory_space<semaphore_mem>>) src(%arg12 : memref<192x32xf32, #tpu.memory_space<vmem>>) dst(%dma_wait3A_183 : memref<192x32xf32, #tpu.memory_space<hbm>>)
    %dma_wait3A_184 = arith.constant 0 : i32
    %dma_wait3A_185 = tpu.memref_slice %arg8[%add3A_171, %dma_wait3A_184] : memref<16384x32xf32, #tpu.memory_space<hbm>> -> memref<192x32xf32, #tpu.memory_space<hbm>>
    %dma_wait3A_186 = arith.constant 0 : i32
    %dma_wait3A_187 = tpu.memref_slice %arg8[%add3A_171, %dma_wait3A_186] : memref<16384x32xf32, #tpu.memory_space<hbm>> -> memref<192x32xf32, #tpu.memory_space<hbm>>
    tpu.wait_dma2 semaphore(%arg19 : memref<!tpu.dma_semaphore, #tpu.memory_space<semaphore_mem>>) src(%arg13 : memref<192x32xf32, #tpu.memory_space<vmem>>) dst(%dma_wait3A_187 : memref<192x32xf32, #tpu.memory_space<hbm>>)
    %dma_wait3A_188 = arith.constant 0 : i32
    %dma_wait3A_189 = tpu.memref_slice %arg6[%mul3A_2, %dma_wait3A_188] : memref<16384x32xf32, #tpu.memory_space<hbm>> -> memref<96x32xf32, #tpu.memory_space<hbm>>
    %dma_wait3A_190 = arith.constant 0 : i32
    %dma_wait3A_191 = arith.constant 0 : i32
    %dma_wait3A_192 = tpu.memref_slice %arg2[%dma_wait3A_190, %dma_wait3A_191] : memref<1000000x32xf32, #tpu.memory_space<hbm>> -> memref<96x32xf32, #tpu.memory_space<hbm>>
    tpu.wait_dma2 semaphore(%arg20 : memref<!tpu.dma_semaphore, #tpu.memory_space<semaphore_mem>>) src(%dma_wait3A_192 : memref<96x32xf32, #tpu.memory_space<hbm>>) dst(%dma_wait3A_189 : memref<96x32xf32, #tpu.memory_space<hbm>>)
    %dma_wait3A_193 = arith.constant 0 : i32
    %dma_wait3A_194 = tpu.memref_slice %arg6[%mul3A_2, %dma_wait3A_193] : memref<16384x32xf32, #tpu.memory_space<hbm>> -> memref<96x32xf32, #tpu.memory_space<hbm>>
    %dma_wait3A_195 = arith.constant 0 : i32
    %dma_wait3A_196 = arith.constant 0 : i32
    %dma_wait3A_197 = tpu.memref_slice %arg2[%dma_wait3A_195, %dma_wait3A_196] : memref<1000000x32xf32, #tpu.memory_space<hbm>> -> memref<96x32xf32, #tpu.memory_space<hbm>>
    tpu.wait_dma2 semaphore(%arg21 : memref<!tpu.dma_semaphore, #tpu.memory_space<semaphore_mem>>) src(%dma_wait3A_197 : memref<96x32xf32, #tpu.memory_space<hbm>>) dst(%dma_wait3A_194 : memref<96x32xf32, #tpu.memory_space<hbm>>)
    %dma_wait3A_198 = arith.constant 0 : i32
    %dma_wait3A_199 = tpu.memref_slice %arg6[%mul3A_2, %dma_wait3A_198] : memref<16384x32xf32, #tpu.memory_space<hbm>> -> memref<96x32xf32, #tpu.memory_space<hbm>>
    %dma_wait3A_200 = arith.constant 0 : i32
    %dma_wait3A_201 = arith.constant 0 : i32
    %dma_wait3A_202 = tpu.memref_slice %arg2[%dma_wait3A_200, %dma_wait3A_201] : memref<1000000x32xf32, #tpu.memory_space<hbm>> -> memref<96x32xf32, #tpu.memory_space<hbm>>
    tpu.wait_dma2 semaphore(%arg22 : memref<!tpu.dma_semaphore, #tpu.memory_space<semaphore_mem>>) src(%dma_wait3A_202 : memref<96x32xf32, #tpu.memory_space<hbm>>) dst(%dma_wait3A_199 : memref<96x32xf32, #tpu.memory_space<hbm>>)
    %dma_wait3A_203 = arith.constant 0 : i32
    %dma_wait3A_204 = tpu.memref_slice %arg6[%mul3A_2, %dma_wait3A_203] : memref<16384x32xf32, #tpu.memory_space<hbm>> -> memref<96x32xf32, #tpu.memory_space<hbm>>
    %dma_wait3A_205 = arith.constant 0 : i32
    %dma_wait3A_206 = arith.constant 0 : i32
    %dma_wait3A_207 = tpu.memref_slice %arg2[%dma_wait3A_205, %dma_wait3A_206] : memref<1000000x32xf32, #tpu.memory_space<hbm>> -> memref<96x32xf32, #tpu.memory_space<hbm>>
    tpu.wait_dma2 semaphore(%arg23 : memref<!tpu.dma_semaphore, #tpu.memory_space<semaphore_mem>>) src(%dma_wait3A_207 : memref<96x32xf32, #tpu.memory_space<hbm>>) dst(%dma_wait3A_204 : memref<96x32xf32, #tpu.memory_space<hbm>>)
    return
  }
}

</mosaic_0001>

<sc_bundles>
// kernel: kernel.3.cloned.1.call-start
scs
__scs_entry_jumppad:
0x0: {  	(pc) =	sbr.rel $0x88, $3  }
0x1: {  	(tag) =	ssettag $0x0;
	lr =	simm.s32 $0x1  }
0x2: {  	[smem:$0x3F9D] =	sst lr;
	_ =	strace $0xD0000000  }
0x3: {  	_ = 	snop  }
0x4: {  	_ = 	snop  }
0x5: {  	_ = 	snop  }
0x6: {  	_ = 	snop  }
0x7: {  	_ = 	snop  }
__scs_overlays_trampoline_lowered:
0x8: {  	[smem:$0x3FAC] =	sst s0  }
0x9: {  	[smem:$0x3FAD] =	sst s1  }
0xa: {  	[smem:$0x3FAE] =	sst s2  }
0xb: {  	[smem:$0x3FAF] =	sst s3  }
0xc: {  	[smem:$0x3FB0] =	sst s4  }
0xd: {  	[smem:$0x3FB1] =	sst s5  }
0xe: {  	[smem:$0x3FB2] =	sst s6  }
0xf: {  	[smem:$0x3FB3] =	sst s7  }
0x10: {  	[smem:$0x3FB4] =	sst s8  }
0x11: {  	[smem:$0x3FB5] =	sst s9;
	s0 =	simm.s32 @!p0 $0x0  }
0x12: {  	s1 =	sld [smem:$0x3F9B];
	s0 =	simm.s32 @p0 $0x1  }
0x13: {  	[smem:$0x3FB6] =	sst s0;
	s0 =	simm.s32 @!p1 $0x0  }
0x14: {  	s2 =	sld [smem:$0x3F9A];
	s0 =	simm.s32 @p1 $0x1  }
0x15: {  	[smem:$0x3FB7] =	sst s0;
	s0 =	simm.s32 @!p2 $0x0  }
0x16: {  	s3 =	sld [smem:$0x3FDB];
	s0 =	simm.s32 @p2 $0x1  }
0x17: {  	s4 =	simm.s32 $0x1BF5;
	[smem:$0x3FB9] =	sst s0  }
0x18: {  	s0 =	sld [smem:$0x3F9C];
	_ =	swait.ge [sflag:s4], $0x0  }
0x19: {  	s7 =	sld [smem:$0x3F9D]  }
0x1a: {  	s8 =	sadd.s32 $0xFFFFE003, lr  }
0x1b: {  	s9 =	sadd.s32 $0xFFFFFEF7, lr;
	s5 =	simm.s32 $0xFFFFFFFF;
	p2 =	slt.u32 s8, $0xFFFFF086  }
0x1c: {  	p1 =	slt.u32 s9, $0xF7A;
	s5 =	simm.s32 @!p2 $0x0  }
0x1d: {  	s5 =	simm.s32 @p1 $0x1;
	p0 =	seq.s32 s7, s2  }
0x1e: {  	s7 =	smul.u32 @!p0 $0xF7A, s2;
	p2 =	seq.s32 @!p0 s5, $0x0  }
0x1f: {  	s9 =	smul.u32 $0xF7A, s1;
	s8 =	simm.s32 @!p0 $0x1BF5;
	p2 =	por !p2, p0  }
0x20: {  	[sflag:s8] =	ssyncset.s32 @!p0 $0xFFFFF086;
	s6 =	sadd.s32 @!p0 s3, s7;
	s7 =	simm.s32 @!p0 $0x108  }
0x21: {  	s3 =	sadd.s32 s3, s9;
	s6 =	sadd.s32 @!p0 $0x88, s6;
	s7 =	simm.s32 @p2 $0x1082  }
0x22: {  	[simem:s7], [sflag:s8] =	dma.local @!p0 [hbm:s6], $0xF7A  }
0x23: {  	s9 =	sor.u32 $0xD0000000, s2;
	s6 =	simm.s32 $0x108;
	_ =	swait.ge @!p0 [sflag:s8], $0x0  }
0x24: {  	s3 =	sadd.s32 $0x88, s3;
	s6 =	simm.s32 @!p1 $0x1082;
	[sflag:s4] =	ssyncset.s32 $0xFFFFF086  }
0x25: {  	[simem:s6], [sflag:s4] =	dma.local [hbm:s3], $0xF7A  }
0x26: {  	[smem:$0x3F9D] =	sst s1;
	(tag) =	ssettag s2;
	_ =	strace s9  }
0x27: {  	s1 =	sld [smem:$0x3FAD]  }
0x28: {  	s2 =	sld [smem:$0x3FAE]  }
0x29: {  	s4 =	sld [smem:$0x3FB0]  }
0x2a: {  	p0 =	seq.s32 s5, $0x0;
	s5 =	sld [smem:$0x3FB1]  }
0x2b: {  	s6 =	sld [smem:$0x3FB2]  }
0x2c: {  	s7 =	sld [smem:$0x3FB3]  }
0x2d: {  	s3 =	simm.s32 $0x108;
	s8 =	sld [smem:$0x3FB4]  }
0x2e: {  	s3 =	simm.s32 @!p0 $0x1082;
	s9 =	sld [smem:$0x3FB5]  }
0x2f: {  	lr =	sadd.s32 s0, s3;
	s0 =	sld [smem:$0x3FAC]  }
0x30: {  	s3 =	sld [smem:$0x3FAF]  }
0x31: {  	[smem:$0x3FB8] =	sst s10  }
0x32: {  	s10 =	sld [smem:$0x3FB6];
	_ =	sdelay $0x3  }
0x33: {  	p0 =	seq.s32 s10, $0x1;
	s10 =	sld [smem:$0x3FB8];
	_ =	sdelay $0x3  }
0x34: {  	[smem:$0x3FB8] =	sst s10  }
0x35: {  	s10 =	sld [smem:$0x3FB7];
	_ =	sdelay $0x3  }
0x36: {  	p1 =	seq.s32 s10, $0x1;
	s10 =	sld [smem:$0x3FB8];
	_ =	sdelay $0x3  }
0x37: {  	[smem:$0x3FB8] =	sst s10  }
0x38: {  	s10 =	sld [smem:$0x3FB9]  }
0x39: {  	_ = 	snop;
	(pc) =	sbr.ind lr, $3  }
0x3a: {  	_ = 	snop  }
0x3b: {  	_ = 	snop  }
0x3c: {  	p2 =	seq.s32 s10, $0x1;
	s10 =	sld [smem:$0x3FB8]  }
0x3d: {  	_ =	shalt  }
0x3e: {  	_ =	shalt  }
0x3f: {  	_ =	shalt  }
0x40: {  	_ =	shalt  }
0x41: {  	_ =	shalt  }
0x42: {  	_ =	shalt  }
0x43: {  	_ =	shalt  }
0x44: {  	_ =	shalt  }
0x45: {  	_ =	shalt  }
0x46: {  	_ =	shalt  }
0x47: {  	_ =	shalt  }
0x48: {  	_ =	shalt  }
0x49: {  	_ =	shalt  }
0x4a: {  	_ =	shalt  }
0x4b: {  	_ =	shalt  }
0x4c: {  	_ =	shalt  }
0x4d: {  	_ =	shalt  }
0x4e: {  	_ =	shalt  }
0x4f: {  	_ =	shalt  }
0x50: {  	_ =	shalt  }
0x51: {  	_ =	shalt  }
0x52: {  	_ =	shalt  }
0x53: {  	_ =	shalt  }
0x54: {  	_ =	shalt  }
0x55: {  	_ =	shalt  }
0x56: {  	_ =	shalt  }
0x57: {  	_ =	shalt  }
0x58: {  	_ =	shalt  }
0x59: {  	_ =	shalt  }
0x5a: {  	_ =	shalt  }
0x5b: {  	_ =	shalt  }
0x5c: {  	_ =	shalt  }
0x5d: {  	_ =	shalt  }
0x5e: {  	_ =	shalt  }
0x5f: {  	_ =	shalt  }
0x60: {  	_ =	shalt  }
0x61: {  	_ =	shalt  }
0x62: {  	_ =	shalt  }
0x63: {  	_ =	shalt  }
0x64: {  	_ =	shalt  }
0x65: {  	_ =	shalt  }
0x66: {  	_ =	shalt  }
0x67: {  	_ =	shalt  }
0x68: {  	_ =	shalt  }
0x69: {  	_ =	shalt  }
0x6a: {  	_ =	shalt  }
0x6b: {  	_ =	shalt  }
0x6c: {  	_ =	shalt  }
0x6d: {  	_ =	shalt  }
0x6e: {  	_ =	shalt  }
0x6f: {  	_ =	shalt  }
0x70: {  	_ =	shalt  }
0x71: {  	_ =	shalt  }
0x72: {  	_ =	shalt  }
0x73: {  	_ =	shalt  }
0x74: {  	_ =	shalt  }
0x75: {  	_ =	shalt  }
0x76: {  	_ =	shalt  }
0x77: {  	_ =	shalt  }
0x78: {  	_ =	shalt  }
0x79: {  	_ =	shalt  }
0x7a: {  	_ =	shalt  }
0x7b: {  	_ =	shalt  }
0x7c: {  	_ =	shalt  }
0x7d: {  	_ =	shalt  }
0x7e: {  	_ =	shalt  }
0x7f: {  	_ =	shalt  }
0x80: {  	_ =	shalt  }
0x81: {  	_ =	shalt  }
0x82: {  	_ =	shalt  }
0x83: {  	_ =	shalt  }
0x84: {  	_ =	shalt  }
0x85: {  	_ =	shalt  }
0x86: {  	_ =	shalt  }
0x87: {  	_ =	shalt  }
.Lfunc_end0:
.L_simem_size_0:
called_computation_lowered:
.L_overlay_start_0:
0x88: {  	s2 =	sld [smem:$0x3FD9]  }
0x89: {  	s3 =	sld [smem:$0x3FFE];
	_ =	sdelay $0x1  }
0x8a: {  	s1 =	srdreg.scid  }
0x8b: {  	s0 =	sand.u32 $0x1, s1  }
0x8c: {  	s17 =	sshll.u32 s0, $0xA;
	s2 =	sadd.s32 s3, s2  }
0x8d: {  	s2 =	sadd.s32 s2, s17  }
0x8e: {  	[smem:$0x3FC4] =	sst s2  }
0x8f: {  	_ = 	snop  }
0x90: {  	s2 =	sld [smem:$0x3FC8]  }
0x91: {  	s18 =	sld [smem:$0x3FC7]  }
0x92: {  	s4 =	sld [smem:$0x3FC6];
	(tm) =	ssettm $0x1  }
0x93: {  	s5 =	sld [smem:$0x3FFB];
	_ =	sdelay $0x3  }
0x94: {  	_ =	strace s5  }
0x95: {  	s5 =	sld [smem:$0x3FFC];
	_ =	sdelay $0x3  }
0x96: {  	_ =	strace s5  }
0x97: {  	s5 =	sld [smem:$0x3FFD];
	_ =	sdelay $0x3  }
0x98: {  	_ =	strace s5  }
0x99: {  	_ =	strace $0x8FFFFFFF  }
0x9a: {  	s19 =	sld [smem:$0x3FDB];
	_ =	sdelay $0x1  }
0x9b: {  	s6 =	simm.s32 $_scs_section_size  }
0x9c: {  	s7 =	simm.s32 $_size__tile_overlayer_lowered;
	s8 =	simm.s32 $_tile_overlayer_lowered  }
0x9d: {  	s22 =	simm.s32 $0x1BFF;
	s21 =	sshll.u32 s8, $0x1;
	s5 =	sadd.s32 s6, s19  }
0x9e: {  	s9 =	simm.s32 $0x0;
	s20 =	sshll.u32 s7, $0x1;
	s7 =	sadd.s32 s21, s5  }
0x9f: {  	[timem:s9], [sflag:s22] =	dma.local [hbm:s7], s20  }
0xa0: {  	_ =	swait.ge [sflag:s22], s20  }
0xa1: {  	s6 =	ssub.s32 $0x0, s20;
	[sflag:s22] =	ssyncset.done $0x0  }
0xa2: {  	[sflag:s22] =	ssyncadd.s32 s6;
	_ =	sdelay $0x1  }
0xa3: {  	s23 =	simm.s32 $0x1B8B  }
0xa4: {  	_ =	swait.ge [sflag:s23], $0x1  }
0xa5: {  	[sflag:s23] =	ssyncset.done $0x0  }
0xa6: {  	s25 =	simm.s32 $0x1B8E;
	s24 =	sld [smem:$0x3FFE];
	[sflag:s23] =	ssyncadd.s32 $0xFFFFFFFF  }
0xa7: {  	s26 =	simm.s32 $execute0_lowered;
	[smem:$0x3FD2] =	sst s25  }
0xa8: {  	s7 =	sshll.u32 s26, $0x1;
	_ =	strace $0x80000046;
	[dreg:$0x1] =	wrdreg $0xFFFFFFFF  }
0xa9: {  	s28 =	simm.s32 $_size_execute0_lowered;
	s5 =	sadd.s32 s5, s7;
	[dreg:$0x0] =	wrdreg $0x0  }
0xaa: {  	s7 =	sshll.u32 s28, $0x1;
	[dreg:$0x2] =	wrdreg s5  }
0xab: {  	[dreg:$0x3] =	wrdreg s7  }
0xac: {  	[dreg:$0x4] =	wrdreg $0xC0  }
0xad: {  	_ =	task [dreg:s9], $0x5FFFF  }
0xae: {  	[dreg:$0x1] =	wrdreg $0xFFFFFFFF  }
0xaf: {  	[dreg:$0x0] =	wrdreg $0x60  }
0xb0: {  	[dreg:$0x2] =	wrdreg s24  }
0xb1: {  	[dreg:$0x3] =	wrdreg s2  }
0xb2: {  	[dreg:$0x4] =	wrdreg s18  }
0xb3: {  	[dreg:$0x5] =	wrdreg s4  }
0xb4: {  	[dreg:$0x6] =	wrdreg $0x0  }
0xb5: {  	[dreg:$0x7] =	wrdreg $0x9  }
0xb6: {  	_ =	task.clear_ibuf [dreg:s9], $0x8FFFF;
	_ =	strace $0x90000046  }
0xb7: {  	s29 =	simm.s32 $0x9;
	_ =	strace $0x80000048  }
0xb8: {  	_ =	swait.ge [sflag:s29], $0x1  }
0xb9: {  	[sflag:s29] =	ssyncadd.s32 $0xFFFFFFFF  }
0xba: {  	_ =	strace $0x90000048  }
0xbb: {  	_ =	sfence  }
0xbc: {  	s30 =	sld [smem:$0x0];
	_ =	sdelay $0x2  }
0xbd: {  	s31 =	sshll.u32 s1, $0xD;
	s1 =	sshrl.u32 s1, $0x2  }
0xbe: {  	s3 =	sand.u32 $0x4000, s31;
	s1 =	sadd.s32 s1, s30  }
0xbf: {  	s0 =	sor.u32 s3, s0;
	s1 =	sshll.u32 s1, $0x11  }
0xc0: {  	s0 =	sor.u32 s1, s0  }
0xc1: {  	s0 =	sadd.s32 $0x8F2B, s0  }
0xc2: {  	[sflag:s0] =	ssyncadd.remote.s32 $0x1  }
0xc3: {  	_ =	sfence.sel $0xFFFF  }
0xc4: {  	[dreg:$0x0] =	wrdreg $0xFFFFFFFF;
	(pc) =	sbr.abs _section_cstart, $3  }
0xc5: {  	[dreg:$0x1] =	wrdreg $0xFFFFFFFF  }
0xc6: {  	_ =	task.clear_ibuf [dreg:s9], $0x2FFFF;
	_ =	strace $0x9FFFFFFF  }
0xc7: {  	(tm) =	ssettm $0x7FFFFFFF  }
tec
execute0_lowered:
.L_overlay_start_1:
0x0: {  	(tag) =	ssettag $0x1  }
0x1: {  	s0 =	rddreg [dreg:$0x0]  }
0x2: {  	s2 =	rddreg [dreg:$0x1]  }
0x3: {  	s6 =	rddreg [dreg:$0x2]  }
0x4: {  	s8 =	rddreg [dreg:$0x3]  }
0x5: {  	s5 =	rddreg [dreg:$0x4];
	s1 =	simm.s32 $0x0;
	s3 =	srdreg.scid  }
0x6: {  	s16 =	stileid.u32;
	[smem:$0x7FF] =	sst s1;
	s9 =	sand.u32 $0x1, s3  }
0x7: {  	s3 =	sadd.s32 $0x1600, s0;
	s10 =	sshll.u32 s16, $0xA;
	s14 =	smul.u32 $0x1800, s16  }
0x8: {  	_ =	strace $0x80000047;
	s4 =	ssub.s32 $0x2, s9;
	s12 =	sshll.u32 s9, $0x9  }
0x9: {  	s7 =	sshrl.u32 s4, $0x1;
	s10 =	sor.u32 s12, s10;
	s17 =	sshrl.u32 s14, $0x2  }
0xa: {  	s15 =	ssub.s32 s4, s7;
	s12 =	sshrl.u32 s10, $0x3;
	s5 =	sadd.s32 s17, s5  }
0xb: {  	s4 =	sshll.u32 s16, $0x6;
	s2 =	sadd.s32 s2, s12;
	[dreg:$0x15] =	wrdreg s5  }
0xc: {  	s11 =	sadd.s32 $0xF43A00, s0;
	s18 =	sor.u32 $0x1C0B, s4;
	[dreg:$0x16] =	wrdreg s2  }
0xd: {  	s14 =	sshll.u32 s10, $0x4;
	s6 =	sadd.s32 s6, s12;
	[dreg:$0x17] =	wrdreg s18  }
0xe: {  	s17 =	sor.u32 $0x1C60, s14;
	s24 =	sadd.s32 s8, s12;
	[dreg:$0x18] =	wrdreg s6  }
0xf: {  	s13 =	sadd.s32 $0xF83A00, s0;
	s20 =	sadd.s32 s17, s11;
	[dreg:$0x19] =	wrdreg s24  }
0x10: {  	s30 =	sor.u32 $0x1000, s14;
	s26 =	sadd.s32 s17, s13;
	[dreg:$0xa] =	wrdreg s20  }
0x11: {  	s0 =	sadd.s32 $0xFC3A00, s0;
	s7 =	sadd.s32 s11, s30;
	[dreg:$0xf] =	wrdreg s26  }
0x12: {  	s18 =	sor.u32 $0x1C40, s14;
	s24 =	sadd.s32 s0, s30;
	[dreg:$0x1a] =	wrdreg s7  }
0x13: {  	s9 =	sshll.u32 s9, $0xD;
	s21 =	sadd.s32 s18, s11;
	[dreg:$0x1c] =	wrdreg s24  }
0x14: {  	s6 =	sshll.u32 s16, $0xE;
	s31 =	sadd.s32 s18, s13;
	[dreg:$0x9] =	wrdreg s21  }
0x15: {  	s19 =	sadd.s32 s6, s11;
	s26 =	smax.u32 s15, $0x1;
	[dreg:$0xe] =	wrdreg s31  }
0x16: {  	s20 =	sor.u32 $0x1C00, s14;
	s10 =	sadd.s32 s9, s19;
	[dreg:$0x1d] =	wrdreg s26  }
0x17: {  	s23 =	sadd.s32 s20, s11;
	[dreg:$0x6] =	wrdreg s10  }
0x18: {  	s16 =	sadd.s32 $0x400, s5;
	s12 =	sadd.s32 s20, s13;
	[dreg:$0x7] =	wrdreg s23  }
0x19: {  	s19 =	sor.u32 $0x1C20, s14;
	s31 =	sshrl.u32 s16, $0x3;
	[dreg:$0xc] =	wrdreg s12  }
0x1a: {  	s21 =	sadd.s32 s6, s13;
	s22 =	sadd.s32 s19, s11;
	[dreg:$0x1f] =	wrdreg s31  }
0x1b: {  	s6 =	sadd.s32 s6, s0;
	s25 =	sadd.s32 s9, s21;
	[dreg:$0x8] =	wrdreg s22  }
0x1c: {  	s10 =	sadd.s32 s11, s14;
	s11 =	sadd.s32 s19, s13;
	[dreg:$0xb] =	wrdreg s25  }
0x1d: {  	s12 =	sadd.s32 s13, s14;
	s13 =	sadd.s32 s13, s30;
	[dreg:$0xd] =	wrdreg s11  }
0x1e: {  	s28 =	simm.s32 $0x5;
	s6 =	sadd.s32 s9, s6;
	[dreg:$0x1b] =	wrdreg s13  }
0x1f: {  	s2 =	sadd.s32 $0x200, s5;
	s23 =	sadd.s32 s18, s0;
	[dreg:$0x10] =	wrdreg s6  }
0x20: {  	s29 =	simm.s32 $0x6;
	s30 =	sshrl.u32 s2, $0x3;
	[dreg:$0x13] =	wrdreg s23  }
0x21: {  	s24 =	simm.s32 $0x4;
	s22 =	sadd.s32 s17, s0;
	[dreg:$0x1e] =	wrdreg s30  }
0x22: {  	s14 =	sadd.s32 s0, s14;
	s25 =	sadd.s32 s19, s0;
	[dreg:$0x14] =	wrdreg s22  }
0x23: {  	s0 =	sadd.s32 s20, s0;
	s17 =	simm.s32 $0xB;
	[dreg:$0x12] =	wrdreg s25  }
0x24: {  	s6 =	simm.s32 $0x0;
	[dreg:$0x11] =	wrdreg s0;
	s25 =	simm.s32 $0x3  }
.LBB2_1:
0x25: {  	s2 =	rddreg [dreg:$0x15]  }
0x26: {  	s5 =	rddreg [dreg:$0x16]  }
0x27: {  	s7 =	rddreg [dreg:$0x17];
	s0 =	sshrl.u32 s2, $0x3  }
0x28: {  	[spmem:s0], [sflag:s7] =	dma.local [hbm:s5], $0x40  }
0x29: {  	_ =	swait.ge [sflag:s17], $0x40  }
0x2a: {  	[sflag:s17] =	ssyncset.done $0x0;
	s23 =	rddreg [dreg:$0x18]  }
0x2b: {  	s26 =	rddreg [dreg:$0x1e];
	[sflag:s17] =	ssyncadd.s32 $0xFFFFFFC0  }
0x2c: {  	[spmem:s26], [sflag:s7] =	dma.local [hbm:s23], $0x40  }
0x2d: {  	_ =	swait.ge [sflag:s17], $0x40  }
0x2e: {  	[sflag:s17] =	ssyncset.done $0x0;
	s30 =	rddreg [dreg:$0x19]  }
0x2f: {  	s31 =	rddreg [dreg:$0x1f];
	[sflag:s17] =	ssyncadd.s32 $0xFFFFFFC0  }
0x30: {  	[spmem:s31], [sflag:s7] =	dma.local [hbm:s30], $0x40  }
0x31: {  	_ =	swait.ge [sflag:s17], $0x40  }
0x32: {  	[sflag:s17] =	ssyncset.done $0x0  }
0x33: {  	[sflag:s17] =	ssyncadd.s32 $0xFFFFFFC0  }
0x34: {  	[smem:s1], [sflag:$0xB] =	stream.linear.gather [spmem:s2], $0x600, $0x38;
	[tilespmem:$0x12600] =	vst v63  }
0x35: {  	_ =	swait.ge [sflag:s17], $0x600  }
0x36: {  	[sflag:s17] =	ssyncset.done $0x0  }
0x37: {  	[sflag:s17] =	ssyncadd.s32 $0xFFFFFA00  }
0x38: {  	s5 =	sld [smem:$0x2]  }
0x39: {  	s9 =	sld [smem:$0x4]  }
0x3a: {  	s11 =	sld [smem:$0x6]  }
0x3b: {  	s8 =	sld [smem:$0x0]  }
0x3c: {  	s19 =	simm.s32 $0x680;
	s21 =	simm.s32 $0x600;
	s13 =	sld [smem:$0x5]  }
0x3d: {  	s22 =	simm.s32 $0x780;
	s26 =	simm.s32 $0x800;
	s15 =	sld [smem:$0x1]  }
0x3e: {  	s7 =	simm.s32 $0x700;
	s30 =	simm.s32 $0x880;
	s0 =	sshll.u32 s5, $0x4  }
0x3f: {  	s0 =	sand.u32 $0x1FFFFFF0, s0;
	s9 =	sshll.u32 s9, $0x4;
	s16 =	sshll.u32 s8, $0x4  }
0x40: {  	s18 =	sld [smem:$0x3];
	s16 =	sand.u32 $0x1FFFFFF0, s16;
	s15 =	sshll.u32 s15, $0x4  }
0x41: {  	s11 =	sshll.u32 s11, $0x4;
	s16 =	sadd.s32 s3, s16;
	s15 =	sand.u32 $0x1FFFFFF0, s15  }
0x42: {  	[tilespmem:s21], [sflag:$0x1] =	stream.linear.gather [hbm4b:s16+s1], $0x80, $0x38;
	[tilespmem:$0x12600] =	vst v63  }
0x43: {  	s0 =	sadd.s32 s3, s0;
	s18 =	sshll.u32 s18, $0x4;
	s15 =	sadd.s32 s3, s15  }
0x44: {  	[tilespmem:s19], [sflag:$0x1] =	stream.linear.gather [hbm4b:s15+s1], $0x80, $0x38;
	[tilespmem:$0x12600] =	vst v63  }
0x45: {  	s9 =	sand.u32 $0x1FFFFFF0, s9;
	s8 =	simm.s32 $0x1000;
	s20 =	sand.u32 $0x1FFFFFF0, s18  }
0x46: {  	[tilespmem:s7], [sflag:$0x1] =	stream.linear.gather [hbm4b:s0+s1], $0x80, $0x38;
	[tilespmem:$0x12600] =	vst v63  }
0x47: {  	s9 =	sadd.s32 s3, s9;
	s13 =	sshll.u32 s13, $0x4;
	s21 =	sadd.s32 s3, s20  }
0x48: {  	[tilespmem:s22], [sflag:$0x1] =	stream.linear.gather [hbm4b:s21+s1], $0x80, $0x38;
	[tilespmem:$0x12600] =	vst v63  }
0x49: {  	s31 =	sand.u32 $0x1FFFFFF0, s11;
	s11 =	simm.s32 $0x0;
	s23 =	sand.u32 $0x1FFFFFF0, s13  }
0x4a: {  	[tilespmem:s26], [sflag:$0x1] =	stream.linear.gather [hbm4b:s9+s1], $0x80, $0x38;
	[tilespmem:$0x12600] =	vst v63  }
0x4b: {  	s13 =	simm.s32 $0x980;
	s0 =	sadd.s32 s3, s23;
	s15 =	sld [smem:$0x7]  }
0x4c: {  	[tilespmem:s30], [sflag:$0x1] =	stream.linear.gather [hbm4b:s0+s1], $0x80, $0x38;
	[tilespmem:$0x12600] =	vst v63  }
0x4d: {  	s16 =	sadd.s32 s3, s31;
	s9 =	simm.s32 $0xC;
	s0 =	simm.s32 $0x900  }
.LBB2_2:
0x4e: {  	[tilespmem:s0], [sflag:$0x1] =	stream.linear.gather [hbm4b:s16+s11], $0x80, $0x38;
	[tilespmem:$0x12600] =	vst v63  }
0x4f: {  	s0 =	smov.u32 s8  }
0x50: {  	p0 =	sne.s32 s8, $0x17000;
	s15 =	sshll.u32 s15, $0x4;
	s16 =	sld [smem:s9+$0xFFFFFFFE]  }
0x51: {  	s8 =	sadd.s32 $0x1000, s8;
	s15 =	sand.u32 $0x1FFFFFF0, s15;
	s18 =	sld [smem:s9+$0x0]  }
0x52: {  	s15 =	sadd.s32 s3, s15;
	s19 =	sld [smem:s9+$0x2]  }
0x53: {  	[tilespmem:s13], [sflag:$0x1] =	stream.linear.gather [hbm4b:s15+s11], $0x80, $0x38;
	[tilespmem:$0x12600] =	vst v63  }
0x54: {  	s11 =	sld [smem:s9+$0xFFFFFFFC]  }
0x55: {  	s13 =	sld [smem:s9+$0x1];
	s15 =	sshll.u32 s19, $0x4  }
0x56: {  	s19 =	sld [smem:s9+$0xFFFFFFFD];
	s21 =	sand.u32 $0x1FFFFFF0, s15  }
0x57: {  	s15 =	sshll.u32 s11, $0x4;
	s11 =	simm.s32 $0x0;
	s23 =	sld [smem:s9+$0xFFFFFFFF]  }
0x58: {  	s0 =	sshra.s32 s0, $0x2;
	s15 =	sand.u32 $0x1FFFFFF0, s15;
	s13 =	sshll.u32 s13, $0x4  }
0x59: {  	s26 =	sadd.s32 $0x680, s0;
	s15 =	sadd.s32 s3, s15;
	s19 =	sshll.u32 s19, $0x4  }
0x5a: {  	s30 =	sadd.s32 $0x600, s0;
	s19 =	sand.u32 $0x1FFFFFF0, s19;
	s23 =	sshll.u32 s23, $0x4  }
0x5b: {  	s16 =	sshll.u32 s16, $0x4;
	s31 =	sand.u32 $0x1FFFFFF0, s13;
	s19 =	sadd.s32 s3, s19  }
0x5c: {  	[tilespmem:s30], [sflag:$0x1] =	stream.linear.gather [hbm4b:s15+s11], $0x80, $0x38;
	[tilespmem:$0x12600] =	vst v63  }
0x5d: {  	s13 =	sadd.s32 $0x700, s0;
	s15 =	sand.u32 $0x1FFFFFF0, s16;
	s16 =	sand.u32 $0x1FFFFFF0, s23  }
0x5e: {  	[tilespmem:s26], [sflag:$0x1] =	stream.linear.gather [hbm4b:s19+s11], $0x80, $0x38;
	[tilespmem:$0x12600] =	vst v63  }
0x5f: {  	s18 =	sshll.u32 s18, $0x4;
	s15 =	sadd.s32 s3, s15;
	s16 =	sadd.s32 s3, s16  }
0x60: {  	[tilespmem:s13], [sflag:$0x1] =	stream.linear.gather [hbm4b:s15+s11], $0x80, $0x38;
	[tilespmem:$0x12600] =	vst v63  }
0x61: {  	s18 =	sand.u32 $0x1FFFFFF0, s18;
	s15 =	sadd.s32 $0x780, s0;
	s13 =	sadd.s32 $0x980, s0  }
0x62: {  	[tilespmem:s15], [sflag:$0x1] =	stream.linear.gather [hbm4b:s16+s11], $0x80, $0x38;
	[tilespmem:$0x12600] =	vst v63  }
0x63: {  	s15 =	sadd.s32 $0x800, s0  }
.Ltmp0:
0x64: {  	s16 =	sadd.s32 s3, s18;
	s18 =	sadd.s32 $0x880, s0;
	(pc) =	sbr.rel @p0 .LBB2_2-.Ltmp0, $4  }
0x65: {  	[tilespmem:s15], [sflag:$0x1] =	stream.linear.gather [hbm4b:s16+s11], $0x80, $0x38;
	[tilespmem:$0x12600] =	vst v63  }
0x66: {  	s0 =	sadd.s32 $0x900, s0;
	s16 =	sadd.s32 s3, s31;
	s15 =	sld [smem:s9+$0x3]  }
0x67: {  	[tilespmem:s18], [sflag:$0x1] =	stream.linear.gather [hbm4b:s16+s11], $0x80, $0x38;
	[tilespmem:$0x12600] =	vst v63  }
0x68: {  	s9 =	sadd.s32 $0x8, s9;
	s16 =	sadd.s32 s3, s21  }
0x69: {  	[tilespmem:s0], [sflag:$0x1] =	stream.linear.gather [hbm4b:s16+s11], $0x80, $0x38;
	[tilespmem:$0x12600] =	vst v63  }
0x6a: {  	s16 =	sshll.u32 s15, $0x4  }
0x6b: {  	s0 =	sand.u32 $0x1FFFFFF0, s16  }
0x6c: {  	s0 =	sadd.s32 s3, s0  }
0x6d: {  	[tilespmem:s13], [sflag:$0x1] =	stream.linear.gather [hbm4b:s0+s11], $0x80, $0x38;
	[tilespmem:$0x12600] =	vst v63  }
0x6e: {  	s0 =	sld [smem:$0xC0];
	_ =	sdelay $0x2  }
0x6f: {  	s8 =	rddreg [dreg:$0x6];
	s0 =	sshll.u32 s0, $0x4  }
0x70: {  	s18 =	sadd.s32 $0x0, s8;
	s0 =	sand.u32 $0x1FFFFFF0, s0  }
0x71: {  	s8 =	sor.u32 $0x1C07, s4;
	s9 =	sadd.s32 $0xC00, s18;
	s0 =	sadd.s32 s3, s0  }
0x72: {  	[hbm:s9], [sflag:s8] =	dma.local [hbm:s0], $0x10  }
0x73: {  	s0 =	sld [smem:$0xC1];
	_ =	sdelay $0x2  }
0x74: {  	s0 =	sshll.u32 s0, $0x4  }
0x75: {  	s0 =	sand.u32 $0x1FFFFFF0, s0  }
0x76: {  	s19 =	sadd.s32 $0xC10, s18;
	s9 =	sor.u32 $0x1C08, s4;
	s0 =	sadd.s32 s3, s0  }
0x77: {  	[hbm:s19], [sflag:s9] =	dma.local [hbm:s0], $0x10  }
0x78: {  	s0 =	sld [smem:$0xC2];
	_ =	sdelay $0x2  }
0x79: {  	s0 =	sshll.u32 s0, $0x4  }
0x7a: {  	s0 =	sand.u32 $0x1FFFFFF0, s0  }
0x7b: {  	s21 =	sor.u32 $0x1C09, s4;
	s20 =	sadd.s32 $0xC20, s18;
	s0 =	sadd.s32 s3, s0  }
0x7c: {  	[hbm:s20], [sflag:s21] =	dma.local [hbm:s0], $0x10  }
0x7d: {  	s0 =	sld [smem:$0xC3];
	_ =	sdelay $0x2  }
0x7e: {  	s0 =	sshll.u32 s0, $0x4  }
0x7f: {  	s0 =	sand.u32 $0x1FFFFFF0, s0  }
0x80: {  	s23 =	sor.u32 $0x1C0A, s4;
	s22 =	sadd.s32 $0xC30, s18;
	s0 =	sadd.s32 s3, s0  }
0x81: {  	[hbm:s22], [sflag:s23] =	dma.local [hbm:s0], $0x10  }
0x82: {  	s0 =	sld [smem:$0xC4];
	_ =	sdelay $0x2  }
0x83: {  	s0 =	sshll.u32 s0, $0x4  }
0x84: {  	s0 =	sand.u32 $0x1FFFFFF0, s0  }
0x85: {  	s26 =	sadd.s32 $0xC40, s18;
	s0 =	sadd.s32 s3, s0  }
0x86: {  	[hbm:s26], [sflag:s8] =	dma.local [hbm:s0], $0x10  }
0x87: {  	s0 =	sld [smem:$0xC5];
	_ =	sdelay $0x2  }
0x88: {  	s0 =	sshll.u32 s0, $0x4  }
0x89: {  	s0 =	sand.u32 $0x1FFFFFF0, s0  }
0x8a: {  	s30 =	sadd.s32 $0xC50, s18;
	s0 =	sadd.s32 s3, s0  }
0x8b: {  	[hbm:s30], [sflag:s9] =	dma.local [hbm:s0], $0x10  }
0x8c: {  	s0 =	sld [smem:$0xC6];
	_ =	sdelay $0x2  }
0x8d: {  	s0 =	sshll.u32 s0, $0x4  }
0x8e: {  	s0 =	sand.u32 $0x1FFFFFF0, s0  }
0x8f: {  	s31 =	sadd.s32 $0xC60, s18;
	s0 =	sadd.s32 s3, s0  }
0x90: {  	[hbm:s31], [sflag:s21] =	dma.local [hbm:s0], $0x10  }
0x91: {  	s0 =	sld [smem:$0xC7];
	_ =	sdelay $0x2  }
0x92: {  	s0 =	sshll.u32 s0, $0x4  }
0x93: {  	s13 =	simm.s32 $0xCF;
	s0 =	sand.u32 $0x1FFFFFF0, s0  }
0x94: {  	s15 =	sadd.s32 $0xC70, s18;
	s26 =	simm.s32 $0x80;
	s0 =	sadd.s32 s3, s0  }
.LBB2_4:
0x95: {  	[hbm:s15], [sflag:s23] =	dma.local [hbm:s0], $0x10  }
0x96: {  	s15 =	sld [smem:s13+$0xFFFFFFF9];
	_ =	sdelay $0x2  }
0x97: {  	s2 =	smov.u32 s26;
	s16 =	rddreg [dreg:$0x6];
	s15 =	sshll.u32 s15, $0x4  }
0x98: {  	s5 =	sadd.s32 s2, s16;
	s18 =	sand.u32 $0x1FFFFFF0, s15  }
0x99: {  	s16 =	sadd.s32 $0xC00, s5;
	s7 =	sadd.s32 s3, s18  }
0x9a: {  	[hbm:s16], [sflag:s8] =	dma.local [hbm:s7], $0x10  }
0x9b: {  	s0 =	sld [smem:s13+$0xFFFFFFFA];
	_ =	sdelay $0x2  }
0x9c: {  	s0 =	sshll.u32 s0, $0x4  }
0x9d: {  	s0 =	sand.u32 $0x1FFFFFF0, s0  }
0x9e: {  	s18 =	sadd.s32 $0xC10, s5;
	s0 =	sadd.s32 s3, s0  }
0x9f: {  	[hbm:s18], [sflag:s9] =	dma.local [hbm:s0], $0x10  }
0xa0: {  	s0 =	sld [smem:s13+$0xFFFFFFFB];
	_ =	sdelay $0x2  }
0xa1: {  	s0 =	sshll.u32 s0, $0x4  }
0xa2: {  	s0 =	sand.u32 $0x1FFFFFF0, s0  }
0xa3: {  	s19 =	sadd.s32 $0xC20, s5;
	s0 =	sadd.s32 s3, s0  }
0xa4: {  	[hbm:s19], [sflag:s21] =	dma.local [hbm:s0], $0x10  }
0xa5: {  	s0 =	sld [smem:s13+$0xFFFFFFFC];
	_ =	sdelay $0x2  }
0xa6: {  	s0 =	sshll.u32 s0, $0x4  }
0xa7: {  	s0 =	sand.u32 $0x1FFFFFF0, s0  }
0xa8: {  	s20 =	sadd.s32 $0xC30, s5;
	s0 =	sadd.s32 s3, s0  }
0xa9: {  	[hbm:s20], [sflag:s23] =	dma.local [hbm:s0], $0x10  }
0xaa: {  	s0 =	sld [smem:s13+$0xFFFFFFFD];
	_ =	sdelay $0x2  }
0xab: {  	s0 =	sshll.u32 s0, $0x4  }
0xac: {  	s0 =	sand.u32 $0x1FFFFFF0, s0  }
0xad: {  	s22 =	sadd.s32 $0xC40, s5;
	s0 =	sadd.s32 s3, s0  }
0xae: {  	[hbm:s22], [sflag:s8] =	dma.local [hbm:s0], $0x10  }
0xaf: {  	s0 =	sld [smem:s13+$0xFFFFFFFE];
	_ =	sdelay $0x2  }
0xb0: {  	s0 =	sshll.u32 s0, $0x4  }
0xb1: {  	s0 =	sand.u32 $0x1FFFFFF0, s0  }
0xb2: {  	s30 =	sadd.s32 $0xC50, s5;
	s0 =	sadd.s32 s3, s0  }
0xb3: {  	[hbm:s30], [sflag:s9] =	dma.local [hbm:s0], $0x10  }
0xb4: {  	s0 =	sld [smem:s13+$0xFFFFFFFF];
	_ =	sdelay $0x2  }
0xb5: {  	s0 =	sshll.u32 s0, $0x4  }
0xb6: {  	s0 =	sand.u32 $0x1FFFFFF0, s0  }
0xb7: {  	s31 =	sadd.s32 $0xC60, s5;
	s0 =	sadd.s32 s3, s0  }
0xb8: {  	[hbm:s31], [sflag:s21] =	dma.local [hbm:s0], $0x10  }
0xb9: {  	p0 =	sne.s32 s26, $0x380;
	s0 =	sld [smem:s13+$0x0]  }
.Ltmp1:
0xba: {  	_ = 	snop;
	(pc) =	sbr.rel @p0 .LBB2_4-.Ltmp1, $4  }
0xbb: {  	_ = 	snop  }
0xbc: {  	s0 =	sshll.u32 s0, $0x4  }
0xbd: {  	s26 =	sadd.s32 $0x80, s26;
	s0 =	sand.u32 $0x1FFFFFF0, s0  }
0xbe: {  	s15 =	sadd.s32 $0xC70, s5;
	s13 =	sadd.s32 $0x8, s13;
	s0 =	sadd.s32 s3, s0  }
0xbf: {  	[hbm:s15], [sflag:s23] =	dma.local [hbm:s0], $0x10  }
0xc0: {  	s2 =	sand.u32 $0xF8, s11  }
0xc1: {  	s0 =	sor.u32 $0x100, s2;
	s5 =	sld [smem:$0x106]  }
0xc2: {  	s26 =	simm.s32 $0x1000;
	s0 =	sld [smem:s0+$0x0]  }
0xc3: {  	s11 =	simm.s32 $0x0;
	s13 =	simm.s32 $0x0;
	s15 =	sld [smem:$0x105]  }
0xc4: {  	s31 =	simm.s32 $0x6600;
	s7 =	simm.s32 $0x6700;
	s16 =	sld [smem:$0x101]  }
0xc5: {  	s19 =	sshll.u32 s5, $0x4;
	s0 =	sshll.u32 s0, $0x4;
	s18 =	sld [smem:$0x103]  }
0xc6: {  	s5 =	simm.s32 $0x6680;
	s0 =	sand.u32 $0x1FFFFFF0, s0;
	s30 =	sld [smem:$0x102]  }
0xc7: {  	s15 =	sshll.u32 s15, $0x4;
	s0 =	sadd.s32 s3, s0;
	s16 =	sshll.u32 s16, $0x4  }
0xc8: {  	s2 =	sld [smem:$0x104];
	s16 =	sand.u32 $0x1FFFFFF0, s16;
	s18 =	sshll.u32 s18, $0x4  }
0xc9: {  	[tilespmem:s31], [sflag:$0x2] =	stream.linear.gather [hbm4b:s0+s11], $0x80, $0x38;
	[tilespmem:$0x12600] =	vst v63  }
0xca: {  	s16 =	sadd.s32 s3, s16;
	s30 =	sshll.u32 s30, $0x4;
	s18 =	sand.u32 $0x1FFFFFF0, s18  }
0xcb: {  	[tilespmem:s5], [sflag:$0x2] =	stream.linear.gather [hbm4b:s16+s11], $0x80, $0x38;
	[tilespmem:$0x12600] =	vst v63  }
0xcc: {  	s30 =	sand.u32 $0x1FFFFFF0, s30;
	s22 =	sadd.s32 s3, s18;
	s2 =	sshll.u32 s2, $0x4  }
0xcd: {  	s5 =	simm.s32 $0x6780;
	s18 =	simm.s32 $0x6900;
	s20 =	sadd.s32 s3, s30  }
0xce: {  	[tilespmem:s7], [sflag:$0x2] =	stream.linear.gather [hbm4b:s20+s11], $0x80, $0x38;
	[tilespmem:$0x12600] =	vst v63  }
0xcf: {  	s2 =	sand.u32 $0x1FFFFFF0, s2;
	s30 =	simm.s32 $0x6880;
	s7 =	simm.s32 $0x6800  }
0xd0: {  	[tilespmem:s5], [sflag:$0x2] =	stream.linear.gather [hbm4b:s22+s11], $0x80, $0x38;
	[tilespmem:$0x12600] =	vst v63  }
0xd1: {  	s2 =	sadd.s32 s3, s2;
	s20 =	sand.u32 $0x1FFFFFF0, s15;
	s16 =	sld [smem:$0x107]  }
0xd2: {  	s15 =	simm.s32 $0x8;
	s31 =	sadd.s32 s3, s20;
	s22 =	sand.u32 $0x1FFFFFF0, s19  }
0xd3: {  	[tilespmem:s7], [sflag:$0x2] =	stream.linear.gather [hbm4b:s2+s11], $0x80, $0x38;
	[tilespmem:$0x12600] =	vst v63  }
0xd4: {  	s19 =	sadd.s32 s3, s22;
	s0 =	sshll.u32 s16, $0x4;
	s16 =	simm.s32 $0x10F  }
.LBB2_6:
0xd5: {  	[tilespmem:s30], [sflag:$0x2] =	stream.linear.gather [hbm4b:s31+s11], $0x80, $0x38;
	[tilespmem:$0x12600] =	vst v63  }
0xd6: {  	s2 =	smov.u32 s26  }
0xd7: {  	p0 =	sne.s32 s26, $0x17000;
	s26 =	sadd.s32 $0x1000, s26;
	s0 =	sand.u32 $0x1FFFFFF0, s0  }
0xd8: {  	[tilespmem:s18], [sflag:$0x2] =	stream.linear.gather [hbm4b:s19+s11], $0x80, $0x38;
	[tilespmem:$0x12600] =	vst v63  }
0xd9: {  	s5 =	sand.u32 $0xF8, s15;
	s13 =	sadd.s32 $0x6980, s13;
	s0 =	sadd.s32 s3, s0  }
0xda: {  	[tilespmem:s13], [sflag:$0x2] =	stream.linear.gather [hbm4b:s0+s11], $0x80, $0x38;
	[tilespmem:$0x12600] =	vst v63  }
0xdb: {  	s0 =	sor.u32 $0x100, s5;
	s5 =	sld [smem:s16+$0xFFFFFFFF]  }
0xdc: {  	s0 =	sld [smem:s0+$0x0]  }
0xdd: {  	s19 =	sld [smem:s16+$0xFFFFFFFE]  }
0xde: {  	s18 =	sld [smem:s16+$0xFFFFFFFA];
	s5 =	sshll.u32 s5, $0x4  }
0xdf: {  	s0 =	sshll.u32 s0, $0x4;
	s30 =	sld [smem:s16+$0xFFFFFFFC]  }
0xe0: {  	s13 =	sshra.s32 s2, $0x2;
	s0 =	sand.u32 $0x1FFFFFF0, s0;
	s2 =	sld [smem:s16+$0xFFFFFFFB]  }
0xe1: {  	s31 =	sadd.s32 $0x6600, s13;
	s0 =	sadd.s32 s3, s0;
	s18 =	sshll.u32 s18, $0x4  }
0xe2: {  	s18 =	sand.u32 $0x1FFFFFF0, s18;
	s30 =	sshll.u32 s30, $0x4;
	s7 =	sld [smem:s16+$0xFFFFFFFD]  }
0xe3: {  	s20 =	sadd.s32 $0x6680, s13;
	s18 =	sadd.s32 s3, s18;
	s2 =	sshll.u32 s2, $0x4  }
0xe4: {  	[tilespmem:s31], [sflag:$0x2] =	stream.linear.gather [hbm4b:s0+s11], $0x80, $0x38;
	[tilespmem:$0x12600] =	vst v63  }
0xe5: {  	s30 =	sand.u32 $0x1FFFFFF0, s30;
	s0 =	sadd.s32 $0x6700, s13;
	s2 =	sand.u32 $0x1FFFFFF0, s2  }
0xe6: {  	[tilespmem:s20], [sflag:$0x2] =	stream.linear.gather [hbm4b:s18+s11], $0x80, $0x38;
	[tilespmem:$0x12600] =	vst v63  }
0xe7: {  	s2 =	sadd.s32 s3, s2;
	s7 =	sshll.u32 s7, $0x4;
	s20 =	sadd.s32 s3, s30  }
0xe8: {  	[tilespmem:s0], [sflag:$0x2] =	stream.linear.gather [hbm4b:s2+s11], $0x80, $0x38;
	[tilespmem:$0x12600] =	vst v63  }
0xe9: {  	s18 =	sadd.s32 $0x6900, s13;
	s0 =	sadd.s32 $0x6780, s13;
	s2 =	sand.u32 $0x1FFFFFF0, s7  }
0xea: {  	s19 =	sshll.u32 s19, $0x4;
	s7 =	sadd.s32 $0x6800, s13;
	s2 =	sadd.s32 s3, s2  }
0xeb: {  	[tilespmem:s0], [sflag:$0x2] =	stream.linear.gather [hbm4b:s20+s11], $0x80, $0x38;
	[tilespmem:$0x12600] =	vst v63  }
.Ltmp2:
0xec: {  	_ = 	snop;
	(pc) =	sbr.rel @p0 .LBB2_6-.Ltmp2, $4  }
0xed: {  	s5 =	sand.u32 $0x1FFFFFF0, s5;
	s0 =	sand.u32 $0x1FFFFFF0, s19;
	s20 =	sld [smem:s16+$0x0]  }
0xee: {  	s30 =	sadd.s32 $0x6880, s13;
	s19 =	sadd.s32 s3, s5;
	s31 =	sadd.s32 s3, s0  }
0xef: {  	[tilespmem:s7], [sflag:$0x2] =	stream.linear.gather [hbm4b:s2+s11], $0x80, $0x38;
	[tilespmem:$0x12600] =	vst v63  }
0xf0: {  	s15 =	sadd.s32 $0x8, s15;
	s16 =	sadd.s32 $0x8, s16;
	s0 =	sshll.u32 s20, $0x4  }
0xf1: {  	[tilespmem:s30], [sflag:$0x2] =	stream.linear.gather [hbm4b:s31+s11], $0x80, $0x38;
	[tilespmem:$0x12600] =	vst v63  }
0xf2: {  	s0 =	sand.u32 $0x1FFFFFF0, s0  }
0xf3: {  	[tilespmem:s18], [sflag:$0x2] =	stream.linear.gather [hbm4b:s19+s11], $0x80, $0x38;
	[tilespmem:$0x12600] =	vst v63  }
0xf4: {  	s2 =	sadd.s32 $0x6980, s13;
	s0 =	sadd.s32 s3, s0  }
0xf5: {  	[tilespmem:s2], [sflag:$0x2] =	stream.linear.gather [hbm4b:s0+s11], $0x80, $0x38;
	[tilespmem:$0x12600] =	vst v63  }
0xf6: {  	s0 =	sld [smem:$0x1C0];
	_ =	sdelay $0x2  }
0xf7: {  	s0 =	sshll.u32 s0, $0x4  }
0xf8: {  	s18 =	rddreg [dreg:$0x7];
	s0 =	sand.u32 $0x1FFFFFF0, s0  }
0xf9: {  	s2 =	sadd.s32 $0x0, s18;
	s0 =	sadd.s32 s3, s0  }
0xfa: {  	[hbm:s2], [sflag:s8] =	dma.local [hbm:s0], $0x10  }
0xfb: {  	s0 =	sld [smem:$0x1C1];
	_ =	sdelay $0x2  }
0xfc: {  	s0 =	sshll.u32 s0, $0x4  }
0xfd: {  	s19 =	sadd.s32 $0x0, s10;
	s0 =	sand.u32 $0x1FFFFFF0, s0  }
0xfe: {  	s5 =	sadd.s32 $0x1C10, s19;
	s0 =	sadd.s32 s3, s0  }
0xff: {  	[hbm:s5], [sflag:s9] =	dma.local [hbm:s0], $0x10  }
0x100: {  	s0 =	sld [smem:$0x1C2];
	_ =	sdelay $0x2  }
0x101: {  	s0 =	sshll.u32 s0, $0x4  }
0x102: {  	s20 =	rddreg [dreg:$0x8];
	s0 =	sand.u32 $0x1FFFFFF0, s0  }
0x103: {  	s5 =	sadd.s32 $0x0, s20;
	s0 =	sadd.s32 s3, s0  }
0x104: {  	[hbm:s5], [sflag:s21] =	dma.local [hbm:s0], $0x10  }
0x105: {  	s0 =	sld [smem:$0x1C3];
	_ =	sdelay $0x2  }
0x106: {  	s0 =	sshll.u32 s0, $0x4  }
0x107: {  	s0 =	sand.u32 $0x1FFFFFF0, s0  }
0x108: {  	s22 =	sadd.s32 $0x1C30, s19;
	s0 =	sadd.s32 s3, s0  }
0x109: {  	[hbm:s22], [sflag:s23] =	dma.local [hbm:s0], $0x10  }
0x10a: {  	s0 =	sld [smem:$0x1C4];
	_ =	sdelay $0x2  }
0x10b: {  	s0 =	sshll.u32 s0, $0x4  }
0x10c: {  	s26 =	rddreg [dreg:$0x9];
	s0 =	sand.u32 $0x1FFFFFF0, s0  }
0x10d: {  	s5 =	sadd.s32 $0x0, s26;
	s0 =	sadd.s32 s3, s0  }
0x10e: {  	[hbm:s5], [sflag:s8] =	dma.local [hbm:s0], $0x10  }
0x10f: {  	s0 =	sld [smem:$0x1C5];
	_ =	sdelay $0x2  }
0x110: {  	s0 =	sshll.u32 s0, $0x4  }
0x111: {  	s0 =	sand.u32 $0x1FFFFFF0, s0  }
0x112: {  	s30 =	sadd.s32 $0x1C50, s19;
	s0 =	sadd.s32 s3, s0  }
0x113: {  	[hbm:s30], [sflag:s9] =	dma.local [hbm:s0], $0x10  }
0x114: {  	s0 =	sld [smem:$0x1C6];
	_ =	sdelay $0x2  }
0x115: {  	s0 =	sshll.u32 s0, $0x4  }
0x116: {  	s31 =	rddreg [dreg:$0xa];
	s0 =	sand.u32 $0x1FFFFFF0, s0  }
0x117: {  	s5 =	sadd.s32 $0x0, s31;
	s0 =	sadd.s32 s3, s0  }
0x118: {  	[hbm:s5], [sflag:s21] =	dma.local [hbm:s0], $0x10  }
0x119: {  	s0 =	sld [smem:$0x1C7];
	_ =	sdelay $0x2  }
0x11a: {  	s0 =	sshll.u32 s0, $0x4  }
0x11b: {  	s13 =	sadd.s32 $0x1C70, s19;
	s0 =	sand.u32 $0x1FFFFFF0, s0  }
0x11c: {  	s11 =	simm.s32 $0x80;
	s26 =	simm.s32 $0x1CF;
	s0 =	sadd.s32 s3, s0  }
.LBB2_8:
0x11d: {  	[hbm:s13], [sflag:s23] =	dma.local [hbm:s0], $0x10  }
0x11e: {  	s0 =	sld [smem:s26+$0xFFFFFFF9];
	_ =	sdelay $0x2  }
0x11f: {  	s0 =	sshll.u32 s0, $0x4  }
0x120: {  	s20 =	smov.u32 s11;
	s2 =	rddreg [dreg:$0x7];
	s0 =	sand.u32 $0x1FFFFFF0, s0  }
0x121: {  	s2 =	sadd.s32 s20, s2;
	s0 =	sadd.s32 s3, s0  }
0x122: {  	[hbm:s2], [sflag:s8] =	dma.local [hbm:s0], $0x10  }
0x123: {  	s0 =	sld [smem:s26+$0xFFFFFFFA];
	_ =	sdelay $0x2  }
0x124: {  	s0 =	sshll.u32 s0, $0x4  }
0x125: {  	s15 =	sadd.s32 s20, s10;
	s0 =	sand.u32 $0x1FFFFFF0, s0  }
0x126: {  	s22 =	sadd.s32 $0x1C10, s15;
	s0 =	sadd.s32 s3, s0  }
0x127: {  	[hbm:s22], [sflag:s9] =	dma.local [hbm:s0], $0x10  }
0x128: {  	s0 =	sld [smem:s26+$0xFFFFFFFB];
	_ =	sdelay $0x2  }
0x129: {  	s0 =	sshll.u32 s0, $0x4  }
0x12a: {  	s2 =	rddreg [dreg:$0x8];
	s0 =	sand.u32 $0x1FFFFFF0, s0  }
0x12b: {  	s2 =	sadd.s32 s20, s2;
	s0 =	sadd.s32 s3, s0  }
0x12c: {  	[hbm:s2], [sflag:s21] =	dma.local [hbm:s0], $0x10  }
0x12d: {  	s0 =	sld [smem:s26+$0xFFFFFFFC];
	_ =	sdelay $0x2  }
0x12e: {  	s0 =	sshll.u32 s0, $0x4  }
0x12f: {  	s0 =	sand.u32 $0x1FFFFFF0, s0  }
0x130: {  	s30 =	sadd.s32 $0x1C30, s15;
	s0 =	sadd.s32 s3, s0  }
0x131: {  	[hbm:s30], [sflag:s23] =	dma.local [hbm:s0], $0x10  }
0x132: {  	s0 =	sld [smem:s26+$0xFFFFFFFD];
	_ =	sdelay $0x2  }
0x133: {  	s0 =	sshll.u32 s0, $0x4  }
0x134: {  	s2 =	rddreg [dreg:$0x9];
	s0 =	sand.u32 $0x1FFFFFF0, s0  }
0x135: {  	s2 =	sadd.s32 s20, s2;
	s0 =	sadd.s32 s3, s0  }
0x136: {  	[hbm:s2], [sflag:s8] =	dma.local [hbm:s0], $0x10  }
0x137: {  	s0 =	sld [smem:s26+$0xFFFFFFFE];
	_ =	sdelay $0x2  }
0x138: {  	s0 =	sshll.u32 s0, $0x4  }
0x139: {  	s0 =	sand.u32 $0x1FFFFFF0, s0  }
0x13a: {  	s31 =	sadd.s32 $0x1C50, s15;
	s0 =	sadd.s32 s3, s0  }
0x13b: {  	[hbm:s31], [sflag:s9] =	dma.local [hbm:s0], $0x10  }
0x13c: {  	s0 =	sld [smem:s26+$0xFFFFFFFF];
	_ =	sdelay $0x2  }
0x13d: {  	s0 =	sshll.u32 s0, $0x4  }
0x13e: {  	s2 =	rddreg [dreg:$0xa];
	s0 =	sand.u32 $0x1FFFFFF0, s0  }
0x13f: {  	s2 =	sadd.s32 s20, s2;
	s0 =	sadd.s32 s3, s0  }
0x140: {  	[hbm:s2], [sflag:s21] =	dma.local [hbm:s0], $0x10  }
0x141: {  	p0 =	sne.s32 s11, $0x380;
	s0 =	sld [smem:s26+$0x0]  }
.Ltmp3:
0x142: {  	_ = 	snop;
	(pc) =	sbr.rel @p0 .LBB2_8-.Ltmp3, $4  }
0x143: {  	_ = 	snop  }
0x144: {  	s0 =	sshll.u32 s0, $0x4  }
0x145: {  	s11 =	sadd.s32 $0x80, s11;
	s0 =	sand.u32 $0x1FFFFFF0, s0  }
0x146: {  	s13 =	sadd.s32 $0x1C70, s15;
	s26 =	sadd.s32 $0x8, s26;
	s0 =	sadd.s32 s3, s0  }
0x147: {  	[hbm:s13], [sflag:s23] =	dma.local [hbm:s0], $0x10  }
0x148: {  	s19 =	simm.s32 $0x1  }
0x149: {  	_ =	swait.ge [sflag:s19], $0x6000  }
0x14a: {  	[sflag:s19] =	ssyncset.done $0x0  }
0x14b: {  	s11 =	simm.s32 $0x0;
	s20 =	simm.s32 $0x600;
	[sflag:s19] =	ssyncadd.s32 $0xFFFFA000  }
0x14c: {  	[hbm4b:s10+s11] =	stream.linear.scatter [tilespmem:s20], [sflag:$0x4], $0x6000, $0x38;
	[tilespmem:$0x12600] =	vst v63  }
0x14d: {  	s0 =	sld [smem:$0x202]  }
0x14e: {  	s2 =	sand.u32 $0xF8, s11;
	s5 =	sld [smem:$0x204]  }
0x14f: {  	s2 =	sor.u32 $0x200, s2;
	s7 =	sld [smem:$0x206]  }
0x150: {  	s2 =	sld [smem:s2+$0x0]  }
0x151: {  	s26 =	simm.s32 $0x1000;
	s18 =	simm.s32 $0xC680;
	s22 =	sld [smem:$0x205]  }
0x152: {  	s31 =	simm.s32 $0xC700;
	s0 =	sshll.u32 s0, $0x4;
	s15 =	sld [smem:$0x201]  }
0x153: {  	s19 =	simm.s32 $0xC600;
	s0 =	sand.u32 $0x1FFFFFF0, s0;
	s5 =	sshll.u32 s5, $0x4  }
0x154: {  	s7 =	sshll.u32 s7, $0x4;
	s0 =	sadd.s32 s3, s0;
	s2 =	sshll.u32 s2, $0x4  }
0x155: {  	s16 =	sld [smem:$0x203];
	s2 =	sand.u32 $0x1FFFFFF0, s2;
	s15 =	sshll.u32 s15, $0x4  }
0x156: {  	s5 =	sand.u32 $0x1FFFFFF0, s5;
	s2 =	sadd.s32 s3, s2;
	s15 =	sand.u32 $0x1FFFFFF0, s15  }
0x157: {  	[tilespmem:s19], [sflag:$0x3] =	stream.linear.gather [hbm4b:s2+s11], $0x80, $0x38;
	[tilespmem:$0x12600] =	vst v63  }
0x158: {  	s5 =	sadd.s32 s3, s5;
	s16 =	sshll.u32 s16, $0x4;
	s30 =	sadd.s32 s3, s15  }
0x159: {  	[tilespmem:s18], [sflag:$0x3] =	stream.linear.gather [hbm4b:s30+s11], $0x80, $0x38;
	[tilespmem:$0x12600] =	vst v63  }
0x15a: {  	s13 =	sshll.u32 s22, $0x4;
	s22 =	simm.s32 $0xC800;
	s16 =	sand.u32 $0x1FFFFFF0, s16  }
0x15b: {  	[tilespmem:s31], [sflag:$0x3] =	stream.linear.gather [hbm4b:s0+s11], $0x80, $0x38;
	[tilespmem:$0x12600] =	vst v63  }
0x15c: {  	s20 =	sand.u32 $0x1FFFFFF0, s13;
	s19 =	simm.s32 $0xC780;
	s18 =	sadd.s32 s3, s16  }
0x15d: {  	[tilespmem:s19], [sflag:$0x3] =	stream.linear.gather [hbm4b:s18+s11], $0x80, $0x38;
	[tilespmem:$0x12600] =	vst v63  }
0x15e: {  	s13 =	simm.s32 $0x8;
	s15 =	simm.s32 $0x20F;
	s30 =	simm.s32 $0xC880  }
0x15f: {  	[tilespmem:s22], [sflag:$0x3] =	stream.linear.gather [hbm4b:s5+s11], $0x80, $0x38;
	[tilespmem:$0x12600] =	vst v63  }
0x160: {  	s0 =	sadd.s32 s3, s20;
	s31 =	sand.u32 $0x1FFFFFF0, s7;
	s18 =	sld [smem:$0x207]  }
0x161: {  	[tilespmem:s30], [sflag:$0x3] =	stream.linear.gather [hbm4b:s0+s11], $0x80, $0x38;
	[tilespmem:$0x12600] =	vst v63  }
0x162: {  	s16 =	simm.s32 $0xC980;
	s19 =	sadd.s32 s3, s31;
	s0 =	simm.s32 $0xC900  }
.LBB2_10:
0x163: {  	[tilespmem:s0], [sflag:$0x3] =	stream.linear.gather [hbm4b:s19+s11], $0x80, $0x38;
	[tilespmem:$0x12600] =	vst v63  }
0x164: {  	p0 =	sne.s32 s26, $0x17000;
	s2 =	sshll.u32 s18, $0x4;
	s0 =	sld [smem:s15+$0xFFFFFFFB]  }
0x165: {  	s5 =	sand.u32 $0xF8, s13;
	s2 =	sand.u32 $0x1FFFFFF0, s2;
	s7 =	sld [smem:s15+$0xFFFFFFFD]  }
0x166: {  	s5 =	sor.u32 $0x200, s5;
	s2 =	sadd.s32 s3, s2;
	s18 =	sld [smem:s15+$0xFFFFFFFF]  }
0x167: {  	[tilespmem:s16], [sflag:$0x3] =	stream.linear.gather [hbm4b:s2+s11], $0x80, $0x38;
	[tilespmem:$0x12600] =	vst v63  }
0x168: {  	s2 =	sld [smem:s5+$0x0];
	s5 =	smov.u32 s26;
	s26 =	sadd.s32 $0x1000, s26  }
0x169: {  	s16 =	sld [smem:s15+$0xFFFFFFFE];
	s18 =	sshll.u32 s18, $0x4  }
0x16a: {  	s19 =	sld [smem:s15+$0xFFFFFFFA];
	s20 =	sand.u32 $0x1FFFFFF0, s18  }
0x16b: {  	s0 =	sshll.u32 s0, $0x4;
	s2 =	sshll.u32 s2, $0x4;
	s18 =	sld [smem:s15+$0xFFFFFFFC]  }
0x16c: {  	s5 =	sshra.s32 s5, $0x2;
	s2 =	sand.u32 $0x1FFFFFF0, s2;
	s16 =	sshll.u32 s16, $0x4  }
0x16d: {  	s30 =	sadd.s32 $0xC680, s5;
	s2 =	sadd.s32 s3, s2;
	s19 =	sshll.u32 s19, $0x4  }
0x16e: {  	s31 =	sadd.s32 $0xC600, s5;
	s19 =	sand.u32 $0x1FFFFFF0, s19;
	s18 =	sshll.u32 s18, $0x4  }
0x16f: {  	s0 =	sand.u32 $0x1FFFFFF0, s0;
	s22 =	sand.u32 $0x1FFFFFF0, s16;
	s19 =	sadd.s32 s3, s19  }
0x170: {  	[tilespmem:s31], [sflag:$0x3] =	stream.linear.gather [hbm4b:s2+s11], $0x80, $0x38;
	[tilespmem:$0x12600] =	vst v63  }
0x171: {  	s7 =	sshll.u32 s7, $0x4;
	s16 =	sand.u32 $0x1FFFFFF0, s18;
	s2 =	sadd.s32 $0xC700, s5  }
0x172: {  	[tilespmem:s30], [sflag:$0x3] =	stream.linear.gather [hbm4b:s19+s11], $0x80, $0x38;
	[tilespmem:$0x12600] =	vst v63  }
0x173: {  	s0 =	sadd.s32 s3, s0;
	s18 =	sadd.s32 s3, s16;
	s16 =	sadd.s32 $0xC980, s5  }
0x174: {  	[tilespmem:s2], [sflag:$0x3] =	stream.linear.gather [hbm4b:s0+s11], $0x80, $0x38;
	[tilespmem:$0x12600] =	vst v63  }
0x175: {  	s0 =	sadd.s32 $0xC780, s5;
	s2 =	sand.u32 $0x1FFFFFF0, s7;
	s7 =	sadd.s32 $0xC880, s5  }
0x176: {  	[tilespmem:s0], [sflag:$0x3] =	stream.linear.gather [hbm4b:s18+s11], $0x80, $0x38;
	[tilespmem:$0x12600] =	vst v63  }
.Ltmp4:
0x177: {  	s2 =	sadd.s32 s3, s2;
	s0 =	sadd.s32 $0xC800, s5;
	(pc) =	sbr.rel @p0 .LBB2_10-.Ltmp4, $4  }
0x178: {  	[tilespmem:s0], [sflag:$0x3] =	stream.linear.gather [hbm4b:s2+s11], $0x80, $0x38;
	[tilespmem:$0x12600] =	vst v63  }
0x179: {  	s2 =	sadd.s32 s3, s22;
	s0 =	sadd.s32 $0xC900, s5;
	s18 =	sld [smem:s15+$0x0]  }
0x17a: {  	[tilespmem:s7], [sflag:$0x3] =	stream.linear.gather [hbm4b:s2+s11], $0x80, $0x38;
	[tilespmem:$0x12600] =	vst v63  }
0x17b: {  	s13 =	sadd.s32 $0x8, s13;
	s19 =	sadd.s32 s3, s20;
	s15 =	sadd.s32 $0x8, s15  }
0x17c: {  	[tilespmem:s0], [sflag:$0x3] =	stream.linear.gather [hbm4b:s19+s11], $0x80, $0x38;
	[tilespmem:$0x12600] =	vst v63  }
0x17d: {  	s18 =	sshll.u32 s18, $0x4  }
0x17e: {  	s0 =	sand.u32 $0x1FFFFFF0, s18  }
0x17f: {  	s0 =	sadd.s32 s3, s0  }
0x180: {  	[tilespmem:s16], [sflag:$0x3] =	stream.linear.gather [hbm4b:s0+s11], $0x80, $0x38;
	[tilespmem:$0x12600] =	vst v63  }
0x181: {  	s0 =	sld [smem:$0x2C0];
	_ =	sdelay $0x2  }
0x182: {  	s2 =	rddreg [dreg:$0xb];
	s0 =	sshll.u32 s0, $0x4  }
0x183: {  	s2 =	sadd.s32 $0x0, s2;
	s0 =	sand.u32 $0x1FFFFFF0, s0  }
0x184: {  	s5 =	sadd.s32 $0xC00, s2;
	s0 =	sadd.s32 s3, s0  }
0x185: {  	[hbm:s5], [sflag:s8] =	dma.local [hbm:s0], $0x10  }
0x186: {  	s0 =	sld [smem:$0x2C1];
	_ =	sdelay $0x2  }
0x187: {  	s0 =	sshll.u32 s0, $0x4  }
0x188: {  	s0 =	sand.u32 $0x1FFFFFF0, s0  }
0x189: {  	s19 =	sadd.s32 $0xC10, s2;
	s0 =	sadd.s32 s3, s0  }
0x18a: {  	[hbm:s19], [sflag:s9] =	dma.local [hbm:s0], $0x10  }
0x18b: {  	s0 =	sld [smem:$0x2C2];
	_ =	sdelay $0x2  }
0x18c: {  	s0 =	sshll.u32 s0, $0x4  }
0x18d: {  	s0 =	sand.u32 $0x1FFFFFF0, s0  }
0x18e: {  	s20 =	sadd.s32 $0xC20, s2;
	s0 =	sadd.s32 s3, s0  }
0x18f: {  	[hbm:s20], [sflag:s21] =	dma.local [hbm:s0], $0x10  }
0x190: {  	s0 =	sld [smem:$0x2C3];
	_ =	sdelay $0x2  }
0x191: {  	s0 =	sshll.u32 s0, $0x4  }
0x192: {  	s0 =	sand.u32 $0x1FFFFFF0, s0  }
0x193: {  	s22 =	sadd.s32 $0xC30, s2;
	s0 =	sadd.s32 s3, s0  }
0x194: {  	[hbm:s22], [sflag:s23] =	dma.local [hbm:s0], $0x10  }
0x195: {  	s0 =	sld [smem:$0x2C4];
	_ =	sdelay $0x2  }
0x196: {  	s0 =	sshll.u32 s0, $0x4  }
0x197: {  	s0 =	sand.u32 $0x1FFFFFF0, s0  }
0x198: {  	s26 =	sadd.s32 $0xC40, s2;
	s0 =	sadd.s32 s3, s0  }
0x199: {  	[hbm:s26], [sflag:s8] =	dma.local [hbm:s0], $0x10  }
0x19a: {  	s0 =	sld [smem:$0x2C5];
	_ =	sdelay $0x2  }
0x19b: {  	s0 =	sshll.u32 s0, $0x4  }
0x19c: {  	s0 =	sand.u32 $0x1FFFFFF0, s0  }
0x19d: {  	s30 =	sadd.s32 $0xC50, s2;
	s0 =	sadd.s32 s3, s0  }
0x19e: {  	[hbm:s30], [sflag:s9] =	dma.local [hbm:s0], $0x10  }
0x19f: {  	s0 =	sld [smem:$0x2C6];
	_ =	sdelay $0x2  }
0x1a0: {  	s0 =	sshll.u32 s0, $0x4  }
0x1a1: {  	s0 =	sand.u32 $0x1FFFFFF0, s0  }
0x1a2: {  	s31 =	sadd.s32 $0xC60, s2;
	s0 =	sadd.s32 s3, s0  }
0x1a3: {  	[hbm:s31], [sflag:s21] =	dma.local [hbm:s0], $0x10  }
0x1a4: {  	s0 =	sld [smem:$0x2C7];
	_ =	sdelay $0x2  }
0x1a5: {  	s0 =	sshll.u32 s0, $0x4  }
0x1a6: {  	s11 =	simm.s32 $0x80;
	s0 =	sand.u32 $0x1FFFFFF0, s0  }
0x1a7: {  	s13 =	sadd.s32 $0xC70, s2;
	s26 =	simm.s32 $0x2CF;
	s0 =	sadd.s32 s3, s0  }
.LBB2_12:
0x1a8: {  	[hbm:s13], [sflag:s23] =	dma.local [hbm:s0], $0x10  }
0x1a9: {  	s2 =	sld [smem:s26+$0xFFFFFFF9];
	_ =	sdelay $0x2  }
0x1aa: {  	s31 =	smov.u32 s11;
	s5 =	rddreg [dreg:$0xb];
	s2 =	sshll.u32 s2, $0x4  }
0x1ab: {  	s7 =	sadd.s32 s31, s5;
	s2 =	sand.u32 $0x1FFFFFF0, s2  }
0x1ac: {  	s16 =	sadd.s32 $0xC00, s7;
	s15 =	sadd.s32 s3, s2  }
0x1ad: {  	[hbm:s16], [sflag:s8] =	dma.local [hbm:s15], $0x10  }
0x1ae: {  	s0 =	sld [smem:s26+$0xFFFFFFFA];
	_ =	sdelay $0x2  }
0x1af: {  	s0 =	sshll.u32 s0, $0x4  }
0x1b0: {  	s0 =	sand.u32 $0x1FFFFFF0, s0  }
0x1b1: {  	s18 =	sadd.s32 $0xC10, s7;
	s0 =	sadd.s32 s3, s0  }
0x1b2: {  	[hbm:s18], [sflag:s9] =	dma.local [hbm:s0], $0x10  }
0x1b3: {  	s0 =	sld [smem:s26+$0xFFFFFFFB];
	_ =	sdelay $0x2  }
0x1b4: {  	s0 =	sshll.u32 s0, $0x4  }
0x1b5: {  	s0 =	sand.u32 $0x1FFFFFF0, s0  }
0x1b6: {  	s19 =	sadd.s32 $0xC20, s7;
	s0 =	sadd.s32 s3, s0  }
0x1b7: {  	[hbm:s19], [sflag:s21] =	dma.local [hbm:s0], $0x10  }
0x1b8: {  	s0 =	sld [smem:s26+$0xFFFFFFFC];
	_ =	sdelay $0x2  }
0x1b9: {  	s0 =	sshll.u32 s0, $0x4  }
0x1ba: {  	s0 =	sand.u32 $0x1FFFFFF0, s0  }
0x1bb: {  	s20 =	sadd.s32 $0xC30, s7;
	s0 =	sadd.s32 s3, s0  }
0x1bc: {  	[hbm:s20], [sflag:s23] =	dma.local [hbm:s0], $0x10  }
0x1bd: {  	s0 =	sld [smem:s26+$0xFFFFFFFD];
	_ =	sdelay $0x2  }
0x1be: {  	s0 =	sshll.u32 s0, $0x4  }
0x1bf: {  	s0 =	sand.u32 $0x1FFFFFF0, s0  }
0x1c0: {  	s22 =	sadd.s32 $0xC40, s7;
	s0 =	sadd.s32 s3, s0  }
0x1c1: {  	[hbm:s22], [sflag:s8] =	dma.local [hbm:s0], $0x10  }
0x1c2: {  	s0 =	sld [smem:s26+$0xFFFFFFFE];
	_ =	sdelay $0x2  }
0x1c3: {  	s0 =	sshll.u32 s0, $0x4  }
0x1c4: {  	s0 =	sand.u32 $0x1FFFFFF0, s0  }
0x1c5: {  	s30 =	sadd.s32 $0xC50, s7;
	s0 =	sadd.s32 s3, s0  }
0x1c6: {  	[hbm:s30], [sflag:s9] =	dma.local [hbm:s0], $0x10  }
0x1c7: {  	s0 =	sld [smem:s26+$0xFFFFFFFF];
	_ =	sdelay $0x2  }
0x1c8: {  	s0 =	sshll.u32 s0, $0x4  }
0x1c9: {  	s0 =	sand.u32 $0x1FFFFFF0, s0  }
0x1ca: {  	s31 =	sadd.s32 $0xC60, s7;
	s0 =	sadd.s32 s3, s0  }
0x1cb: {  	[hbm:s31], [sflag:s21] =	dma.local [hbm:s0], $0x10  }
0x1cc: {  	p0 =	sne.s32 s11, $0x380;
	s0 =	sld [smem:s26+$0x0]  }
.Ltmp5:
0x1cd: {  	_ = 	snop;
	(pc) =	sbr.rel @p0 .LBB2_12-.Ltmp5, $4  }
0x1ce: {  	_ = 	snop  }
0x1cf: {  	s0 =	sshll.u32 s0, $0x4  }
0x1d0: {  	s11 =	sadd.s32 $0x80, s11;
	s0 =	sand.u32 $0x1FFFFFF0, s0  }
0x1d1: {  	s13 =	sadd.s32 $0xC70, s7;
	s26 =	sadd.s32 $0x8, s26;
	s0 =	sadd.s32 s3, s0  }
0x1d2: {  	[hbm:s13], [sflag:s23] =	dma.local [hbm:s0], $0x10  }
0x1d3: {  	s26 =	simm.s32 $0x2  }
0x1d4: {  	_ =	swait.ge [sflag:s26], $0x6000  }
0x1d5: {  	s11 =	simm.s32 $0x0;
	[sflag:s26] =	ssyncset.done $0x0  }
0x1d6: {  	s2 =	simm.s32 $0x6600;
	s30 =	rddreg [dreg:$0x1a];
	[sflag:s26] =	ssyncadd.s32 $0xFFFFA000  }
0x1d7: {  	[hbm4b:s30+s11] =	stream.linear.scatter [tilespmem:s2], [sflag:$0x5], $0x6000, $0x38;
	[tilespmem:$0x12600] =	vst v63  }
0x1d8: {  	_ =	swait.ge [sflag:s24], $0x6000  }
0x1d9: {  	[sflag:s24] =	ssyncset.done $0x0  }
0x1da: {  	[sflag:s24] =	ssyncadd.s32 $0xFFFFA000  }
0x1db: {  	s31 =	sld [smem:$0x302]  }
0x1dc: {  	s20 =	sand.u32 $0xF8, s11;
	s5 =	sld [smem:$0x304]  }
0x1dd: {  	s2 =	sor.u32 $0x300, s20;
	s7 =	sld [smem:$0x306]  }
0x1de: {  	s2 =	sld [smem:s2+$0x0]  }
0x1df: {  	s18 =	simm.s32 $0x680;
	s19 =	simm.s32 $0x600;
	s22 =	sld [smem:$0x305]  }
0x1e0: {  	s26 =	simm.s32 $0x1000;
	s0 =	sshll.u32 s31, $0x4;
	s15 =	sld [smem:$0x301]  }
0x1e1: {  	s31 =	simm.s32 $0x700;
	s0 =	sand.u32 $0x1FFFFFF0, s0;
	s5 =	sshll.u32 s5, $0x4  }
0x1e2: {  	s7 =	sshll.u32 s7, $0x4;
	s0 =	sadd.s32 s3, s0;
	s2 =	sshll.u32 s2, $0x4  }
0x1e3: {  	s16 =	sld [smem:$0x303];
	s2 =	sand.u32 $0x1FFFFFF0, s2;
	s15 =	sshll.u32 s15, $0x4  }
0x1e4: {  	s5 =	sand.u32 $0x1FFFFFF0, s5;
	s2 =	sadd.s32 s3, s2;
	s15 =	sand.u32 $0x1FFFFFF0, s15  }
0x1e5: {  	[tilespmem:s19], [sflag:$0x1] =	stream.linear.gather [hbm4b:s2+s11], $0x80, $0x38;
	[tilespmem:$0x12600] =	vst v63  }
0x1e6: {  	s5 =	sadd.s32 s3, s5;
	s16 =	sshll.u32 s16, $0x4;
	s30 =	sadd.s32 s3, s15  }
0x1e7: {  	[tilespmem:s18], [sflag:$0x1] =	stream.linear.gather [hbm4b:s30+s11], $0x80, $0x38;
	[tilespmem:$0x12600] =	vst v63  }
0x1e8: {  	s13 =	sshll.u32 s22, $0x4;
	s22 =	simm.s32 $0x800;
	s16 =	sand.u32 $0x1FFFFFF0, s16  }
0x1e9: {  	[tilespmem:s31], [sflag:$0x1] =	stream.linear.gather [hbm4b:s0+s11], $0x80, $0x38;
	[tilespmem:$0x12600] =	vst v63  }
0x1ea: {  	s20 =	sand.u32 $0x1FFFFFF0, s13;
	s19 =	simm.s32 $0x780;
	s18 =	sadd.s32 s3, s16  }
0x1eb: {  	[tilespmem:s19], [sflag:$0x1] =	stream.linear.gather [hbm4b:s18+s11], $0x80, $0x38;
	[tilespmem:$0x12600] =	vst v63  }
0x1ec: {  	s13 =	simm.s32 $0x8;
	s15 =	simm.s32 $0x30F;
	s30 =	simm.s32 $0x880  }
0x1ed: {  	[tilespmem:s22], [sflag:$0x1] =	stream.linear.gather [hbm4b:s5+s11], $0x80, $0x38;
	[tilespmem:$0x12600] =	vst v63  }
0x1ee: {  	s0 =	sadd.s32 s3, s20;
	s31 =	sand.u32 $0x1FFFFFF0, s7;
	s18 =	sld [smem:$0x307]  }
0x1ef: {  	[tilespmem:s30], [sflag:$0x1] =	stream.linear.gather [hbm4b:s0+s11], $0x80, $0x38;
	[tilespmem:$0x12600] =	vst v63  }
0x1f0: {  	s16 =	simm.s32 $0x980;
	s19 =	sadd.s32 s3, s31;
	s0 =	simm.s32 $0x900  }
.LBB2_14:
0x1f1: {  	[tilespmem:s0], [sflag:$0x1] =	stream.linear.gather [hbm4b:s19+s11], $0x80, $0x38;
	[tilespmem:$0x12600] =	vst v63  }
0x1f2: {  	p0 =	sne.s32 s26, $0x17000;
	s2 =	sshll.u32 s18, $0x4;
	s0 =	sld [smem:s15+$0xFFFFFFFB]  }
0x1f3: {  	s5 =	sand.u32 $0xF8, s13;
	s2 =	sand.u32 $0x1FFFFFF0, s2;
	s7 =	sld [smem:s15+$0xFFFFFFFD]  }
0x1f4: {  	s5 =	sor.u32 $0x300, s5;
	s2 =	sadd.s32 s3, s2;
	s18 =	sld [smem:s15+$0xFFFFFFFF]  }
0x1f5: {  	[tilespmem:s16], [sflag:$0x1] =	stream.linear.gather [hbm4b:s2+s11], $0x80, $0x38;
	[tilespmem:$0x12600] =	vst v63  }
0x1f6: {  	s2 =	sld [smem:s5+$0x0];
	s5 =	smov.u32 s26;
	s26 =	sadd.s32 $0x1000, s26  }
0x1f7: {  	s16 =	sld [smem:s15+$0xFFFFFFFE];
	s18 =	sshll.u32 s18, $0x4  }
0x1f8: {  	s19 =	sld [smem:s15+$0xFFFFFFFA];
	s20 =	sand.u32 $0x1FFFFFF0, s18  }
0x1f9: {  	s0 =	sshll.u32 s0, $0x4;
	s2 =	sshll.u32 s2, $0x4;
	s18 =	sld [smem:s15+$0xFFFFFFFC]  }
0x1fa: {  	s5 =	sshra.s32 s5, $0x2;
	s2 =	sand.u32 $0x1FFFFFF0, s2;
	s16 =	sshll.u32 s16, $0x4  }
0x1fb: {  	s22 =	sadd.s32 $0x680, s5;
	s2 =	sadd.s32 s3, s2;
	s19 =	sshll.u32 s19, $0x4  }
0x1fc: {  	s30 =	sadd.s32 $0x600, s5;
	s19 =	sand.u32 $0x1FFFFFF0, s19;
	s18 =	sshll.u32 s18, $0x4  }
0x1fd: {  	s0 =	sand.u32 $0x1FFFFFF0, s0;
	s31 =	sand.u32 $0x1FFFFFF0, s16;
	s19 =	sadd.s32 s3, s19  }
0x1fe: {  	[tilespmem:s30], [sflag:$0x1] =	stream.linear.gather [hbm4b:s2+s11], $0x80, $0x38;
	[tilespmem:$0x12600] =	vst v63  }
0x1ff: {  	s7 =	sshll.u32 s7, $0x4;
	s16 =	sand.u32 $0x1FFFFFF0, s18;
	s2 =	sadd.s32 $0x700, s5  }
0x200: {  	[tilespmem:s22], [sflag:$0x1] =	stream.linear.gather [hbm4b:s19+s11], $0x80, $0x38;
	[tilespmem:$0x12600] =	vst v63  }
0x201: {  	s0 =	sadd.s32 s3, s0;
	s18 =	sadd.s32 s3, s16;
	s16 =	sadd.s32 $0x980, s5  }
0x202: {  	[tilespmem:s2], [sflag:$0x1] =	stream.linear.gather [hbm4b:s0+s11], $0x80, $0x38;
	[tilespmem:$0x12600] =	vst v63  }
0x203: {  	s0 =	sadd.s32 $0x780, s5;
	s2 =	sand.u32 $0x1FFFFFF0, s7;
	s7 =	sadd.s32 $0x880, s5  }
0x204: {  	[tilespmem:s0], [sflag:$0x1] =	stream.linear.gather [hbm4b:s18+s11], $0x80, $0x38;
	[tilespmem:$0x12600] =	vst v63  }
.Ltmp6:
0x205: {  	s2 =	sadd.s32 s3, s2;
	s0 =	sadd.s32 $0x800, s5;
	(pc) =	sbr.rel @p0 .LBB2_14-.Ltmp6, $4  }
0x206: {  	[tilespmem:s0], [sflag:$0x1] =	stream.linear.gather [hbm4b:s2+s11], $0x80, $0x38;
	[tilespmem:$0x12600] =	vst v63  }
0x207: {  	s2 =	sadd.s32 s3, s31;
	s0 =	sadd.s32 $0x900, s5;
	s18 =	sld [smem:s15+$0x0]  }
0x208: {  	[tilespmem:s7], [sflag:$0x1] =	stream.linear.gather [hbm4b:s2+s11], $0x80, $0x38;
	[tilespmem:$0x12600] =	vst v63  }
0x209: {  	s13 =	sadd.s32 $0x8, s13;
	s19 =	sadd.s32 s3, s20;
	s15 =	sadd.s32 $0x8, s15  }
0x20a: {  	[tilespmem:s0], [sflag:$0x1] =	stream.linear.gather [hbm4b:s19+s11], $0x80, $0x38;
	[tilespmem:$0x12600] =	vst v63  }
0x20b: {  	s18 =	sshll.u32 s18, $0x4  }
0x20c: {  	s0 =	sand.u32 $0x1FFFFFF0, s18  }
0x20d: {  	s0 =	sadd.s32 s3, s0  }
0x20e: {  	[tilespmem:s16], [sflag:$0x1] =	stream.linear.gather [hbm4b:s0+s11], $0x80, $0x38;
	[tilespmem:$0x12600] =	vst v63  }
0x20f: {  	s0 =	sld [smem:$0x3C0];
	_ =	sdelay $0x2  }
0x210: {  	s0 =	sshll.u32 s0, $0x4  }
0x211: {  	s2 =	rddreg [dreg:$0xc];
	s0 =	sand.u32 $0x1FFFFFF0, s0  }
0x212: {  	s2 =	sadd.s32 $0x0, s2;
	s0 =	sadd.s32 s3, s0  }
0x213: {  	[hbm:s2], [sflag:s8] =	dma.local [hbm:s0], $0x10  }
0x214: {  	s0 =	sld [smem:$0x3C1];
	_ =	sdelay $0x2  }
0x215: {  	s0 =	sshll.u32 s0, $0x4  }
0x216: {  	s19 =	sadd.s32 $0x0, s12;
	s0 =	sand.u32 $0x1FFFFFF0, s0  }
0x217: {  	s5 =	sadd.s32 $0x1C10, s19;
	s0 =	sadd.s32 s3, s0  }
0x218: {  	[hbm:s5], [sflag:s9] =	dma.local [hbm:s0], $0x10  }
0x219: {  	s0 =	sld [smem:$0x3C2];
	_ =	sdelay $0x2  }
0x21a: {  	s0 =	sshll.u32 s0, $0x4  }
0x21b: {  	s20 =	rddreg [dreg:$0xd];
	s0 =	sand.u32 $0x1FFFFFF0, s0  }
0x21c: {  	s5 =	sadd.s32 $0x0, s20;
	s0 =	sadd.s32 s3, s0  }
0x21d: {  	[hbm:s5], [sflag:s21] =	dma.local [hbm:s0], $0x10  }
0x21e: {  	s0 =	sld [smem:$0x3C3];
	_ =	sdelay $0x2  }
0x21f: {  	s0 =	sshll.u32 s0, $0x4  }
0x220: {  	s0 =	sand.u32 $0x1FFFFFF0, s0  }
0x221: {  	s22 =	sadd.s32 $0x1C30, s19;
	s0 =	sadd.s32 s3, s0  }
0x222: {  	[hbm:s22], [sflag:s23] =	dma.local [hbm:s0], $0x10  }
0x223: {  	s0 =	sld [smem:$0x3C4];
	_ =	sdelay $0x2  }
0x224: {  	s0 =	sshll.u32 s0, $0x4  }
0x225: {  	s26 =	rddreg [dreg:$0xe];
	s0 =	sand.u32 $0x1FFFFFF0, s0  }
0x226: {  	s5 =	sadd.s32 $0x0, s26;
	s0 =	sadd.s32 s3, s0  }
0x227: {  	[hbm:s5], [sflag:s8] =	dma.local [hbm:s0], $0x10  }
0x228: {  	s0 =	sld [smem:$0x3C5];
	_ =	sdelay $0x2  }
0x229: {  	s0 =	sshll.u32 s0, $0x4  }
0x22a: {  	s0 =	sand.u32 $0x1FFFFFF0, s0  }
0x22b: {  	s30 =	sadd.s32 $0x1C50, s19;
	s0 =	sadd.s32 s3, s0  }
0x22c: {  	[hbm:s30], [sflag:s9] =	dma.local [hbm:s0], $0x10  }
0x22d: {  	s0 =	sld [smem:$0x3C6];
	_ =	sdelay $0x2  }
0x22e: {  	s0 =	sshll.u32 s0, $0x4  }
0x22f: {  	s31 =	rddreg [dreg:$0xf];
	s0 =	sand.u32 $0x1FFFFFF0, s0  }
0x230: {  	s5 =	sadd.s32 $0x0, s31;
	s0 =	sadd.s32 s3, s0  }
0x231: {  	[hbm:s5], [sflag:s21] =	dma.local [hbm:s0], $0x10  }
0x232: {  	s0 =	sld [smem:$0x3C7];
	_ =	sdelay $0x2  }
0x233: {  	s0 =	sshll.u32 s0, $0x4  }
0x234: {  	s13 =	sadd.s32 $0x1C70, s19;
	s0 =	sand.u32 $0x1FFFFFF0, s0  }
0x235: {  	s11 =	simm.s32 $0x80;
	s26 =	simm.s32 $0x3CF;
	s0 =	sadd.s32 s3, s0  }
.LBB2_16:
0x236: {  	[hbm:s13], [sflag:s23] =	dma.local [hbm:s0], $0x10  }
0x237: {  	s0 =	sld [smem:s26+$0xFFFFFFF9];
	_ =	sdelay $0x2  }
0x238: {  	s0 =	sshll.u32 s0, $0x4  }
0x239: {  	s20 =	smov.u32 s11;
	s2 =	rddreg [dreg:$0xc];
	s0 =	sand.u32 $0x1FFFFFF0, s0  }
0x23a: {  	s2 =	sadd.s32 s20, s2;
	s0 =	sadd.s32 s3, s0  }
0x23b: {  	[hbm:s2], [sflag:s8] =	dma.local [hbm:s0], $0x10  }
0x23c: {  	s0 =	sld [smem:s26+$0xFFFFFFFA];
	_ =	sdelay $0x2  }
0x23d: {  	s0 =	sshll.u32 s0, $0x4  }
0x23e: {  	s15 =	sadd.s32 s20, s12;
	s0 =	sand.u32 $0x1FFFFFF0, s0  }
0x23f: {  	s22 =	sadd.s32 $0x1C10, s15;
	s0 =	sadd.s32 s3, s0  }
0x240: {  	[hbm:s22], [sflag:s9] =	dma.local [hbm:s0], $0x10  }
0x241: {  	s0 =	sld [smem:s26+$0xFFFFFFFB];
	_ =	sdelay $0x2  }
0x242: {  	s0 =	sshll.u32 s0, $0x4  }
0x243: {  	s2 =	rddreg [dreg:$0xd];
	s0 =	sand.u32 $0x1FFFFFF0, s0  }
0x244: {  	s2 =	sadd.s32 s20, s2;
	s0 =	sadd.s32 s3, s0  }
0x245: {  	[hbm:s2], [sflag:s21] =	dma.local [hbm:s0], $0x10  }
0x246: {  	s0 =	sld [smem:s26+$0xFFFFFFFC];
	_ =	sdelay $0x2  }
0x247: {  	s0 =	sshll.u32 s0, $0x4  }
0x248: {  	s0 =	sand.u32 $0x1FFFFFF0, s0  }
0x249: {  	s30 =	sadd.s32 $0x1C30, s15;
	s0 =	sadd.s32 s3, s0  }
0x24a: {  	[hbm:s30], [sflag:s23] =	dma.local [hbm:s0], $0x10  }
0x24b: {  	s0 =	sld [smem:s26+$0xFFFFFFFD];
	_ =	sdelay $0x2  }
0x24c: {  	s0 =	sshll.u32 s0, $0x4  }
0x24d: {  	s2 =	rddreg [dreg:$0xe];
	s0 =	sand.u32 $0x1FFFFFF0, s0  }
0x24e: {  	s2 =	sadd.s32 s20, s2;
	s0 =	sadd.s32 s3, s0  }
0x24f: {  	[hbm:s2], [sflag:s8] =	dma.local [hbm:s0], $0x10  }
0x250: {  	s0 =	sld [smem:s26+$0xFFFFFFFE];
	_ =	sdelay $0x2  }
0x251: {  	s0 =	sshll.u32 s0, $0x4  }
0x252: {  	s0 =	sand.u32 $0x1FFFFFF0, s0  }
0x253: {  	s31 =	sadd.s32 $0x1C50, s15;
	s0 =	sadd.s32 s3, s0  }
0x254: {  	[hbm:s31], [sflag:s9] =	dma.local [hbm:s0], $0x10  }
0x255: {  	s0 =	sld [smem:s26+$0xFFFFFFFF];
	_ =	sdelay $0x2  }
0x256: {  	s0 =	sshll.u32 s0, $0x4  }
0x257: {  	s2 =	rddreg [dreg:$0xf];
	s0 =	sand.u32 $0x1FFFFFF0, s0  }
0x258: {  	s2 =	sadd.s32 s20, s2;
	s0 =	sadd.s32 s3, s0  }
0x259: {  	[hbm:s2], [sflag:s21] =	dma.local [hbm:s0], $0x10  }
0x25a: {  	p0 =	sne.s32 s11, $0x380;
	s0 =	sld [smem:s26+$0x0]  }
.Ltmp7:
0x25b: {  	_ = 	snop;
	(pc) =	sbr.rel @p0 .LBB2_16-.Ltmp7, $4  }
0x25c: {  	_ = 	snop  }
0x25d: {  	s0 =	sshll.u32 s0, $0x4  }
0x25e: {  	s11 =	sadd.s32 $0x80, s11;
	s0 =	sand.u32 $0x1FFFFFF0, s0  }
0x25f: {  	s13 =	sadd.s32 $0x1C70, s15;
	s26 =	sadd.s32 $0x8, s26;
	s0 =	sadd.s32 s3, s0  }
0x260: {  	[hbm:s13], [sflag:s23] =	dma.local [hbm:s0], $0x10  }
0x261: {  	_ =	swait.ge [sflag:s25], $0x6000  }
0x262: {  	[sflag:s25] =	ssyncset.done $0x0  }
0x263: {  	s11 =	simm.s32 $0x0;
	s19 =	simm.s32 $0xC600;
	[sflag:s25] =	ssyncadd.s32 $0xFFFFA000  }
0x264: {  	[hbm4b:s12+s11] =	stream.linear.scatter [tilespmem:s19], [sflag:$0x6], $0x6000, $0x38;
	[tilespmem:$0x12600] =	vst v63  }
0x265: {  	_ =	swait.ge [sflag:s28], $0x6000  }
0x266: {  	[sflag:s28] =	ssyncset.done $0x0  }
0x267: {  	[sflag:s28] =	ssyncadd.s32 $0xFFFFA000  }
0x268: {  	s20 =	sld [smem:$0x402]  }
0x269: {  	s2 =	sand.u32 $0xF8, s11;
	s5 =	sld [smem:$0x404]  }
0x26a: {  	s2 =	sor.u32 $0x400, s2;
	s7 =	sld [smem:$0x406]  }
0x26b: {  	s2 =	sld [smem:s2+$0x0]  }
0x26c: {  	s26 =	simm.s32 $0x1000;
	s18 =	simm.s32 $0x6680;
	s22 =	sld [smem:$0x405]  }
0x26d: {  	s31 =	simm.s32 $0x6700;
	s0 =	sshll.u32 s20, $0x4;
	s15 =	sld [smem:$0x401]  }
0x26e: {  	s19 =	simm.s32 $0x6600;
	s0 =	sand.u32 $0x1FFFFFF0, s0;
	s5 =	sshll.u32 s5, $0x4  }
0x26f: {  	s7 =	sshll.u32 s7, $0x4;
	s0 =	sadd.s32 s3, s0;
	s2 =	sshll.u32 s2, $0x4  }
0x270: {  	s16 =	sld [smem:$0x403];
	s2 =	sand.u32 $0x1FFFFFF0, s2;
	s15 =	sshll.u32 s15, $0x4  }
0x271: {  	s5 =	sand.u32 $0x1FFFFFF0, s5;
	s2 =	sadd.s32 s3, s2;
	s15 =	sand.u32 $0x1FFFFFF0, s15  }
0x272: {  	[tilespmem:s19], [sflag:$0x2] =	stream.linear.gather [hbm4b:s2+s11], $0x80, $0x38;
	[tilespmem:$0x12600] =	vst v63  }
0x273: {  	s5 =	sadd.s32 s3, s5;
	s16 =	sshll.u32 s16, $0x4;
	s30 =	sadd.s32 s3, s15  }
0x274: {  	[tilespmem:s18], [sflag:$0x2] =	stream.linear.gather [hbm4b:s30+s11], $0x80, $0x38;
	[tilespmem:$0x12600] =	vst v63  }
0x275: {  	s13 =	sshll.u32 s22, $0x4;
	s22 =	simm.s32 $0x6800;
	s16 =	sand.u32 $0x1FFFFFF0, s16  }
0x276: {  	[tilespmem:s31], [sflag:$0x2] =	stream.linear.gather [hbm4b:s0+s11], $0x80, $0x38;
	[tilespmem:$0x12600] =	vst v63  }
0x277: {  	s20 =	sand.u32 $0x1FFFFFF0, s13;
	s19 =	simm.s32 $0x6780;
	s18 =	sadd.s32 s3, s16  }
0x278: {  	[tilespmem:s19], [sflag:$0x2] =	stream.linear.gather [hbm4b:s18+s11], $0x80, $0x38;
	[tilespmem:$0x12600] =	vst v63  }
0x279: {  	s13 =	simm.s32 $0x8;
	s15 =	simm.s32 $0x40F;
	s30 =	simm.s32 $0x6880  }
0x27a: {  	[tilespmem:s22], [sflag:$0x2] =	stream.linear.gather [hbm4b:s5+s11], $0x80, $0x38;
	[tilespmem:$0x12600] =	vst v63  }
0x27b: {  	s0 =	sadd.s32 s3, s20;
	s31 =	sand.u32 $0x1FFFFFF0, s7;
	s18 =	sld [smem:$0x407]  }
0x27c: {  	[tilespmem:s30], [sflag:$0x2] =	stream.linear.gather [hbm4b:s0+s11], $0x80, $0x38;
	[tilespmem:$0x12600] =	vst v63  }
0x27d: {  	s16 =	simm.s32 $0x6980;
	s19 =	sadd.s32 s3, s31;
	s0 =	simm.s32 $0x6900  }
.LBB2_18:
0x27e: {  	[tilespmem:s0], [sflag:$0x2] =	stream.linear.gather [hbm4b:s19+s11], $0x80, $0x38;
	[tilespmem:$0x12600] =	vst v63  }
0x27f: {  	p0 =	sne.s32 s26, $0x17000;
	s2 =	sshll.u32 s18, $0x4;
	s0 =	sld [smem:s15+$0xFFFFFFFB]  }
0x280: {  	s5 =	sand.u32 $0xF8, s13;
	s2 =	sand.u32 $0x1FFFFFF0, s2;
	s7 =	sld [smem:s15+$0xFFFFFFFD]  }
0x281: {  	s5 =	sor.u32 $0x400, s5;
	s2 =	sadd.s32 s3, s2;
	s18 =	sld [smem:s15+$0xFFFFFFFF]  }
0x282: {  	[tilespmem:s16], [sflag:$0x2] =	stream.linear.gather [hbm4b:s2+s11], $0x80, $0x38;
	[tilespmem:$0x12600] =	vst v63  }
0x283: {  	s2 =	sld [smem:s5+$0x0];
	s5 =	smov.u32 s26;
	s26 =	sadd.s32 $0x1000, s26  }
0x284: {  	s16 =	sld [smem:s15+$0xFFFFFFFE];
	s18 =	sshll.u32 s18, $0x4  }
0x285: {  	s19 =	sld [smem:s15+$0xFFFFFFFA];
	s20 =	sand.u32 $0x1FFFFFF0, s18  }
0x286: {  	s0 =	sshll.u32 s0, $0x4;
	s2 =	sshll.u32 s2, $0x4;
	s18 =	sld [smem:s15+$0xFFFFFFFC]  }
0x287: {  	s5 =	sshra.s32 s5, $0x2;
	s2 =	sand.u32 $0x1FFFFFF0, s2;
	s16 =	sshll.u32 s16, $0x4  }
0x288: {  	s22 =	sadd.s32 $0x6680, s5;
	s2 =	sadd.s32 s3, s2;
	s19 =	sshll.u32 s19, $0x4  }
0x289: {  	s30 =	sadd.s32 $0x6600, s5;
	s19 =	sand.u32 $0x1FFFFFF0, s19;
	s18 =	sshll.u32 s18, $0x4  }
0x28a: {  	s0 =	sand.u32 $0x1FFFFFF0, s0;
	s31 =	sand.u32 $0x1FFFFFF0, s16;
	s19 =	sadd.s32 s3, s19  }
0x28b: {  	[tilespmem:s30], [sflag:$0x2] =	stream.linear.gather [hbm4b:s2+s11], $0x80, $0x38;
	[tilespmem:$0x12600] =	vst v63  }
0x28c: {  	s7 =	sshll.u32 s7, $0x4;
	s16 =	sand.u32 $0x1FFFFFF0, s18;
	s2 =	sadd.s32 $0x6700, s5  }
0x28d: {  	[tilespmem:s22], [sflag:$0x2] =	stream.linear.gather [hbm4b:s19+s11], $0x80, $0x38;
	[tilespmem:$0x12600] =	vst v63  }
0x28e: {  	s0 =	sadd.s32 s3, s0;
	s18 =	sadd.s32 s3, s16;
	s16 =	sadd.s32 $0x6980, s5  }
0x28f: {  	[tilespmem:s2], [sflag:$0x2] =	stream.linear.gather [hbm4b:s0+s11], $0x80, $0x38;
	[tilespmem:$0x12600] =	vst v63  }
0x290: {  	s0 =	sadd.s32 $0x6780, s5;
	s2 =	sand.u32 $0x1FFFFFF0, s7;
	s7 =	sadd.s32 $0x6880, s5  }
0x291: {  	[tilespmem:s0], [sflag:$0x2] =	stream.linear.gather [hbm4b:s18+s11], $0x80, $0x38;
	[tilespmem:$0x12600] =	vst v63  }
.Ltmp8:
0x292: {  	s2 =	sadd.s32 s3, s2;
	s0 =	sadd.s32 $0x6800, s5;
	(pc) =	sbr.rel @p0 .LBB2_18-.Ltmp8, $4  }
0x293: {  	[tilespmem:s0], [sflag:$0x2] =	stream.linear.gather [hbm4b:s2+s11], $0x80, $0x38;
	[tilespmem:$0x12600] =	vst v63  }
0x294: {  	s2 =	sadd.s32 s3, s31;
	s0 =	sadd.s32 $0x6900, s5;
	s18 =	sld [smem:s15+$0x0]  }
0x295: {  	[tilespmem:s7], [sflag:$0x2] =	stream.linear.gather [hbm4b:s2+s11], $0x80, $0x38;
	[tilespmem:$0x12600] =	vst v63  }
0x296: {  	s13 =	sadd.s32 $0x8, s13;
	s19 =	sadd.s32 s3, s20;
	s15 =	sadd.s32 $0x8, s15  }
0x297: {  	[tilespmem:s0], [sflag:$0x2] =	stream.linear.gather [hbm4b:s19+s11], $0x80, $0x38;
	[tilespmem:$0x12600] =	vst v63  }
0x298: {  	s18 =	sshll.u32 s18, $0x4  }
0x299: {  	s0 =	sand.u32 $0x1FFFFFF0, s18  }
0x29a: {  	s0 =	sadd.s32 s3, s0  }
0x29b: {  	[tilespmem:s16], [sflag:$0x2] =	stream.linear.gather [hbm4b:s0+s11], $0x80, $0x38;
	[tilespmem:$0x12600] =	vst v63  }
0x29c: {  	s0 =	sld [smem:$0x4C0];
	_ =	sdelay $0x2  }
0x29d: {  	s2 =	rddreg [dreg:$0x10];
	s0 =	sshll.u32 s0, $0x4  }
0x29e: {  	s2 =	sadd.s32 $0x0, s2;
	s0 =	sand.u32 $0x1FFFFFF0, s0  }
0x29f: {  	s5 =	sadd.s32 $0xC00, s2;
	s0 =	sadd.s32 s3, s0  }
0x2a0: {  	[hbm:s5], [sflag:s8] =	dma.local [hbm:s0], $0x10  }
0x2a1: {  	s0 =	sld [smem:$0x4C1];
	_ =	sdelay $0x2  }
0x2a2: {  	s0 =	sshll.u32 s0, $0x4  }
0x2a3: {  	s0 =	sand.u32 $0x1FFFFFF0, s0  }
0x2a4: {  	s19 =	sadd.s32 $0xC10, s2;
	s0 =	sadd.s32 s3, s0  }
0x2a5: {  	[hbm:s19], [sflag:s9] =	dma.local [hbm:s0], $0x10  }
0x2a6: {  	s0 =	sld [smem:$0x4C2];
	_ =	sdelay $0x2  }
0x2a7: {  	s0 =	sshll.u32 s0, $0x4  }
0x2a8: {  	s0 =	sand.u32 $0x1FFFFFF0, s0  }
0x2a9: {  	s20 =	sadd.s32 $0xC20, s2;
	s0 =	sadd.s32 s3, s0  }
0x2aa: {  	[hbm:s20], [sflag:s21] =	dma.local [hbm:s0], $0x10  }
0x2ab: {  	s0 =	sld [smem:$0x4C3];
	_ =	sdelay $0x2  }
0x2ac: {  	s0 =	sshll.u32 s0, $0x4  }
0x2ad: {  	s0 =	sand.u32 $0x1FFFFFF0, s0  }
0x2ae: {  	s22 =	sadd.s32 $0xC30, s2;
	s0 =	sadd.s32 s3, s0  }
0x2af: {  	[hbm:s22], [sflag:s23] =	dma.local [hbm:s0], $0x10  }
0x2b0: {  	s0 =	sld [smem:$0x4C4];
	_ =	sdelay $0x2  }
0x2b1: {  	s0 =	sshll.u32 s0, $0x4  }
0x2b2: {  	s0 =	sand.u32 $0x1FFFFFF0, s0  }
0x2b3: {  	s26 =	sadd.s32 $0xC40, s2;
	s0 =	sadd.s32 s3, s0  }
0x2b4: {  	[hbm:s26], [sflag:s8] =	dma.local [hbm:s0], $0x10  }
0x2b5: {  	s0 =	sld [smem:$0x4C5];
	_ =	sdelay $0x2  }
0x2b6: {  	s0 =	sshll.u32 s0, $0x4  }
0x2b7: {  	s0 =	sand.u32 $0x1FFFFFF0, s0  }
0x2b8: {  	s30 =	sadd.s32 $0xC50, s2;
	s0 =	sadd.s32 s3, s0  }
0x2b9: {  	[hbm:s30], [sflag:s9] =	dma.local [hbm:s0], $0x10  }
0x2ba: {  	s0 =	sld [smem:$0x4C6];
	_ =	sdelay $0x2  }
0x2bb: {  	s0 =	sshll.u32 s0, $0x4  }
0x2bc: {  	s0 =	sand.u32 $0x1FFFFFF0, s0  }
0x2bd: {  	s31 =	sadd.s32 $0xC60, s2;
	s0 =	sadd.s32 s3, s0  }
0x2be: {  	[hbm:s31], [sflag:s21] =	dma.local [hbm:s0], $0x10  }
0x2bf: {  	s0 =	sld [smem:$0x4C7];
	_ =	sdelay $0x2  }
0x2c0: {  	s0 =	sshll.u32 s0, $0x4  }
0x2c1: {  	s11 =	simm.s32 $0x80;
	s0 =	sand.u32 $0x1FFFFFF0, s0  }
0x2c2: {  	s13 =	sadd.s32 $0xC70, s2;
	s26 =	simm.s32 $0x4CF;
	s0 =	sadd.s32 s3, s0  }
.LBB2_20:
0x2c3: {  	[hbm:s13], [sflag:s23] =	dma.local [hbm:s0], $0x10  }
0x2c4: {  	s2 =	sld [smem:s26+$0xFFFFFFF9];
	_ =	sdelay $0x2  }
0x2c5: {  	s31 =	smov.u32 s11;
	s5 =	rddreg [dreg:$0x10];
	s2 =	sshll.u32 s2, $0x4  }
0x2c6: {  	s7 =	sadd.s32 s31, s5;
	s2 =	sand.u32 $0x1FFFFFF0, s2  }
0x2c7: {  	s16 =	sadd.s32 $0xC00, s7;
	s15 =	sadd.s32 s3, s2  }
0x2c8: {  	[hbm:s16], [sflag:s8] =	dma.local [hbm:s15], $0x10  }
0x2c9: {  	s0 =	sld [smem:s26+$0xFFFFFFFA];
	_ =	sdelay $0x2  }
0x2ca: {  	s0 =	sshll.u32 s0, $0x4  }
0x2cb: {  	s0 =	sand.u32 $0x1FFFFFF0, s0  }
0x2cc: {  	s18 =	sadd.s32 $0xC10, s7;
	s0 =	sadd.s32 s3, s0  }
0x2cd: {  	[hbm:s18], [sflag:s9] =	dma.local [hbm:s0], $0x10  }
0x2ce: {  	s0 =	sld [smem:s26+$0xFFFFFFFB];
	_ =	sdelay $0x2  }
0x2cf: {  	s0 =	sshll.u32 s0, $0x4  }
0x2d0: {  	s0 =	sand.u32 $0x1FFFFFF0, s0  }
0x2d1: {  	s19 =	sadd.s32 $0xC20, s7;
	s0 =	sadd.s32 s3, s0  }
0x2d2: {  	[hbm:s19], [sflag:s21] =	dma.local [hbm:s0], $0x10  }
0x2d3: {  	s0 =	sld [smem:s26+$0xFFFFFFFC];
	_ =	sdelay $0x2  }
0x2d4: {  	s0 =	sshll.u32 s0, $0x4  }
0x2d5: {  	s0 =	sand.u32 $0x1FFFFFF0, s0  }
0x2d6: {  	s20 =	sadd.s32 $0xC30, s7;
	s0 =	sadd.s32 s3, s0  }
0x2d7: {  	[hbm:s20], [sflag:s23] =	dma.local [hbm:s0], $0x10  }
0x2d8: {  	s0 =	sld [smem:s26+$0xFFFFFFFD];
	_ =	sdelay $0x2  }
0x2d9: {  	s0 =	sshll.u32 s0, $0x4  }
0x2da: {  	s0 =	sand.u32 $0x1FFFFFF0, s0  }
0x2db: {  	s22 =	sadd.s32 $0xC40, s7;
	s0 =	sadd.s32 s3, s0  }
0x2dc: {  	[hbm:s22], [sflag:s8] =	dma.local [hbm:s0], $0x10  }
0x2dd: {  	s0 =	sld [smem:s26+$0xFFFFFFFE];
	_ =	sdelay $0x2  }
0x2de: {  	s0 =	sshll.u32 s0, $0x4  }
0x2df: {  	s0 =	sand.u32 $0x1FFFFFF0, s0  }
0x2e0: {  	s30 =	sadd.s32 $0xC50, s7;
	s0 =	sadd.s32 s3, s0  }
0x2e1: {  	[hbm:s30], [sflag:s9] =	dma.local [hbm:s0], $0x10  }
0x2e2: {  	s0 =	sld [smem:s26+$0xFFFFFFFF];
	_ =	sdelay $0x2  }
0x2e3: {  	s0 =	sshll.u32 s0, $0x4  }
0x2e4: {  	s0 =	sand.u32 $0x1FFFFFF0, s0  }
0x2e5: {  	s31 =	sadd.s32 $0xC60, s7;
	s0 =	sadd.s32 s3, s0  }
0x2e6: {  	[hbm:s31], [sflag:s21] =	dma.local [hbm:s0], $0x10  }
0x2e7: {  	p0 =	sne.s32 s11, $0x380;
	s0 =	sld [smem:s26+$0x0]  }
.Ltmp9:
0x2e8: {  	_ = 	snop;
	(pc) =	sbr.rel @p0 .LBB2_20-.Ltmp9, $4  }
0x2e9: {  	_ = 	snop  }
0x2ea: {  	s0 =	sshll.u32 s0, $0x4  }
0x2eb: {  	s11 =	sadd.s32 $0x80, s11;
	s0 =	sand.u32 $0x1FFFFFF0, s0  }
0x2ec: {  	s13 =	sadd.s32 $0xC70, s7;
	s26 =	sadd.s32 $0x8, s26;
	s0 =	sadd.s32 s3, s0  }
0x2ed: {  	[hbm:s13], [sflag:s23] =	dma.local [hbm:s0], $0x10  }
0x2ee: {  	s26 =	simm.s32 $0x1  }
0x2ef: {  	_ =	swait.ge [sflag:s26], $0x6000  }
0x2f0: {  	s11 =	simm.s32 $0x0;
	[sflag:s26] =	ssyncset.done $0x0  }
0x2f1: {  	s2 =	simm.s32 $0x600;
	s30 =	rddreg [dreg:$0x1b];
	[sflag:s26] =	ssyncadd.s32 $0xFFFFA000  }
0x2f2: {  	[hbm4b:s30+s11] =	stream.linear.scatter [tilespmem:s2], [sflag:$0x4], $0x6000, $0x38;
	[tilespmem:$0x12600] =	vst v63  }
0x2f3: {  	_ =	swait.ge [sflag:s29], $0x6000  }
0x2f4: {  	[sflag:s29] =	ssyncset.done $0x0  }
0x2f5: {  	[sflag:s29] =	ssyncadd.s32 $0xFFFFA000  }
0x2f6: {  	s31 =	sld [smem:$0x502]  }
0x2f7: {  	s20 =	sand.u32 $0xF8, s11;
	s5 =	sld [smem:$0x504]  }
0x2f8: {  	s2 =	sor.u32 $0x500, s20;
	s7 =	sld [smem:$0x506]  }
0x2f9: {  	s2 =	sld [smem:s2+$0x0]  }
0x2fa: {  	s18 =	simm.s32 $0xC680;
	s19 =	simm.s32 $0xC600;
	s22 =	sld [smem:$0x505]  }
0x2fb: {  	s26 =	simm.s32 $0x1000;
	s0 =	sshll.u32 s31, $0x4;
	s15 =	sld [smem:$0x501]  }
0x2fc: {  	s31 =	simm.s32 $0xC700;
	s0 =	sand.u32 $0x1FFFFFF0, s0;
	s5 =	sshll.u32 s5, $0x4  }
0x2fd: {  	s7 =	sshll.u32 s7, $0x4;
	s0 =	sadd.s32 s3, s0;
	s2 =	sshll.u32 s2, $0x4  }
0x2fe: {  	s16 =	sld [smem:$0x503];
	s2 =	sand.u32 $0x1FFFFFF0, s2;
	s15 =	sshll.u32 s15, $0x4  }
0x2ff: {  	s5 =	sand.u32 $0x1FFFFFF0, s5;
	s2 =	sadd.s32 s3, s2;
	s15 =	sand.u32 $0x1FFFFFF0, s15  }
0x300: {  	[tilespmem:s19], [sflag:$0x3] =	stream.linear.gather [hbm4b:s2+s11], $0x80, $0x38;
	[tilespmem:$0x12600] =	vst v63  }
0x301: {  	s5 =	sadd.s32 s3, s5;
	s16 =	sshll.u32 s16, $0x4;
	s30 =	sadd.s32 s3, s15  }
0x302: {  	[tilespmem:s18], [sflag:$0x3] =	stream.linear.gather [hbm4b:s30+s11], $0x80, $0x38;
	[tilespmem:$0x12600] =	vst v63  }
0x303: {  	s13 =	sshll.u32 s22, $0x4;
	s22 =	simm.s32 $0xC800;
	s16 =	sand.u32 $0x1FFFFFF0, s16  }
0x304: {  	[tilespmem:s31], [sflag:$0x3] =	stream.linear.gather [hbm4b:s0+s11], $0x80, $0x38;
	[tilespmem:$0x12600] =	vst v63  }
0x305: {  	s20 =	sand.u32 $0x1FFFFFF0, s13;
	s19 =	simm.s32 $0xC780;
	s18 =	sadd.s32 s3, s16  }
0x306: {  	[tilespmem:s19], [sflag:$0x3] =	stream.linear.gather [hbm4b:s18+s11], $0x80, $0x38;
	[tilespmem:$0x12600] =	vst v63  }
0x307: {  	s13 =	simm.s32 $0x8;
	s15 =	simm.s32 $0x50F;
	s30 =	simm.s32 $0xC880  }
0x308: {  	[tilespmem:s22], [sflag:$0x3] =	stream.linear.gather [hbm4b:s5+s11], $0x80, $0x38;
	[tilespmem:$0x12600] =	vst v63  }
0x309: {  	s0 =	sadd.s32 s3, s20;
	s31 =	sand.u32 $0x1FFFFFF0, s7;
	s18 =	sld [smem:$0x507]  }
0x30a: {  	[tilespmem:s30], [sflag:$0x3] =	stream.linear.gather [hbm4b:s0+s11], $0x80, $0x38;
	[tilespmem:$0x12600] =	vst v63  }
0x30b: {  	s16 =	simm.s32 $0xC980;
	s19 =	sadd.s32 s3, s31;
	s0 =	simm.s32 $0xC900  }
.LBB2_22:
0x30c: {  	[tilespmem:s0], [sflag:$0x3] =	stream.linear.gather [hbm4b:s19+s11], $0x80, $0x38;
	[tilespmem:$0x12600] =	vst v63  }
0x30d: {  	p0 =	sne.s32 s26, $0x17000;
	s2 =	sshll.u32 s18, $0x4;
	s0 =	sld [smem:s15+$0xFFFFFFFB]  }
0x30e: {  	s5 =	sand.u32 $0xF8, s13;
	s2 =	sand.u32 $0x1FFFFFF0, s2;
	s7 =	sld [smem:s15+$0xFFFFFFFD]  }
0x30f: {  	s5 =	sor.u32 $0x500, s5;
	s2 =	sadd.s32 s3, s2;
	s18 =	sld [smem:s15+$0xFFFFFFFF]  }
0x310: {  	[tilespmem:s16], [sflag:$0x3] =	stream.linear.gather [hbm4b:s2+s11], $0x80, $0x38;
	[tilespmem:$0x12600] =	vst v63  }
0x311: {  	s2 =	sld [smem:s5+$0x0];
	s5 =	smov.u32 s26;
	s26 =	sadd.s32 $0x1000, s26  }
0x312: {  	s16 =	sld [smem:s15+$0xFFFFFFFE];
	s18 =	sshll.u32 s18, $0x4  }
0x313: {  	s19 =	sld [smem:s15+$0xFFFFFFFA];
	s20 =	sand.u32 $0x1FFFFFF0, s18  }
0x314: {  	s0 =	sshll.u32 s0, $0x4;
	s2 =	sshll.u32 s2, $0x4;
	s18 =	sld [smem:s15+$0xFFFFFFFC]  }
0x315: {  	s5 =	sshra.s32 s5, $0x2;
	s2 =	sand.u32 $0x1FFFFFF0, s2;
	s16 =	sshll.u32 s16, $0x4  }
0x316: {  	s22 =	sadd.s32 $0xC680, s5;
	s2 =	sadd.s32 s3, s2;
	s19 =	sshll.u32 s19, $0x4  }
0x317: {  	s30 =	sadd.s32 $0xC600, s5;
	s19 =	sand.u32 $0x1FFFFFF0, s19;
	s18 =	sshll.u32 s18, $0x4  }
0x318: {  	s0 =	sand.u32 $0x1FFFFFF0, s0;
	s31 =	sand.u32 $0x1FFFFFF0, s16;
	s19 =	sadd.s32 s3, s19  }
0x319: {  	[tilespmem:s30], [sflag:$0x3] =	stream.linear.gather [hbm4b:s2+s11], $0x80, $0x38;
	[tilespmem:$0x12600] =	vst v63  }
0x31a: {  	s7 =	sshll.u32 s7, $0x4;
	s16 =	sand.u32 $0x1FFFFFF0, s18;
	s2 =	sadd.s32 $0xC700, s5  }
0x31b: {  	[tilespmem:s22], [sflag:$0x3] =	stream.linear.gather [hbm4b:s19+s11], $0x80, $0x38;
	[tilespmem:$0x12600] =	vst v63  }
0x31c: {  	s0 =	sadd.s32 s3, s0;
	s18 =	sadd.s32 s3, s16;
	s16 =	sadd.s32 $0xC980, s5  }
0x31d: {  	[tilespmem:s2], [sflag:$0x3] =	stream.linear.gather [hbm4b:s0+s11], $0x80, $0x38;
	[tilespmem:$0x12600] =	vst v63  }
0x31e: {  	s0 =	sadd.s32 $0xC780, s5;
	s2 =	sand.u32 $0x1FFFFFF0, s7;
	s7 =	sadd.s32 $0xC880, s5  }
0x31f: {  	[tilespmem:s0], [sflag:$0x3] =	stream.linear.gather [hbm4b:s18+s11], $0x80, $0x38;
	[tilespmem:$0x12600] =	vst v63  }
.Ltmp10:
0x320: {  	s2 =	sadd.s32 s3, s2;
	s0 =	sadd.s32 $0xC800, s5;
	(pc) =	sbr.rel @p0 .LBB2_22-.Ltmp10, $4  }
0x321: {  	[tilespmem:s0], [sflag:$0x3] =	stream.linear.gather [hbm4b:s2+s11], $0x80, $0x38;
	[tilespmem:$0x12600] =	vst v63  }
0x322: {  	s2 =	sadd.s32 s3, s31;
	s0 =	sadd.s32 $0xC900, s5;
	s18 =	sld [smem:s15+$0x0]  }
0x323: {  	[tilespmem:s7], [sflag:$0x3] =	stream.linear.gather [hbm4b:s2+s11], $0x80, $0x38;
	[tilespmem:$0x12600] =	vst v63  }
0x324: {  	s13 =	sadd.s32 $0x8, s13;
	s19 =	sadd.s32 s3, s20;
	s15 =	sadd.s32 $0x8, s15  }
0x325: {  	[tilespmem:s0], [sflag:$0x3] =	stream.linear.gather [hbm4b:s19+s11], $0x80, $0x38;
	[tilespmem:$0x12600] =	vst v63  }
0x326: {  	s18 =	sshll.u32 s18, $0x4  }
0x327: {  	s0 =	sand.u32 $0x1FFFFFF0, s18  }
0x328: {  	s0 =	sadd.s32 s3, s0  }
0x329: {  	[tilespmem:s16], [sflag:$0x3] =	stream.linear.gather [hbm4b:s0+s11], $0x80, $0x38;
	[tilespmem:$0x12600] =	vst v63  }
0x32a: {  	s0 =	sld [smem:$0x5C0];
	_ =	sdelay $0x2  }
0x32b: {  	s0 =	sshll.u32 s0, $0x4  }
0x32c: {  	s2 =	rddreg [dreg:$0x11];
	s0 =	sand.u32 $0x1FFFFFF0, s0  }
0x32d: {  	s2 =	sadd.s32 $0x0, s2;
	s0 =	sadd.s32 s3, s0  }
0x32e: {  	[hbm:s2], [sflag:s8] =	dma.local [hbm:s0], $0x10  }
0x32f: {  	s0 =	sld [smem:$0x5C1];
	_ =	sdelay $0x2  }
0x330: {  	s0 =	sshll.u32 s0, $0x4  }
0x331: {  	s19 =	sadd.s32 $0x0, s14;
	s0 =	sand.u32 $0x1FFFFFF0, s0  }
0x332: {  	s5 =	sadd.s32 $0x1C10, s19;
	s0 =	sadd.s32 s3, s0  }
0x333: {  	[hbm:s5], [sflag:s9] =	dma.local [hbm:s0], $0x10  }
0x334: {  	s0 =	sld [smem:$0x5C2];
	_ =	sdelay $0x2  }
0x335: {  	s0 =	sshll.u32 s0, $0x4  }
0x336: {  	s20 =	rddreg [dreg:$0x12];
	s0 =	sand.u32 $0x1FFFFFF0, s0  }
0x337: {  	s5 =	sadd.s32 $0x0, s20;
	s0 =	sadd.s32 s3, s0  }
0x338: {  	[hbm:s5], [sflag:s21] =	dma.local [hbm:s0], $0x10  }
0x339: {  	s0 =	sld [smem:$0x5C3];
	_ =	sdelay $0x2  }
0x33a: {  	s0 =	sshll.u32 s0, $0x4  }
0x33b: {  	s0 =	sand.u32 $0x1FFFFFF0, s0  }
0x33c: {  	s22 =	sadd.s32 $0x1C30, s19;
	s0 =	sadd.s32 s3, s0  }
0x33d: {  	[hbm:s22], [sflag:s23] =	dma.local [hbm:s0], $0x10  }
0x33e: {  	s0 =	sld [smem:$0x5C4];
	_ =	sdelay $0x2  }
0x33f: {  	s0 =	sshll.u32 s0, $0x4  }
0x340: {  	s26 =	rddreg [dreg:$0x13];
	s0 =	sand.u32 $0x1FFFFFF0, s0  }
0x341: {  	s5 =	sadd.s32 $0x0, s26;
	s0 =	sadd.s32 s3, s0  }
0x342: {  	[hbm:s5], [sflag:s8] =	dma.local [hbm:s0], $0x10  }
0x343: {  	s0 =	sld [smem:$0x5C5];
	_ =	sdelay $0x2  }
0x344: {  	s0 =	sshll.u32 s0, $0x4  }
0x345: {  	s0 =	sand.u32 $0x1FFFFFF0, s0  }
0x346: {  	s30 =	sadd.s32 $0x1C50, s19;
	s0 =	sadd.s32 s3, s0  }
0x347: {  	[hbm:s30], [sflag:s9] =	dma.local [hbm:s0], $0x10  }
0x348: {  	s0 =	sld [smem:$0x5C6];
	_ =	sdelay $0x2  }
0x349: {  	s0 =	sshll.u32 s0, $0x4  }
0x34a: {  	s31 =	rddreg [dreg:$0x14];
	s0 =	sand.u32 $0x1FFFFFF0, s0  }
0x34b: {  	s5 =	sadd.s32 $0x0, s31;
	s0 =	sadd.s32 s3, s0  }
0x34c: {  	[hbm:s5], [sflag:s21] =	dma.local [hbm:s0], $0x10  }
0x34d: {  	s0 =	sld [smem:$0x5C7];
	_ =	sdelay $0x2  }
0x34e: {  	s0 =	sshll.u32 s0, $0x4  }
0x34f: {  	s13 =	sadd.s32 $0x1C70, s19;
	s0 =	sand.u32 $0x1FFFFFF0, s0  }
0x350: {  	s11 =	simm.s32 $0x80;
	s26 =	simm.s32 $0x5CF;
	s0 =	sadd.s32 s3, s0  }
.LBB2_24:
0x351: {  	[hbm:s13], [sflag:s23] =	dma.local [hbm:s0], $0x10  }
0x352: {  	s0 =	sld [smem:s26+$0xFFFFFFF9];
	_ =	sdelay $0x2  }
0x353: {  	s0 =	sshll.u32 s0, $0x4  }
0x354: {  	s20 =	smov.u32 s11;
	s2 =	rddreg [dreg:$0x11];
	s0 =	sand.u32 $0x1FFFFFF0, s0  }
0x355: {  	s2 =	sadd.s32 s20, s2;
	s0 =	sadd.s32 s3, s0  }
0x356: {  	[hbm:s2], [sflag:s8] =	dma.local [hbm:s0], $0x10  }
0x357: {  	s0 =	sld [smem:s26+$0xFFFFFFFA];
	_ =	sdelay $0x2  }
0x358: {  	s0 =	sshll.u32 s0, $0x4  }
0x359: {  	s15 =	sadd.s32 s20, s14;
	s0 =	sand.u32 $0x1FFFFFF0, s0  }
0x35a: {  	s22 =	sadd.s32 $0x1C10, s15;
	s0 =	sadd.s32 s3, s0  }
0x35b: {  	[hbm:s22], [sflag:s9] =	dma.local [hbm:s0], $0x10  }
0x35c: {  	s0 =	sld [smem:s26+$0xFFFFFFFB];
	_ =	sdelay $0x2  }
0x35d: {  	s0 =	sshll.u32 s0, $0x4  }
0x35e: {  	s2 =	rddreg [dreg:$0x12];
	s0 =	sand.u32 $0x1FFFFFF0, s0  }
0x35f: {  	s2 =	sadd.s32 s20, s2;
	s0 =	sadd.s32 s3, s0  }
0x360: {  	[hbm:s2], [sflag:s21] =	dma.local [hbm:s0], $0x10  }
0x361: {  	s0 =	sld [smem:s26+$0xFFFFFFFC];
	_ =	sdelay $0x2  }
0x362: {  	s0 =	sshll.u32 s0, $0x4  }
0x363: {  	s0 =	sand.u32 $0x1FFFFFF0, s0  }
0x364: {  	s30 =	sadd.s32 $0x1C30, s15;
	s0 =	sadd.s32 s3, s0  }
0x365: {  	[hbm:s30], [sflag:s23] =	dma.local [hbm:s0], $0x10  }
0x366: {  	s0 =	sld [smem:s26+$0xFFFFFFFD];
	_ =	sdelay $0x2  }
0x367: {  	s0 =	sshll.u32 s0, $0x4  }
0x368: {  	s2 =	rddreg [dreg:$0x13];
	s0 =	sand.u32 $0x1FFFFFF0, s0  }
0x369: {  	s2 =	sadd.s32 s20, s2;
	s0 =	sadd.s32 s3, s0  }
0x36a: {  	[hbm:s2], [sflag:s8] =	dma.local [hbm:s0], $0x10  }
0x36b: {  	s0 =	sld [smem:s26+$0xFFFFFFFE];
	_ =	sdelay $0x2  }
0x36c: {  	s0 =	sshll.u32 s0, $0x4  }
0x36d: {  	s0 =	sand.u32 $0x1FFFFFF0, s0  }
0x36e: {  	s31 =	sadd.s32 $0x1C50, s15;
	s0 =	sadd.s32 s3, s0  }
0x36f: {  	[hbm:s31], [sflag:s9] =	dma.local [hbm:s0], $0x10  }
0x370: {  	s0 =	sld [smem:s26+$0xFFFFFFFF];
	_ =	sdelay $0x2  }
0x371: {  	s0 =	sshll.u32 s0, $0x4  }
0x372: {  	s2 =	rddreg [dreg:$0x14];
	s0 =	sand.u32 $0x1FFFFFF0, s0  }
0x373: {  	s2 =	sadd.s32 s20, s2;
	s0 =	sadd.s32 s3, s0  }
0x374: {  	[hbm:s2], [sflag:s21] =	dma.local [hbm:s0], $0x10  }
0x375: {  	p0 =	sne.s32 s11, $0x380;
	s0 =	sld [smem:s26+$0x0]  }
.Ltmp11:
0x376: {  	_ = 	snop;
	(pc) =	sbr.rel @p0 .LBB2_24-.Ltmp11, $4  }
0x377: {  	_ = 	snop  }
0x378: {  	s0 =	sshll.u32 s0, $0x4  }
0x379: {  	s11 =	sadd.s32 $0x80, s11;
	s0 =	sand.u32 $0x1FFFFFF0, s0  }
0x37a: {  	s13 =	sadd.s32 $0x1C70, s15;
	s26 =	sadd.s32 $0x8, s26;
	s0 =	sadd.s32 s3, s0  }
0x37b: {  	[hbm:s13], [sflag:s23] =	dma.local [hbm:s0], $0x10  }
0x37c: {  	s19 =	simm.s32 $0x2  }
0x37d: {  	_ =	swait.ge [sflag:s19], $0x6000  }
0x37e: {  	[sflag:s19] =	ssyncset.done $0x0  }
0x37f: {  	s20 =	simm.s32 $0x6600;
	[sflag:s19] =	ssyncadd.s32 $0xFFFFA000  }
0x380: {  	[hbm4b:s14+s1] =	stream.linear.scatter [tilespmem:s20], [sflag:$0x5], $0x6000, $0x38;
	[tilespmem:$0x12600] =	vst v63  }
0x381: {  	_ =	swait.ge [sflag:s25], $0x6000  }
0x382: {  	[sflag:s25] =	ssyncset.done $0x0  }
0x383: {  	s2 =	simm.s32 $0xC600;
	s21 =	rddreg [dreg:$0x1c];
	[sflag:s25] =	ssyncadd.s32 $0xFFFFA000  }
0x384: {  	[hbm4b:s21+s1] =	stream.linear.scatter [tilespmem:s2], [sflag:$0x6], $0x6000, $0x38;
	[tilespmem:$0x12600] =	vst v63  }
0x385: {  	_ =	swait.ge [sflag:s24], $0x6000  }
0x386: {  	[sflag:s24] =	ssyncset.done $0x0  }
0x387: {  	[sflag:s24] =	ssyncadd.s32 $0xFFFFA000  }
0x388: {  	_ =	swait.ge [sflag:s28], $0x6000  }
0x389: {  	[sflag:s28] =	ssyncset.done $0x0  }
0x38a: {  	[sflag:s28] =	ssyncadd.s32 $0xFFFFA000  }
0x38b: {  	_ =	swait.ge [sflag:s29], $0x6000  }
0x38c: {  	[sflag:s29] =	ssyncset.done $0x0  }
0x38d: {  	s22 =	simm.s32 $0x7;
	[sflag:s29] =	ssyncadd.s32 $0xFFFFA000  }
0x38e: {  	_ =	swait.ge [sflag:s22], $0x600  }
0x38f: {  	[sflag:s22] =	ssyncset.done $0x0  }
0x390: {  	s23 =	simm.s32 $0x8;
	[sflag:s22] =	ssyncadd.s32 $0xFFFFFA00  }
0x391: {  	_ =	swait.ge [sflag:s23], $0x600  }
0x392: {  	[sflag:s23] =	ssyncset.done $0x0  }
0x393: {  	s26 =	simm.s32 $0x9;
	[sflag:s23] =	ssyncadd.s32 $0xFFFFFA00  }
0x394: {  	_ =	swait.ge [sflag:s26], $0x600  }
0x395: {  	[sflag:s26] =	ssyncset.done $0x0  }
0x396: {  	s30 =	simm.s32 $0xA;
	[sflag:s26] =	ssyncadd.s32 $0xFFFFFA00  }
0x397: {  	_ =	swait.ge [sflag:s30], $0x600  }
0x398: {  	s6 =	sadd.s32 $0x1, s6;
	s31 =	rddreg [dreg:$0x1d]  }
0x399: {  	p0 =	sne.s32 s6, s31  }
.Ltmp12:
0x39a: {  	_ = 	snop;
	(pc) =	sbr.rel @p0 .LBB2_1-.Ltmp12, $3  }
0x39b: {  	_ =	sdelay $0x1  }
0x39c: {  	[sflag:s30] =	ssyncset.done $0x0  }
0x39d: {  	[sflag:s30] =	ssyncadd.s32 $0xFFFFFA00  }
0x39e: {  	_ =	sfence.sel $0x180000  }
0x39f: {  	[bflag:$0x0] =	sbarrier.arrive $0xFFFF  }
0x3a0: {  	_ =	strace $0x90000047  }
0x3a1: {  	s0 =	stileid.u32;
	[bflag:$0x2] =	sbarrier.arrive $0xFFFF  }
0x3a2: {  	p0 =	sne.s32 s0, $0x0;
	s0 =	rddreg [dreg:$0x5]  }
0x3a3: {  	s0 =	sadd.s32 @!p0 $0x100000, s0  }
0x3a4: {  	[sflag:s0] =	ssyncadd.tile.s32 @!p0 $0x1;
	_ =	shalt  }
.Lfunc_end2:
_tile_overlayer_lowered:
.L_overlay_start_2:
0x3a5: {  	(tag) =	ssettag $0x2  }
0x3a6: {  	s0 =	rddreg [dreg:$0x0];
	s2 =	stileid.u32  }
0x3a7: {  	s1 =	rddreg [dreg:$0x1];
	p0 =	sne.s32 s2, $0x0  }
0x3a8: {  	s3 =	rddreg [dreg:$0x2];
	[bflag:$0x3] =	sbarrier.arrive $0xFFFF;
	s2 =	simm.s32 @!p0 $0x1C0B  }
0x3a9: {  	[timem:s3], [sflag:s2] =	dma.local @!p0 [hbm:s0], s1  }
0x3aa: {  	s0 =	simm.s32 @!p0 $0xB  }
0x3ab: {  	_ =	swait.ge @!p0 [sflag:s0], s1  }
0x3ac: {  	s1 =	ssub.s32 @!p0 $0x0, s1;
	[sflag:s0] =	ssyncset.done @!p0 $0x0  }
0x3ad: {  	[sflag:s0] =	ssyncadd.s32 @!p0 s1  }
0x3ae: {  	[bflag:$0x3] =	sbarrier.arrive $0xFFFF  }
0x3af: {  	_ =	shalt  }

</sc_bundles>
